<compile_context>
chip_gen: v7x
topology: tpu7x:2x2x1
jax: 0.10.2.dev20260603
libtpu: 0.0.44.dev20260713+nightly
codegen_flags: <defaults>
</compile_context>

<pallas_src>
import functools

import numpy as np
import jax
import jax.numpy as jnp
from jax import lax
from jax.experimental import pallas as pl
from jax.experimental.pallas import tpu as pltpu
from jax.experimental.pallas import tpu_sc as plsc

_N = 10000
_E = 320000
_DIN = 16
_DOUT = 32

_NC = 2
_NS = 16
_NW = _NC * _NS

_CH = 2560
_NCHUNK = _E // _CH
_VR = _CH // 16

_BE = 12800



def _tdot(a, b):
    return lax.dot_general(a, b, (((0,), (0,)), ((), ())),
                           preferred_element_type=jnp.float32)


def _mlp_body(sh_t, fea_t, w1, b1, w2, b2, w3, b3, s_m, r_m, out):
    bf = jnp.bfloat16
    f_t = fea_t[...].astype(bf)
    h = jax.nn.silu(_tdot(w1[...].astype(bf), f_t) + b1[...])
    h = jax.nn.silu(_tdot(w2[...].astype(bf), h.astype(bf)) + b2[...])
    w_t = _tdot(w3[...].astype(bf), h.astype(bf)) + b3[...]
    shexp_t = _tdot(s_m[...].astype(bf), sh_t[...].astype(bf))
    wsh_t = w_t * shexp_t
    out[...] = _tdot(r_m[...], wsh_t)


def _edge_weights(sh_t, fea_t, w1, b1, w2, b2, w3, b3, s_m, r_m):
    full = lambda shape: pl.BlockSpec(shape, lambda i: (0, 0))
    return pl.pallas_call(
        _mlp_body,
        grid=(_E // _BE,),
        in_specs=[
            pl.BlockSpec((_DIN, _BE), lambda i: (0, i)),
            pl.BlockSpec((_DIN, _BE), lambda i: (0, i)),
            full((_DIN, 64)), full((64, 1)),
            full((64, 64)), full((64, 1)),
            full((64, 128)), full((128, 1)),
            full((_DIN, 128)), full((128, 8)),
        ],
        out_specs=pl.BlockSpec((8, _BE), lambda i: (0, i)),
        out_shape=jax.ShapeDtypeStruct((8, _E), jnp.float32),
        compiler_params=pltpu.CompilerParams(
            dimension_semantics=("arbitrary",)),
    )(sh_t, fea_t, w1, b1, w2, b2, w3, b3, s_m, r_m)


def _reduce_body(p, out):
    @pl.when(pl.program_id(0) == 0)
    def _():
        out[...] = jnp.zeros_like(out)
    out[...] = out[...] + p[0]


def _reduce_partials(parts):
    return pl.pallas_call(
        _reduce_body,
        grid=(_NW,),
        in_specs=[pl.BlockSpec((1, 8, _N), lambda i: (i, 0, 0))],
        out_specs=pl.BlockSpec((8, _N), lambda i: (0, 0)),
        out_shape=jax.ShapeDtypeStruct((8, _N), jnp.float32),
        compiler_params=pltpu.CompilerParams(
            dimension_semantics=("arbitrary",)),
    )(parts)


def _tp_body(nt, fea_t, a_m, b_m, w2_m, out):
    bf = jnp.bfloat16
    u1 = lax.dot_general(nt[...].astype(bf), a_m[...].astype(bf),
                         (((0,), (0,)), ((), ())),
                         preferred_element_type=jnp.float32)
    u2 = lax.dot_general(fea_t[...].astype(bf), b_m[...].astype(bf),
                         (((0,), (0,)), ((), ())),
                         preferred_element_type=jnp.float32)
    acc = jnp.dot((u1 * u2).astype(bf), w2_m[...].astype(bf),
                  preferred_element_type=jnp.float32)
    out[...] = acc * jax.nn.sigmoid(acc)


def _tensor_product(nt, fea_t, a_m, b_m, w2_m):
    return pl.pallas_call(
        _tp_body,
        grid=(_E // _BE,),
        in_specs=[
            pl.BlockSpec((8, _BE), lambda i: (0, i)),
            pl.BlockSpec((_DIN, _BE), lambda i: (0, i)),
            pl.BlockSpec((8, 128), lambda i: (0, 0)),
            pl.BlockSpec((_DIN, 128), lambda i: (0, 0)),
            pl.BlockSpec((128, _DOUT), lambda i: (0, 0)),
        ],
        out_specs=pl.BlockSpec((_BE, _DOUT), lambda i: (i, 0)),
        out_shape=jax.ShapeDtypeStruct((_E, _DOUT), jnp.float32),
        compiler_params=pltpu.CompilerParams(
            dimension_semantics=("arbitrary",)),
    )(nt, fea_t, a_m, b_m, w2_m)



def _sc_mesh():
    return plsc.VectorSubcoreMesh(core_axis_name="c", subcore_axis_name="s",
                                  num_cores=_NC, num_subcores=_NS)


@functools.lru_cache(None)
def _build_scatter_add():
    @functools.partial(
        pl.kernel,
        out_type=jax.ShapeDtypeStruct((_NW, 8, _N), jnp.float32),
        mesh=_sc_mesh(),
        scratch_types=[
            pltpu.VMEM((8, _N), jnp.float32),
            pltpu.VMEM((_CH,), jnp.int32),
            pltpu.VMEM((8, _CH), jnp.float32),
        ],
        compiler_params=pltpu.CompilerParams(needs_layout_passes=False),
    )
    def _scatter_add(idx_hbm, esn_hbm, part_hbm, acc_v, idx_v, esn_v):
        c = lax.axis_index("c")
        s = lax.axis_index("s")
        wid = s * _NC + c

        z16 = jnp.zeros((16,), jnp.float32)

        def _zero(i, carry):
            for u in range(5):
                for k in range(8):
                    acc_v[k, pl.ds((i * 5 + u) * 16, 16)] = z16
            return carry

        lax.fori_loop(0, _N // 80, _zero, 0)

        nchunk = lax.select(wid < _NW - 1, 4, _NCHUNK - 4 * (_NW - 1))

        def _chunk(o, carry):
            base = (wid * 4 + o) * _CH
            pltpu.sync_copy(idx_hbm.at[pl.ds(base, _CH)], idx_v)
            pltpu.sync_copy(esn_hbm.at[:, pl.ds(base, _CH)], esn_v)

            def _group(v, carry2):
                for u in range(4):
                    ii = idx_v[pl.ds((v * 4 + u) * 16, 16)]
                    for k in range(8):
                        vals = esn_v[k, pl.ds((v * 4 + u) * 16, 16)]
                        kv = jnp.full((16,), k, jnp.int32)
                        plsc.addupdate_scatter(acc_v, [kv, ii], vals)
                return carry2

            lax.fori_loop(0, _VR // 4, _group, 0)
            return carry

        lax.fori_loop(0, nchunk, _chunk, 0)
        pltpu.sync_copy(acc_v, part_hbm.at[wid])

    return _scatter_add


@functools.lru_cache(None)
def _build_gather():
    @functools.partial(
        pl.kernel,
        out_type=jax.ShapeDtypeStruct((8, _E), jnp.float32),
        mesh=_sc_mesh(),
        scratch_types=[
            pltpu.VMEM((8, _N), jnp.float32),
            pltpu.VMEM((_CH,), jnp.int32),
            pltpu.VMEM((_CH,), jnp.int32),
            pltpu.VMEM((8, _CH), jnp.float32),
        ],
        compiler_params=pltpu.CompilerParams(needs_layout_passes=False),
    )
    def _gather(nodes_hbm, idxi_hbm, idxj_hbm, nt_hbm, tbl_v, ii_v, jj_v, out_v):
        c = lax.axis_index("c")
        s = lax.axis_index("s")
        wid = s * _NC + c

        pltpu.sync_copy(nodes_hbm, tbl_v)

        nchunk = lax.select(wid < _NW - 1, 4, _NCHUNK - 4 * (_NW - 1))

        def _chunk(o, carry):
            base = (wid * 4 + o) * _CH
            pltpu.sync_copy(idxi_hbm.at[pl.ds(base, _CH)], ii_v)
            pltpu.sync_copy(idxj_hbm.at[pl.ds(base, _CH)], jj_v)

            def _group(v, carry2):
                for u in range(4):
                    sl = pl.ds((v * 4 + u) * 16, 16)
                    ii = ii_v[sl]
                    jj = jj_v[sl]
                    for k in range(4):
                        kv = jnp.full((16,), k, jnp.int32)
                        out_v[k, sl] = plsc.load_gather(tbl_v, [kv, ii])
                    for k in range(4, 8):
                        kv = jnp.full((16,), k, jnp.int32)
                        out_v[k, sl] = plsc.load_gather(tbl_v, [kv, jj])
                return carry2

            lax.fori_loop(0, _VR // 4, _group, 0)
            pltpu.sync_copy(out_v, nt_hbm.at[:, pl.ds(base, _CH)])
            return carry

        lax.fori_loop(0, nchunk, _chunk, 0)

    return _gather



def _selection_matrices():
    d = np.arange(16)
    s_m = np.zeros((16, 128), np.float32)
    r_m = np.zeros((128, 8), np.float32)
    inv = 1.0 / np.sqrt(16.0)
    for k in range(4):
        s_m[d, 4 * d + k] = 1.0
        s_m[d, 64 + 4 * d + k] = 1.0
        r_m[4 * d + k, k] = inv
        r_m[64 + 4 * d + k, 4 + k] = inv
    return jnp.asarray(s_m), jnp.asarray(r_m)


def kernel(edge_sh, edge_fea, edge_index, batch_edge,
           mlp_w1, mlp_b1, mlp_w2, mlp_b2, mlp_w3, mlp_b3, tp_w):
    s_m, r_m = _selection_matrices()
    tp_inv = 1.0 / np.sqrt(2.0 * 4.0 * 16.0)
    a_np = np.zeros((8, 128), np.float32)
    for i in range(8):
        a_np[i, 16 * i:16 * i + 16] = 1.0
    a_m = jnp.asarray(a_np)
    b_m = jnp.asarray(np.tile(np.eye(16, dtype=np.float32), (1, 8)))
    w2_m = tp_w.reshape(128, _DOUT) * tp_inv
    b1 = mlp_b1.reshape(64, 1)
    b2 = mlp_b2.reshape(64, 1)
    b3 = mlp_b3.reshape(128, 1)

    sh_t = edge_sh.T
    fea_t = edge_fea.T

    esn_t = _edge_weights(sh_t, fea_t, mlp_w1, b1, mlp_w2, b2,
                          mlp_w3, b3, s_m, r_m)

    idx_i = edge_index[0].astype(jnp.int32)
    idx_j = edge_index[1].astype(jnp.int32)

    parts = _build_scatter_add()(idx_i, esn_t)
    nodes = _reduce_partials(parts)
    nt = _build_gather()(nodes, idx_i, idx_j)

    return _tensor_product(nt, fea_t, a_m, b_m, w2_m)

# --- scband reference (transcript-rebuilt; emitter-appended) ---
"""Pipeline reference for scband-local-equi-conv-71356586656065 (READ-ONLY COPY).

The authoritative reference and input builder live on the scoring server;
editing this copy changes nothing except your own understanding.
"""

import jax, jax.numpy as jnp
import numpy as np

N_NODES = 10000
E = 320000
D_SH = 16
D_NB = 4
D_IN = 16
D_OUT = 32
WEIGHT_NUMEL = D_SH * D_NB


def setup_inputs(seed: int = 0):
    key = jax.random.key(seed)
    ks = jax.random.split(key, 10)
    edge_sh = jax.random.normal(ks[0], (E, D_SH), dtype=jnp.float32)
    edge_fea = jax.random.normal(ks[1], (E, D_IN), dtype=jnp.float32)
    edge_index = jax.random.randint(ks[2], (2, E), 0, N_NODES)
    batch_edge = jnp.zeros((E,), dtype=jnp.int32)
    mlp_w1 = jax.random.normal(ks[3], (D_IN, 64), dtype=jnp.float32) / np.sqrt(D_IN)
    mlp_b1 = jnp.zeros((64,), dtype=jnp.float32)
    mlp_w2 = jax.random.normal(ks[4], (64, 64), dtype=jnp.float32) / 8.0
    mlp_b2 = jnp.zeros((64,), dtype=jnp.float32)
    mlp_w3 = jax.random.normal(ks[5], (64, 2 * WEIGHT_NUMEL), dtype=jnp.float32) / 8.0
    mlp_b3 = jnp.zeros((2 * WEIGHT_NUMEL,), dtype=jnp.float32)
    tp_w = jax.random.normal(ks[6], (2 * D_NB, D_IN, D_OUT), dtype=jnp.float32)
    return {"edge_sh": edge_sh, "edge_fea": edge_fea, "edge_index": edge_index,
            "batch_edge": batch_edge, "mlp_w1": mlp_w1, "mlp_b1": mlp_b1,
            "mlp_w2": mlp_w2, "mlp_b2": mlp_b2, "mlp_w3": mlp_w3, "mlp_b3": mlp_b3,
            "tp_w": tp_w}


def reference(edge_sh, edge_fea, edge_index, batch_edge, mlp_w1, mlp_b1, mlp_w2, mlp_b2, mlp_w3, mlp_b3, tp_w):
    # Extract scalar (all irreps_in are 0e/tr=1 scalars -> identity extract)
    edge_fea_scalar = edge_fea
    # mlp producing per-edge external weights for the equivariant Linear (mix_neighbor)
    h = jax.nn.silu(edge_fea_scalar @ mlp_w1 + mlp_b1)
    h = jax.nn.silu(h @ mlp_w2 + mlp_b2)
    weight = h @ mlp_w3 + mlp_b3  # [E, 2*WEIGHT_NUMEL]
    index_i = edge_index[0]
    index_j = edge_index[1]
    wi = weight[:, :WEIGHT_NUMEL].reshape(-1, D_SH, D_NB)
    wj = weight[:, WEIGHT_NUMEL:].reshape(-1, D_SH, D_NB)
    inv = 1.0 / np.sqrt(D_SH)  # e3nn path normalization (fan_in)
    edge_sh_neighbor_i = jnp.einsum('ed,edk->ek', edge_sh, wi) * inv
    edge_sh_neighbor_j = jnp.einsum('ed,edk->ek', edge_sh, wj) * inv
    # scatter-add onto destination nodes (reduce='add', dim=0 over index_i)
    node_sh_neighbor_i = jax.ops.segment_sum(edge_sh_neighbor_i, index_i, num_segments=N_NODES)
    node_sh_neighbor_j = jax.ops.segment_sum(edge_sh_neighbor_j, index_i, num_segments=N_NODES)
    # gather back per edge and concat
    edge_sh_neighbor = jnp.concatenate([node_sh_neighbor_i[index_i], node_sh_neighbor_j[index_j]], axis=-1)  # [E, 2*D_NB]
    # TRSeparateWeightTensorProduct for scalar irreps = fully-connected bilinear map
    tp_inv = 1.0 / np.sqrt(2 * D_NB * D_IN)
    z = jnp.einsum('ei,ej,ijk->ek', edge_sh_neighbor, edge_fea, tp_w) * tp_inv
    # gate nonlinearity on scalar (tr=1) outputs = silu
    z = jax.nn.silu(z)
    return z

if __name__ == "__main__":
    import jax
    _d = setup_inputs()
    print(jax.jit(kernel)(*tuple(_d.values())))

</pallas_src>

<mosaic_0001>
#map = affine_map<(d0, d1) -> (0, 0)>
#map1 = affine_map<(d0, d1) -> (0)>
module attributes {stable_mosaic.version = 14 : i64} {
  func.func @_gather(%arg0: i32, %arg1: i32, %arg2: memref<8x10000xf32, #tpu.memory_space<hbm>>, %arg3: memref<320000xi32, #tpu.memory_space<hbm>>, %arg4: memref<320000xi32, #tpu.memory_space<hbm>>, %arg5: memref<8x320000xf32, #tpu.memory_space<hbm>>, %arg6: memref<8x10000xf32, #tpu.memory_space<vmem>>, %arg7: memref<2560xi32, #tpu.memory_space<vmem>>, %arg8: memref<2560xi32, #tpu.memory_space<vmem>>, %arg9: memref<8x2560xf32, #tpu.memory_space<vmem>>) attributes {dimension_semantics = [#tpu.dimension_semantics<core_parallel>, #tpu.dimension_semantics<subcore_parallel>], iteration_bounds = array<i64: 2, 16>, scalar_prefetch = 0 : i64, scratch_operands = 4 : i64, tpu.core_type = #tpu.core_type<sc_vector_subcore>, window_params = [{transform_indices = #map}, {transform_indices = #map1}, {transform_indices = #map1}, {transform_indices = #map}]} {
    %mul3A = arith.constant 2 : i32
    %mul3A_0 = arith.muli %arg1, %mul3A : i32
    %add3A = arith.addi %mul3A_0, %arg0 : i32
    "tpu.region"() ({
      %run_scoped3A = tpu.sem_alloc : memref<!tpu.dma_semaphore, #tpu.memory_space<semaphore_mem>>
      tpu.enqueue_dma source(%arg2 : memref<8x10000xf32, #tpu.memory_space<hbm>>) target(%arg6 : memref<8x10000xf32, #tpu.memory_space<vmem>>) target_semaphore(%run_scoped3A : memref<!tpu.dma_semaphore, #tpu.memory_space<semaphore_mem>>)
      tpu.wait_dma2 semaphore(%run_scoped3A : memref<!tpu.dma_semaphore, #tpu.memory_space<semaphore_mem>>) src(%arg2 : memref<8x10000xf32, #tpu.memory_space<hbm>>) dst(%arg6 : memref<8x10000xf32, #tpu.memory_space<vmem>>)
      tpu.yield
    }) : () -> ()
    %lt3A = arith.constant 31 : i32
    %lt3A_1 = arith.cmpi slt, %add3A, %lt3A : i32
    %select_n3A = arith.constant 1 : i32
    %select_n3A_2 = arith.constant 4 : i32
    %select_n3A_3 = arith.select %lt3A_1, %select_n3A_2, %select_n3A : i32
    %while3A = arith.constant 0 : i32
    %while3A_4 = arith.constant 0 : i32
    %while3A_5 = arith.subi %select_n3A_3, %while3A_4 : i32
    %while3A_6 = arith.addi %while3A_4, %while3A_5 : i32
    %while3A_7 = arith.constant 1 : i32
    %while3A_8 = arith.divsi %while3A_5, %while3A_7 : i32
    %while3A_9 = arith.muli %while3A_8, %while3A_7 : i32
    %while3A_10 = arith.addi %while3A_4, %while3A_9 : i32
    %while3A_11 = arith.constant 1 : i32
    scf.for %while3A_13 = %while3A_4 to %while3A_10 step %while3A_11  : i32 {
      %mul3A_14 = arith.constant 4 : i32
      %mul3A_15 = arith.muli %add3A, %mul3A_14 : i32
      %add3A_16 = arith.addi %mul3A_15, %while3A_13 : i32
      %mul3A_17 = arith.constant 2560 : i32
      %mul3A_18 = arith.muli %add3A_16, %mul3A_17 : i32
      "tpu.region"() ({
        %run_scoped3A = tpu.sem_alloc : memref<!tpu.dma_semaphore, #tpu.memory_space<semaphore_mem>>
        %dma_start3A = tpu.memref_slice %arg3[%mul3A_18] : memref<320000xi32, #tpu.memory_space<hbm>> -> memref<2560xi32, #tpu.memory_space<hbm>>
        %dma_start3A_24 = tpu.memref_slice %arg3[%mul3A_18] : memref<320000xi32, #tpu.memory_space<hbm>> -> memref<2560xi32, #tpu.memory_space<hbm>>
        tpu.enqueue_dma source(%dma_start3A_24 : memref<2560xi32, #tpu.memory_space<hbm>>) target(%arg7 : memref<2560xi32, #tpu.memory_space<vmem>>) target_semaphore(%run_scoped3A : memref<!tpu.dma_semaphore, #tpu.memory_space<semaphore_mem>>)
        %dma_wait3A = tpu.memref_slice %arg3[%mul3A_18] : memref<320000xi32, #tpu.memory_space<hbm>> -> memref<2560xi32, #tpu.memory_space<hbm>>
        %dma_wait3A_25 = tpu.memref_slice %arg3[%mul3A_18] : memref<320000xi32, #tpu.memory_space<hbm>> -> memref<2560xi32, #tpu.memory_space<hbm>>
        tpu.wait_dma2 semaphore(%run_scoped3A : memref<!tpu.dma_semaphore, #tpu.memory_space<semaphore_mem>>) src(%dma_wait3A_25 : memref<2560xi32, #tpu.memory_space<hbm>>) dst(%arg7 : memref<2560xi32, #tpu.memory_space<vmem>>)
        tpu.yield
      }) : () -> ()
      "tpu.region"() ({
        %run_scoped3A = tpu.sem_alloc : memref<!tpu.dma_semaphore, #tpu.memory_space<semaphore_mem>>
        %dma_start3A = tpu.memref_slice %arg4[%mul3A_18] : memref<320000xi32, #tpu.memory_space<hbm>> -> memref<2560xi32, #tpu.memory_space<hbm>>
        %dma_start3A_24 = tpu.memref_slice %arg4[%mul3A_18] : memref<320000xi32, #tpu.memory_space<hbm>> -> memref<2560xi32, #tpu.memory_space<hbm>>
        tpu.enqueue_dma source(%dma_start3A_24 : memref<2560xi32, #tpu.memory_space<hbm>>) target(%arg8 : memref<2560xi32, #tpu.memory_space<vmem>>) target_semaphore(%run_scoped3A : memref<!tpu.dma_semaphore, #tpu.memory_space<semaphore_mem>>)
        %dma_wait3A = tpu.memref_slice %arg4[%mul3A_18] : memref<320000xi32, #tpu.memory_space<hbm>> -> memref<2560xi32, #tpu.memory_space<hbm>>
        %dma_wait3A_25 = tpu.memref_slice %arg4[%mul3A_18] : memref<320000xi32, #tpu.memory_space<hbm>> -> memref<2560xi32, #tpu.memory_space<hbm>>
        tpu.wait_dma2 semaphore(%run_scoped3A : memref<!tpu.dma_semaphore, #tpu.memory_space<semaphore_mem>>) src(%dma_wait3A_25 : memref<2560xi32, #tpu.memory_space<hbm>>) dst(%arg8 : memref<2560xi32, #tpu.memory_space<vmem>>)
        tpu.yield
      }) : () -> ()
      %scan3A = arith.constant 0 : i32
      %scan3A_19 = arith.constant 0 : i32
      %scan3A_20 = arith.constant 40 : i32
      %scan3A_21 = arith.addi %scan3A_19, %scan3A_20 : i32
      %scan3A_22 = arith.constant 1 : i32
      scf.for %scan3A_24 = %scan3A_19 to %scan3A_21 step %scan3A_22  : i32 {
        %mul3A_25 = arith.constant 4 : i32
        %mul3A_26 = arith.muli %scan3A_24, %mul3A_25 : i32
        %add3A_27 = arith.constant 0 : i32
        %add3A_28 = arith.addi %mul3A_26, %add3A_27 : i32
        %mul3A_29 = arith.constant 16 : i32
        %mul3A_30 = arith.muli %add3A_28, %mul3A_29 : i32
        %get3A = arith.index_cast %mul3A_30 : i32 to index
        %get3A_31 = tpu.vector_load %arg7[%get3A] {strides = array<i32>} : memref<2560xi32, #tpu.memory_space<vmem>>, vector<16xi32>,
        %get3A_32 = arith.index_cast %mul3A_30 : i32 to index
        %get3A_33 = tpu.vector_load %arg8[%get3A_32] {strides = array<i32>} : memref<2560xi32, #tpu.memory_space<vmem>>, vector<16xi32>,
        %broadcast_in_dim3A = arith.constant 0 : i32
        %broadcast_in_dim3A_34 = vector.broadcast %broadcast_in_dim3A : i32 to vector<16xi32>
        %gather3A = tpu.vector_load_idx %arg6[%broadcast_in_dim3A_34, %get3A_31] : memref<8x10000xf32, #tpu.memory_space<vmem>>[vector<16xi32>, vector<16xi32>], vector<16xf32>,
        %swap3A = arith.constant 0 : i32
        %swap3A_35 = arith.index_cast %swap3A : i32 to index
        %swap3A_36 = arith.index_cast %mul3A_30 : i32 to index
        %swap3A_37 = tpu.vector_load %arg9[%swap3A_35, %swap3A_36] {strides = array<i32>} : memref<8x2560xf32, #tpu.memory_space<vmem>>, vector<16xf32>,
        tpu.vector_store %arg9[%swap3A_35, %swap3A_36], %gather3A {strides = array<i32>} : memref<8x2560xf32, #tpu.memory_space<vmem>>, vector<16xf32>,
        %broadcast_in_dim3A_38 = arith.constant 1 : i32
        %broadcast_in_dim3A_39 = vector.broadcast %broadcast_in_dim3A_38 : i32 to vector<16xi32>
        %gather3A_40 = tpu.vector_load_idx %arg6[%broadcast_in_dim3A_39, %get3A_31] : memref<8x10000xf32, #tpu.memory_space<vmem>>[vector<16xi32>, vector<16xi32>], vector<16xf32>,
        %swap3A_41 = arith.constant 1 : i32
        %swap3A_42 = arith.index_cast %swap3A_41 : i32 to index
        %swap3A_43 = arith.index_cast %mul3A_30 : i32 to index
        %swap3A_44 = tpu.vector_load %arg9[%swap3A_42, %swap3A_43] {strides = array<i32>} : memref<8x2560xf32, #tpu.memory_space<vmem>>, vector<16xf32>,
        tpu.vector_store %arg9[%swap3A_42, %swap3A_43], %gather3A_40 {strides = array<i32>} : memref<8x2560xf32, #tpu.memory_space<vmem>>, vector<16xf32>,
        %broadcast_in_dim3A_45 = arith.constant 2 : i32
        %broadcast_in_dim3A_46 = vector.broadcast %broadcast_in_dim3A_45 : i32 to vector<16xi32>
        %gather3A_47 = tpu.vector_load_idx %arg6[%broadcast_in_dim3A_46, %get3A_31] : memref<8x10000xf32, #tpu.memory_space<vmem>>[vector<16xi32>, vector<16xi32>], vector<16xf32>,
        %swap3A_48 = arith.constant 2 : i32
        %swap3A_49 = arith.index_cast %swap3A_48 : i32 to index
        %swap3A_50 = arith.index_cast %mul3A_30 : i32 to index
        %swap3A_51 = tpu.vector_load %arg9[%swap3A_49, %swap3A_50] {strides = array<i32>} : memref<8x2560xf32, #tpu.memory_space<vmem>>, vector<16xf32>,
        tpu.vector_store %arg9[%swap3A_49, %swap3A_50], %gather3A_47 {strides = array<i32>} : memref<8x2560xf32, #tpu.memory_space<vmem>>, vector<16xf32>,
        %broadcast_in_dim3A_52 = arith.constant 3 : i32
        %broadcast_in_dim3A_53 = vector.broadcast %broadcast_in_dim3A_52 : i32 to vector<16xi32>
        %gather3A_54 = tpu.vector_load_idx %arg6[%broadcast_in_dim3A_53, %get3A_31] : memref<8x10000xf32, #tpu.memory_space<vmem>>[vector<16xi32>, vector<16xi32>], vector<16xf32>,
        %swap3A_55 = arith.constant 3 : i32
        %swap3A_56 = arith.index_cast %swap3A_55 : i32 to index
        %swap3A_57 = arith.index_cast %mul3A_30 : i32 to index
        %swap3A_58 = tpu.vector_load %arg9[%swap3A_56, %swap3A_57] {strides = array<i32>} : memref<8x2560xf32, #tpu.memory_space<vmem>>, vector<16xf32>,
        tpu.vector_store %arg9[%swap3A_56, %swap3A_57], %gather3A_54 {strides = array<i32>} : memref<8x2560xf32, #tpu.memory_space<vmem>>, vector<16xf32>,
        %broadcast_in_dim3A_59 = arith.constant 4 : i32
        %broadcast_in_dim3A_60 = vector.broadcast %broadcast_in_dim3A_59 : i32 to vector<16xi32>
        %gather3A_61 = tpu.vector_load_idx %arg6[%broadcast_in_dim3A_60, %get3A_33] : memref<8x10000xf32, #tpu.memory_space<vmem>>[vector<16xi32>, vector<16xi32>], vector<16xf32>,
        %swap3A_62 = arith.constant 4 : i32
        %swap3A_63 = arith.index_cast %swap3A_62 : i32 to index
        %swap3A_64 = arith.index_cast %mul3A_30 : i32 to index
        %swap3A_65 = tpu.vector_load %arg9[%swap3A_63, %swap3A_64] {strides = array<i32>} : memref<8x2560xf32, #tpu.memory_space<vmem>>, vector<16xf32>,
        tpu.vector_store %arg9[%swap3A_63, %swap3A_64], %gather3A_61 {strides = array<i32>} : memref<8x2560xf32, #tpu.memory_space<vmem>>, vector<16xf32>,
        %broadcast_in_dim3A_66 = arith.constant 5 : i32
        %broadcast_in_dim3A_67 = vector.broadcast %broadcast_in_dim3A_66 : i32 to vector<16xi32>
        %gather3A_68 = tpu.vector_load_idx %arg6[%broadcast_in_dim3A_67, %get3A_33] : memref<8x10000xf32, #tpu.memory_space<vmem>>[vector<16xi32>, vector<16xi32>], vector<16xf32>,
        %swap3A_69 = arith.constant 5 : i32
        %swap3A_70 = arith.index_cast %swap3A_69 : i32 to index
        %swap3A_71 = arith.index_cast %mul3A_30 : i32 to index
        %swap3A_72 = tpu.vector_load %arg9[%swap3A_70, %swap3A_71] {strides = array<i32>} : memref<8x2560xf32, #tpu.memory_space<vmem>>, vector<16xf32>,
        tpu.vector_store %arg9[%swap3A_70, %swap3A_71], %gather3A_68 {strides = array<i32>} : memref<8x2560xf32, #tpu.memory_space<vmem>>, vector<16xf32>,
        %broadcast_in_dim3A_73 = arith.constant 6 : i32
        %broadcast_in_dim3A_74 = vector.broadcast %broadcast_in_dim3A_73 : i32 to vector<16xi32>
        %gather3A_75 = tpu.vector_load_idx %arg6[%broadcast_in_dim3A_74, %get3A_33] : memref<8x10000xf32, #tpu.memory_space<vmem>>[vector<16xi32>, vector<16xi32>], vector<16xf32>,
        %swap3A_76 = arith.constant 6 : i32
        %swap3A_77 = arith.index_cast %swap3A_76 : i32 to index
        %swap3A_78 = arith.index_cast %mul3A_30 : i32 to index
        %swap3A_79 = tpu.vector_load %arg9[%swap3A_77, %swap3A_78] {strides = array<i32>} : memref<8x2560xf32, #tpu.memory_space<vmem>>, vector<16xf32>,
        tpu.vector_store %arg9[%swap3A_77, %swap3A_78], %gather3A_75 {strides = array<i32>} : memref<8x2560xf32, #tpu.memory_space<vmem>>, vector<16xf32>,
        %broadcast_in_dim3A_80 = arith.constant 7 : i32
        %broadcast_in_dim3A_81 = vector.broadcast %broadcast_in_dim3A_80 : i32 to vector<16xi32>
        %gather3A_82 = tpu.vector_load_idx %arg6[%broadcast_in_dim3A_81, %get3A_33] : memref<8x10000xf32, #tpu.memory_space<vmem>>[vector<16xi32>, vector<16xi32>], vector<16xf32>,
        %swap3A_83 = arith.constant 7 : i32
        %swap3A_84 = arith.index_cast %swap3A_83 : i32 to index
        %swap3A_85 = arith.index_cast %mul3A_30 : i32 to index
        %swap3A_86 = tpu.vector_load %arg9[%swap3A_84, %swap3A_85] {strides = array<i32>} : memref<8x2560xf32, #tpu.memory_space<vmem>>, vector<16xf32>,
        tpu.vector_store %arg9[%swap3A_84, %swap3A_85], %gather3A_82 {strides = array<i32>} : memref<8x2560xf32, #tpu.memory_space<vmem>>, vector<16xf32>,
        %mul3A_87 = arith.constant 4 : i32
        %mul3A_88 = arith.muli %scan3A_24, %mul3A_87 : i32
        %add3A_89 = arith.constant 1 : i32
        %add3A_90 = arith.addi %mul3A_88, %add3A_89 : i32
        %mul3A_91 = arith.constant 16 : i32
        %mul3A_92 = arith.muli %add3A_90, %mul3A_91 : i32
        %get3A_93 = arith.index_cast %mul3A_92 : i32 to index
        %get3A_94 = tpu.vector_load %arg7[%get3A_93] {strides = array<i32>} : memref<2560xi32, #tpu.memory_space<vmem>>, vector<16xi32>,
        %get3A_95 = arith.index_cast %mul3A_92 : i32 to index
        %get3A_96 = tpu.vector_load %arg8[%get3A_95] {strides = array<i32>} : memref<2560xi32, #tpu.memory_space<vmem>>, vector<16xi32>,
        %broadcast_in_dim3A_97 = arith.constant 0 : i32
        %broadcast_in_dim3A_98 = vector.broadcast %broadcast_in_dim3A_97 : i32 to vector<16xi32>
        %gather3A_99 = tpu.vector_load_idx %arg6[%broadcast_in_dim3A_98, %get3A_94] : memref<8x10000xf32, #tpu.memory_space<vmem>>[vector<16xi32>, vector<16xi32>], vector<16xf32>,
        %swap3A_100 = arith.constant 0 : i32
        %swap3A_101 = arith.index_cast %swap3A_100 : i32 to index
        %swap3A_102 = arith.index_cast %mul3A_92 : i32 to index
        %swap3A_103 = tpu.vector_load %arg9[%swap3A_101, %swap3A_102] {strides = array<i32>} : memref<8x2560xf32, #tpu.memory_space<vmem>>, vector<16xf32>,
        tpu.vector_store %arg9[%swap3A_101, %swap3A_102], %gather3A_99 {strides = array<i32>} : memref<8x2560xf32, #tpu.memory_space<vmem>>, vector<16xf32>,
        %broadcast_in_dim3A_104 = arith.constant 1 : i32
        %broadcast_in_dim3A_105 = vector.broadcast %broadcast_in_dim3A_104 : i32 to vector<16xi32>
        %gather3A_106 = tpu.vector_load_idx %arg6[%broadcast_in_dim3A_105, %get3A_94] : memref<8x10000xf32, #tpu.memory_space<vmem>>[vector<16xi32>, vector<16xi32>], vector<16xf32>,
        %swap3A_107 = arith.constant 1 : i32
        %swap3A_108 = arith.index_cast %swap3A_107 : i32 to index
        %swap3A_109 = arith.index_cast %mul3A_92 : i32 to index
        %swap3A_110 = tpu.vector_load %arg9[%swap3A_108, %swap3A_109] {strides = array<i32>} : memref<8x2560xf32, #tpu.memory_space<vmem>>, vector<16xf32>,
        tpu.vector_store %arg9[%swap3A_108, %swap3A_109], %gather3A_106 {strides = array<i32>} : memref<8x2560xf32, #tpu.memory_space<vmem>>, vector<16xf32>,
        %broadcast_in_dim3A_111 = arith.constant 2 : i32
        %broadcast_in_dim3A_112 = vector.broadcast %broadcast_in_dim3A_111 : i32 to vector<16xi32>
        %gather3A_113 = tpu.vector_load_idx %arg6[%broadcast_in_dim3A_112, %get3A_94] : memref<8x10000xf32, #tpu.memory_space<vmem>>[vector<16xi32>, vector<16xi32>], vector<16xf32>,
        %swap3A_114 = arith.constant 2 : i32
        %swap3A_115 = arith.index_cast %swap3A_114 : i32 to index
        %swap3A_116 = arith.index_cast %mul3A_92 : i32 to index
        %swap3A_117 = tpu.vector_load %arg9[%swap3A_115, %swap3A_116] {strides = array<i32>} : memref<8x2560xf32, #tpu.memory_space<vmem>>, vector<16xf32>,
        tpu.vector_store %arg9[%swap3A_115, %swap3A_116], %gather3A_113 {strides = array<i32>} : memref<8x2560xf32, #tpu.memory_space<vmem>>, vector<16xf32>,
        %broadcast_in_dim3A_118 = arith.constant 3 : i32
        %broadcast_in_dim3A_119 = vector.broadcast %broadcast_in_dim3A_118 : i32 to vector<16xi32>
        %gather3A_120 = tpu.vector_load_idx %arg6[%broadcast_in_dim3A_119, %get3A_94] : memref<8x10000xf32, #tpu.memory_space<vmem>>[vector<16xi32>, vector<16xi32>], vector<16xf32>,
        %swap3A_121 = arith.constant 3 : i32
        %swap3A_122 = arith.index_cast %swap3A_121 : i32 to index
        %swap3A_123 = arith.index_cast %mul3A_92 : i32 to index
        %swap3A_124 = tpu.vector_load %arg9[%swap3A_122, %swap3A_123] {strides = array<i32>} : memref<8x2560xf32, #tpu.memory_space<vmem>>, vector<16xf32>,
        tpu.vector_store %arg9[%swap3A_122, %swap3A_123], %gather3A_120 {strides = array<i32>} : memref<8x2560xf32, #tpu.memory_space<vmem>>, vector<16xf32>,
        %broadcast_in_dim3A_125 = arith.constant 4 : i32
        %broadcast_in_dim3A_126 = vector.broadcast %broadcast_in_dim3A_125 : i32 to vector<16xi32>
        %gather3A_127 = tpu.vector_load_idx %arg6[%broadcast_in_dim3A_126, %get3A_96] : memref<8x10000xf32, #tpu.memory_space<vmem>>[vector<16xi32>, vector<16xi32>], vector<16xf32>,
        %swap3A_128 = arith.constant 4 : i32
        %swap3A_129 = arith.index_cast %swap3A_128 : i32 to index
        %swap3A_130 = arith.index_cast %mul3A_92 : i32 to index
        %swap3A_131 = tpu.vector_load %arg9[%swap3A_129, %swap3A_130] {strides = array<i32>} : memref<8x2560xf32, #tpu.memory_space<vmem>>, vector<16xf32>,
        tpu.vector_store %arg9[%swap3A_129, %swap3A_130], %gather3A_127 {strides = array<i32>} : memref<8x2560xf32, #tpu.memory_space<vmem>>, vector<16xf32>,
        %broadcast_in_dim3A_132 = arith.constant 5 : i32
        %broadcast_in_dim3A_133 = vector.broadcast %broadcast_in_dim3A_132 : i32 to vector<16xi32>
        %gather3A_134 = tpu.vector_load_idx %arg6[%broadcast_in_dim3A_133, %get3A_96] : memref<8x10000xf32, #tpu.memory_space<vmem>>[vector<16xi32>, vector<16xi32>], vector<16xf32>,
        %swap3A_135 = arith.constant 5 : i32
        %swap3A_136 = arith.index_cast %swap3A_135 : i32 to index
        %swap3A_137 = arith.index_cast %mul3A_92 : i32 to index
        %swap3A_138 = tpu.vector_load %arg9[%swap3A_136, %swap3A_137] {strides = array<i32>} : memref<8x2560xf32, #tpu.memory_space<vmem>>, vector<16xf32>,
        tpu.vector_store %arg9[%swap3A_136, %swap3A_137], %gather3A_134 {strides = array<i32>} : memref<8x2560xf32, #tpu.memory_space<vmem>>, vector<16xf32>,
        %broadcast_in_dim3A_139 = arith.constant 6 : i32
        %broadcast_in_dim3A_140 = vector.broadcast %broadcast_in_dim3A_139 : i32 to vector<16xi32>
        %gather3A_141 = tpu.vector_load_idx %arg6[%broadcast_in_dim3A_140, %get3A_96] : memref<8x10000xf32, #tpu.memory_space<vmem>>[vector<16xi32>, vector<16xi32>], vector<16xf32>,
        %swap3A_142 = arith.constant 6 : i32
        %swap3A_143 = arith.index_cast %swap3A_142 : i32 to index
        %swap3A_144 = arith.index_cast %mul3A_92 : i32 to index
        %swap3A_145 = tpu.vector_load %arg9[%swap3A_143, %swap3A_144] {strides = array<i32>} : memref<8x2560xf32, #tpu.memory_space<vmem>>, vector<16xf32>,
        tpu.vector_store %arg9[%swap3A_143, %swap3A_144], %gather3A_141 {strides = array<i32>} : memref<8x2560xf32, #tpu.memory_space<vmem>>, vector<16xf32>,
        %broadcast_in_dim3A_146 = arith.constant 7 : i32
        %broadcast_in_dim3A_147 = vector.broadcast %broadcast_in_dim3A_146 : i32 to vector<16xi32>
        %gather3A_148 = tpu.vector_load_idx %arg6[%broadcast_in_dim3A_147, %get3A_96] : memref<8x10000xf32, #tpu.memory_space<vmem>>[vector<16xi32>, vector<16xi32>], vector<16xf32>,
        %swap3A_149 = arith.constant 7 : i32
        %swap3A_150 = arith.index_cast %swap3A_149 : i32 to index
        %swap3A_151 = arith.index_cast %mul3A_92 : i32 to index
        %swap3A_152 = tpu.vector_load %arg9[%swap3A_150, %swap3A_151] {strides = array<i32>} : memref<8x2560xf32, #tpu.memory_space<vmem>>, vector<16xf32>,
        tpu.vector_store %arg9[%swap3A_150, %swap3A_151], %gather3A_148 {strides = array<i32>} : memref<8x2560xf32, #tpu.memory_space<vmem>>, vector<16xf32>,
        %mul3A_153 = arith.constant 4 : i32
        %mul3A_154 = arith.muli %scan3A_24, %mul3A_153 : i32
        %add3A_155 = arith.constant 2 : i32
        %add3A_156 = arith.addi %mul3A_154, %add3A_155 : i32
        %mul3A_157 = arith.constant 16 : i32
        %mul3A_158 = arith.muli %add3A_156, %mul3A_157 : i32
        %get3A_159 = arith.index_cast %mul3A_158 : i32 to index
        %get3A_160 = tpu.vector_load %arg7[%get3A_159] {strides = array<i32>} : memref<2560xi32, #tpu.memory_space<vmem>>, vector<16xi32>,
        %get3A_161 = arith.index_cast %mul3A_158 : i32 to index
        %get3A_162 = tpu.vector_load %arg8[%get3A_161] {strides = array<i32>} : memref<2560xi32, #tpu.memory_space<vmem>>, vector<16xi32>,
        %broadcast_in_dim3A_163 = arith.constant 0 : i32
        %broadcast_in_dim3A_164 = vector.broadcast %broadcast_in_dim3A_163 : i32 to vector<16xi32>
        %gather3A_165 = tpu.vector_load_idx %arg6[%broadcast_in_dim3A_164, %get3A_160] : memref<8x10000xf32, #tpu.memory_space<vmem>>[vector<16xi32>, vector<16xi32>], vector<16xf32>,
        %swap3A_166 = arith.constant 0 : i32
        %swap3A_167 = arith.index_cast %swap3A_166 : i32 to index
        %swap3A_168 = arith.index_cast %mul3A_158 : i32 to index
        %swap3A_169 = tpu.vector_load %arg9[%swap3A_167, %swap3A_168] {strides = array<i32>} : memref<8x2560xf32, #tpu.memory_space<vmem>>, vector<16xf32>,
        tpu.vector_store %arg9[%swap3A_167, %swap3A_168], %gather3A_165 {strides = array<i32>} : memref<8x2560xf32, #tpu.memory_space<vmem>>, vector<16xf32>,
        %broadcast_in_dim3A_170 = arith.constant 1 : i32
        %broadcast_in_dim3A_171 = vector.broadcast %broadcast_in_dim3A_170 : i32 to vector<16xi32>
        %gather3A_172 = tpu.vector_load_idx %arg6[%broadcast_in_dim3A_171, %get3A_160] : memref<8x10000xf32, #tpu.memory_space<vmem>>[vector<16xi32>, vector<16xi32>], vector<16xf32>,
        %swap3A_173 = arith.constant 1 : i32
        %swap3A_174 = arith.index_cast %swap3A_173 : i32 to index
        %swap3A_175 = arith.index_cast %mul3A_158 : i32 to index
        %swap3A_176 = tpu.vector_load %arg9[%swap3A_174, %swap3A_175] {strides = array<i32>} : memref<8x2560xf32, #tpu.memory_space<vmem>>, vector<16xf32>,
        tpu.vector_store %arg9[%swap3A_174, %swap3A_175], %gather3A_172 {strides = array<i32>} : memref<8x2560xf32, #tpu.memory_space<vmem>>, vector<16xf32>,
        %broadcast_in_dim3A_177 = arith.constant 2 : i32
        %broadcast_in_dim3A_178 = vector.broadcast %broadcast_in_dim3A_177 : i32 to vector<16xi32>
        %gather3A_179 = tpu.vector_load_idx %arg6[%broadcast_in_dim3A_178, %get3A_160] : memref<8x10000xf32, #tpu.memory_space<vmem>>[vector<16xi32>, vector<16xi32>], vector<16xf32>,
        %swap3A_180 = arith.constant 2 : i32
        %swap3A_181 = arith.index_cast %swap3A_180 : i32 to index
        %swap3A_182 = arith.index_cast %mul3A_158 : i32 to index
        %swap3A_183 = tpu.vector_load %arg9[%swap3A_181, %swap3A_182] {strides = array<i32>} : memref<8x2560xf32, #tpu.memory_space<vmem>>, vector<16xf32>,
        tpu.vector_store %arg9[%swap3A_181, %swap3A_182], %gather3A_179 {strides = array<i32>} : memref<8x2560xf32, #tpu.memory_space<vmem>>, vector<16xf32>,
        %broadcast_in_dim3A_184 = arith.constant 3 : i32
        %broadcast_in_dim3A_185 = vector.broadcast %broadcast_in_dim3A_184 : i32 to vector<16xi32>
        %gather3A_186 = tpu.vector_load_idx %arg6[%broadcast_in_dim3A_185, %get3A_160] : memref<8x10000xf32, #tpu.memory_space<vmem>>[vector<16xi32>, vector<16xi32>], vector<16xf32>,
        %swap3A_187 = arith.constant 3 : i32
        %swap3A_188 = arith.index_cast %swap3A_187 : i32 to index
        %swap3A_189 = arith.index_cast %mul3A_158 : i32 to index
        %swap3A_190 = tpu.vector_load %arg9[%swap3A_188, %swap3A_189] {strides = array<i32>} : memref<8x2560xf32, #tpu.memory_space<vmem>>, vector<16xf32>,
        tpu.vector_store %arg9[%swap3A_188, %swap3A_189], %gather3A_186 {strides = array<i32>} : memref<8x2560xf32, #tpu.memory_space<vmem>>, vector<16xf32>,
        %broadcast_in_dim3A_191 = arith.constant 4 : i32
        %broadcast_in_dim3A_192 = vector.broadcast %broadcast_in_dim3A_191 : i32 to vector<16xi32>
        %gather3A_193 = tpu.vector_load_idx %arg6[%broadcast_in_dim3A_192, %get3A_162] : memref<8x10000xf32, #tpu.memory_space<vmem>>[vector<16xi32>, vector<16xi32>], vector<16xf32>,
        %swap3A_194 = arith.constant 4 : i32
        %swap3A_195 = arith.index_cast %swap3A_194 : i32 to index
        %swap3A_196 = arith.index_cast %mul3A_158 : i32 to index
        %swap3A_197 = tpu.vector_load %arg9[%swap3A_195, %swap3A_196] {strides = array<i32>} : memref<8x2560xf32, #tpu.memory_space<vmem>>, vector<16xf32>,
        tpu.vector_store %arg9[%swap3A_195, %swap3A_196], %gather3A_193 {strides = array<i32>} : memref<8x2560xf32, #tpu.memory_space<vmem>>, vector<16xf32>,
        %broadcast_in_dim3A_198 = arith.constant 5 : i32
        %broadcast_in_dim3A_199 = vector.broadcast %broadcast_in_dim3A_198 : i32 to vector<16xi32>
        %gather3A_200 = tpu.vector_load_idx %arg6[%broadcast_in_dim3A_199, %get3A_162] : memref<8x10000xf32, #tpu.memory_space<vmem>>[vector<16xi32>, vector<16xi32>], vector<16xf32>,
        %swap3A_201 = arith.constant 5 : i32
        %swap3A_202 = arith.index_cast %swap3A_201 : i32 to index
        %swap3A_203 = arith.index_cast %mul3A_158 : i32 to index
        %swap3A_204 = tpu.vector_load %arg9[%swap3A_202, %swap3A_203] {strides = array<i32>} : memref<8x2560xf32, #tpu.memory_space<vmem>>, vector<16xf32>,
        tpu.vector_store %arg9[%swap3A_202, %swap3A_203], %gather3A_200 {strides = array<i32>} : memref<8x2560xf32, #tpu.memory_space<vmem>>, vector<16xf32>,
        %broadcast_in_dim3A_205 = arith.constant 6 : i32
        %broadcast_in_dim3A_206 = vector.broadcast %broadcast_in_dim3A_205 : i32 to vector<16xi32>
        %gather3A_207 = tpu.vector_load_idx %arg6[%broadcast_in_dim3A_206, %get3A_162] : memref<8x10000xf32, #tpu.memory_space<vmem>>[vector<16xi32>, vector<16xi32>], vector<16xf32>,
        %swap3A_208 = arith.constant 6 : i32
        %swap3A_209 = arith.index_cast %swap3A_208 : i32 to index
        %swap3A_210 = arith.index_cast %mul3A_158 : i32 to index
        %swap3A_211 = tpu.vector_load %arg9[%swap3A_209, %swap3A_210] {strides = array<i32>} : memref<8x2560xf32, #tpu.memory_space<vmem>>, vector<16xf32>,
        tpu.vector_store %arg9[%swap3A_209, %swap3A_210], %gather3A_207 {strides = array<i32>} : memref<8x2560xf32, #tpu.memory_space<vmem>>, vector<16xf32>,
        %broadcast_in_dim3A_212 = arith.constant 7 : i32
        %broadcast_in_dim3A_213 = vector.broadcast %broadcast_in_dim3A_212 : i32 to vector<16xi32>
        %gather3A_214 = tpu.vector_load_idx %arg6[%broadcast_in_dim3A_213, %get3A_162] : memref<8x10000xf32, #tpu.memory_space<vmem>>[vector<16xi32>, vector<16xi32>], vector<16xf32>,
        %swap3A_215 = arith.constant 7 : i32
        %swap3A_216 = arith.index_cast %swap3A_215 : i32 to index
        %swap3A_217 = arith.index_cast %mul3A_158 : i32 to index
        %swap3A_218 = tpu.vector_load %arg9[%swap3A_216, %swap3A_217] {strides = array<i32>} : memref<8x2560xf32, #tpu.memory_space<vmem>>, vector<16xf32>,
        tpu.vector_store %arg9[%swap3A_216, %swap3A_217], %gather3A_214 {strides = array<i32>} : memref<8x2560xf32, #tpu.memory_space<vmem>>, vector<16xf32>,
        %mul3A_219 = arith.constant 4 : i32
        %mul3A_220 = arith.muli %scan3A_24, %mul3A_219 : i32
        %add3A_221 = arith.constant 3 : i32
        %add3A_222 = arith.addi %mul3A_220, %add3A_221 : i32
        %mul3A_223 = arith.constant 16 : i32
        %mul3A_224 = arith.muli %add3A_222, %mul3A_223 : i32
        %get3A_225 = arith.index_cast %mul3A_224 : i32 to index
        %get3A_226 = tpu.vector_load %arg7[%get3A_225] {strides = array<i32>} : memref<2560xi32, #tpu.memory_space<vmem>>, vector<16xi32>,
        %get3A_227 = arith.index_cast %mul3A_224 : i32 to index
        %get3A_228 = tpu.vector_load %arg8[%get3A_227] {strides = array<i32>} : memref<2560xi32, #tpu.memory_space<vmem>>, vector<16xi32>,
        %broadcast_in_dim3A_229 = arith.constant 0 : i32
        %broadcast_in_dim3A_230 = vector.broadcast %broadcast_in_dim3A_229 : i32 to vector<16xi32>
        %gather3A_231 = tpu.vector_load_idx %arg6[%broadcast_in_dim3A_230, %get3A_226] : memref<8x10000xf32, #tpu.memory_space<vmem>>[vector<16xi32>, vector<16xi32>], vector<16xf32>,
        %swap3A_232 = arith.constant 0 : i32
        %swap3A_233 = arith.index_cast %swap3A_232 : i32 to index
        %swap3A_234 = arith.index_cast %mul3A_224 : i32 to index
        %swap3A_235 = tpu.vector_load %arg9[%swap3A_233, %swap3A_234] {strides = array<i32>} : memref<8x2560xf32, #tpu.memory_space<vmem>>, vector<16xf32>,
        tpu.vector_store %arg9[%swap3A_233, %swap3A_234], %gather3A_231 {strides = array<i32>} : memref<8x2560xf32, #tpu.memory_space<vmem>>, vector<16xf32>,
        %broadcast_in_dim3A_236 = arith.constant 1 : i32
        %broadcast_in_dim3A_237 = vector.broadcast %broadcast_in_dim3A_236 : i32 to vector<16xi32>
        %gather3A_238 = tpu.vector_load_idx %arg6[%broadcast_in_dim3A_237, %get3A_226] : memref<8x10000xf32, #tpu.memory_space<vmem>>[vector<16xi32>, vector<16xi32>], vector<16xf32>,
        %swap3A_239 = arith.constant 1 : i32
        %swap3A_240 = arith.index_cast %swap3A_239 : i32 to index
        %swap3A_241 = arith.index_cast %mul3A_224 : i32 to index
        %swap3A_242 = tpu.vector_load %arg9[%swap3A_240, %swap3A_241] {strides = array<i32>} : memref<8x2560xf32, #tpu.memory_space<vmem>>, vector<16xf32>,
        tpu.vector_store %arg9[%swap3A_240, %swap3A_241], %gather3A_238 {strides = array<i32>} : memref<8x2560xf32, #tpu.memory_space<vmem>>, vector<16xf32>,
        %broadcast_in_dim3A_243 = arith.constant 2 : i32
        %broadcast_in_dim3A_244 = vector.broadcast %broadcast_in_dim3A_243 : i32 to vector<16xi32>
        %gather3A_245 = tpu.vector_load_idx %arg6[%broadcast_in_dim3A_244, %get3A_226] : memref<8x10000xf32, #tpu.memory_space<vmem>>[vector<16xi32>, vector<16xi32>], vector<16xf32>,
        %swap3A_246 = arith.constant 2 : i32
        %swap3A_247 = arith.index_cast %swap3A_246 : i32 to index
        %swap3A_248 = arith.index_cast %mul3A_224 : i32 to index
        %swap3A_249 = tpu.vector_load %arg9[%swap3A_247, %swap3A_248] {strides = array<i32>} : memref<8x2560xf32, #tpu.memory_space<vmem>>, vector<16xf32>,
        tpu.vector_store %arg9[%swap3A_247, %swap3A_248], %gather3A_245 {strides = array<i32>} : memref<8x2560xf32, #tpu.memory_space<vmem>>, vector<16xf32>,
        %broadcast_in_dim3A_250 = arith.constant 3 : i32
        %broadcast_in_dim3A_251 = vector.broadcast %broadcast_in_dim3A_250 : i32 to vector<16xi32>
        %gather3A_252 = tpu.vector_load_idx %arg6[%broadcast_in_dim3A_251, %get3A_226] : memref<8x10000xf32, #tpu.memory_space<vmem>>[vector<16xi32>, vector<16xi32>], vector<16xf32>,
        %swap3A_253 = arith.constant 3 : i32
        %swap3A_254 = arith.index_cast %swap3A_253 : i32 to index
        %swap3A_255 = arith.index_cast %mul3A_224 : i32 to index
        %swap3A_256 = tpu.vector_load %arg9[%swap3A_254, %swap3A_255] {strides = array<i32>} : memref<8x2560xf32, #tpu.memory_space<vmem>>, vector<16xf32>,
        tpu.vector_store %arg9[%swap3A_254, %swap3A_255], %gather3A_252 {strides = array<i32>} : memref<8x2560xf32, #tpu.memory_space<vmem>>, vector<16xf32>,
        %broadcast_in_dim3A_257 = arith.constant 4 : i32
        %broadcast_in_dim3A_258 = vector.broadcast %broadcast_in_dim3A_257 : i32 to vector<16xi32>
        %gather3A_259 = tpu.vector_load_idx %arg6[%broadcast_in_dim3A_258, %get3A_228] : memref<8x10000xf32, #tpu.memory_space<vmem>>[vector<16xi32>, vector<16xi32>], vector<16xf32>,
        %swap3A_260 = arith.constant 4 : i32
        %swap3A_261 = arith.index_cast %swap3A_260 : i32 to index
        %swap3A_262 = arith.index_cast %mul3A_224 : i32 to index
        %swap3A_263 = tpu.vector_load %arg9[%swap3A_261, %swap3A_262] {strides = array<i32>} : memref<8x2560xf32, #tpu.memory_space<vmem>>, vector<16xf32>,
        tpu.vector_store %arg9[%swap3A_261, %swap3A_262], %gather3A_259 {strides = array<i32>} : memref<8x2560xf32, #tpu.memory_space<vmem>>, vector<16xf32>,
        %broadcast_in_dim3A_264 = arith.constant 5 : i32
        %broadcast_in_dim3A_265 = vector.broadcast %broadcast_in_dim3A_264 : i32 to vector<16xi32>
        %gather3A_266 = tpu.vector_load_idx %arg6[%broadcast_in_dim3A_265, %get3A_228] : memref<8x10000xf32, #tpu.memory_space<vmem>>[vector<16xi32>, vector<16xi32>], vector<16xf32>,
        %swap3A_267 = arith.constant 5 : i32
        %swap3A_268 = arith.index_cast %swap3A_267 : i32 to index
        %swap3A_269 = arith.index_cast %mul3A_224 : i32 to index
        %swap3A_270 = tpu.vector_load %arg9[%swap3A_268, %swap3A_269] {strides = array<i32>} : memref<8x2560xf32, #tpu.memory_space<vmem>>, vector<16xf32>,
        tpu.vector_store %arg9[%swap3A_268, %swap3A_269], %gather3A_266 {strides = array<i32>} : memref<8x2560xf32, #tpu.memory_space<vmem>>, vector<16xf32>,
        %broadcast_in_dim3A_271 = arith.constant 6 : i32
        %broadcast_in_dim3A_272 = vector.broadcast %broadcast_in_dim3A_271 : i32 to vector<16xi32>
        %gather3A_273 = tpu.vector_load_idx %arg6[%broadcast_in_dim3A_272, %get3A_228] : memref<8x10000xf32, #tpu.memory_space<vmem>>[vector<16xi32>, vector<16xi32>], vector<16xf32>,
        %swap3A_274 = arith.constant 6 : i32
        %swap3A_275 = arith.index_cast %swap3A_274 : i32 to index
        %swap3A_276 = arith.index_cast %mul3A_224 : i32 to index
        %swap3A_277 = tpu.vector_load %arg9[%swap3A_275, %swap3A_276] {strides = array<i32>} : memref<8x2560xf32, #tpu.memory_space<vmem>>, vector<16xf32>,
        tpu.vector_store %arg9[%swap3A_275, %swap3A_276], %gather3A_273 {strides = array<i32>} : memref<8x2560xf32, #tpu.memory_space<vmem>>, vector<16xf32>,
        %broadcast_in_dim3A_278 = arith.constant 7 : i32
        %broadcast_in_dim3A_279 = vector.broadcast %broadcast_in_dim3A_278 : i32 to vector<16xi32>
        %gather3A_280 = tpu.vector_load_idx %arg6[%broadcast_in_dim3A_279, %get3A_228] : memref<8x10000xf32, #tpu.memory_space<vmem>>[vector<16xi32>, vector<16xi32>], vector<16xf32>,
        %swap3A_281 = arith.constant 7 : i32
        %swap3A_282 = arith.index_cast %swap3A_281 : i32 to index
        %swap3A_283 = arith.index_cast %mul3A_224 : i32 to index
        %swap3A_284 = tpu.vector_load %arg9[%swap3A_282, %swap3A_283] {strides = array<i32>} : memref<8x2560xf32, #tpu.memory_space<vmem>>, vector<16xf32>,
        tpu.vector_store %arg9[%swap3A_282, %swap3A_283], %gather3A_280 {strides = array<i32>} : memref<8x2560xf32, #tpu.memory_space<vmem>>, vector<16xf32>,
      }
      %scan3A_23 = arith.constant 40 : i32
      "tpu.region"() ({
        %run_scoped3A = tpu.sem_alloc : memref<!tpu.dma_semaphore, #tpu.memory_space<semaphore_mem>>
        %dma_start3A = arith.constant 0 : i32
        %dma_start3A_24 = tpu.memref_slice %arg5[%dma_start3A, %mul3A_18] : memref<8x320000xf32, #tpu.memory_space<hbm>> -> memref<8x2560xf32, #tpu.memory_space<hbm>>
        %dma_start3A_25 = arith.constant 0 : i32
        %dma_start3A_26 = tpu.memref_slice %arg5[%dma_start3A_25, %mul3A_18] : memref<8x320000xf32, #tpu.memory_space<hbm>> -> memref<8x2560xf32, #tpu.memory_space<hbm>>
        tpu.enqueue_dma source(%arg9 : memref<8x2560xf32, #tpu.memory_space<vmem>>) target(%dma_start3A_26 : memref<8x2560xf32, #tpu.memory_space<hbm>>) target_semaphore(%run_scoped3A : memref<!tpu.dma_semaphore, #tpu.memory_space<semaphore_mem>>)
        %dma_wait3A = arith.constant 0 : i32
        %dma_wait3A_27 = tpu.memref_slice %arg5[%dma_wait3A, %mul3A_18] : memref<8x320000xf32, #tpu.memory_space<hbm>> -> memref<8x2560xf32, #tpu.memory_space<hbm>>
        %dma_wait3A_28 = arith.constant 0 : i32
        %dma_wait3A_29 = tpu.memref_slice %arg5[%dma_wait3A_28, %mul3A_18] : memref<8x320000xf32, #tpu.memory_space<hbm>> -> memref<8x2560xf32, #tpu.memory_space<hbm>>
        tpu.wait_dma2 semaphore(%run_scoped3A : memref<!tpu.dma_semaphore, #tpu.memory_space<semaphore_mem>>) src(%arg9 : memref<8x2560xf32, #tpu.memory_space<vmem>>) dst(%dma_wait3A_29 : memref<8x2560xf32, #tpu.memory_space<hbm>>)
        tpu.yield
      }) : () -> ()
    }
    %while3A_12 = arith.constant 1 : i32
    scf.for %while3A_13 = %while3A_10 to %while3A_6 step %while3A_12  : i32 {
      %mul3A_14 = arith.constant 4 : i32
      %mul3A_15 = arith.muli %add3A, %mul3A_14 : i32
      %add3A_16 = arith.addi %mul3A_15, %while3A_13 : i32
      %mul3A_17 = arith.constant 2560 : i32
      %mul3A_18 = arith.muli %add3A_16, %mul3A_17 : i32
      "tpu.region"() ({
        %run_scoped3A = tpu.sem_alloc : memref<!tpu.dma_semaphore, #tpu.memory_space<semaphore_mem>>
        %dma_start3A = tpu.memref_slice %arg3[%mul3A_18] : memref<320000xi32, #tpu.memory_space<hbm>> -> memref<2560xi32, #tpu.memory_space<hbm>>
        %dma_start3A_24 = tpu.memref_slice %arg3[%mul3A_18] : memref<320000xi32, #tpu.memory_space<hbm>> -> memref<2560xi32, #tpu.memory_space<hbm>>
        tpu.enqueue_dma source(%dma_start3A_24 : memref<2560xi32, #tpu.memory_space<hbm>>) target(%arg7 : memref<2560xi32, #tpu.memory_space<vmem>>) target_semaphore(%run_scoped3A : memref<!tpu.dma_semaphore, #tpu.memory_space<semaphore_mem>>)
        %dma_wait3A = tpu.memref_slice %arg3[%mul3A_18] : memref<320000xi32, #tpu.memory_space<hbm>> -> memref<2560xi32, #tpu.memory_space<hbm>>
        %dma_wait3A_25 = tpu.memref_slice %arg3[%mul3A_18] : memref<320000xi32, #tpu.memory_space<hbm>> -> memref<2560xi32, #tpu.memory_space<hbm>>
        tpu.wait_dma2 semaphore(%run_scoped3A : memref<!tpu.dma_semaphore, #tpu.memory_space<semaphore_mem>>) src(%dma_wait3A_25 : memref<2560xi32, #tpu.memory_space<hbm>>) dst(%arg7 : memref<2560xi32, #tpu.memory_space<vmem>>)
        tpu.yield
      }) : () -> ()
      "tpu.region"() ({
        %run_scoped3A = tpu.sem_alloc : memref<!tpu.dma_semaphore, #tpu.memory_space<semaphore_mem>>
        %dma_start3A = tpu.memref_slice %arg4[%mul3A_18] : memref<320000xi32, #tpu.memory_space<hbm>> -> memref<2560xi32, #tpu.memory_space<hbm>>
        %dma_start3A_24 = tpu.memref_slice %arg4[%mul3A_18] : memref<320000xi32, #tpu.memory_space<hbm>> -> memref<2560xi32, #tpu.memory_space<hbm>>
        tpu.enqueue_dma source(%dma_start3A_24 : memref<2560xi32, #tpu.memory_space<hbm>>) target(%arg8 : memref<2560xi32, #tpu.memory_space<vmem>>) target_semaphore(%run_scoped3A : memref<!tpu.dma_semaphore, #tpu.memory_space<semaphore_mem>>)
        %dma_wait3A = tpu.memref_slice %arg4[%mul3A_18] : memref<320000xi32, #tpu.memory_space<hbm>> -> memref<2560xi32, #tpu.memory_space<hbm>>
        %dma_wait3A_25 = tpu.memref_slice %arg4[%mul3A_18] : memref<320000xi32, #tpu.memory_space<hbm>> -> memref<2560xi32, #tpu.memory_space<hbm>>
        tpu.wait_dma2 semaphore(%run_scoped3A : memref<!tpu.dma_semaphore, #tpu.memory_space<semaphore_mem>>) src(%dma_wait3A_25 : memref<2560xi32, #tpu.memory_space<hbm>>) dst(%arg8 : memref<2560xi32, #tpu.memory_space<vmem>>)
        tpu.yield
      }) : () -> ()
      %scan3A = arith.constant 0 : i32
      %scan3A_19 = arith.constant 0 : i32
      %scan3A_20 = arith.constant 40 : i32
      %scan3A_21 = arith.addi %scan3A_19, %scan3A_20 : i32
      %scan3A_22 = arith.constant 1 : i32
      scf.for %scan3A_24 = %scan3A_19 to %scan3A_21 step %scan3A_22  : i32 {
        %mul3A_25 = arith.constant 4 : i32
        %mul3A_26 = arith.muli %scan3A_24, %mul3A_25 : i32
        %add3A_27 = arith.constant 0 : i32
        %add3A_28 = arith.addi %mul3A_26, %add3A_27 : i32
        %mul3A_29 = arith.constant 16 : i32
        %mul3A_30 = arith.muli %add3A_28, %mul3A_29 : i32
        %get3A = arith.index_cast %mul3A_30 : i32 to index
        %get3A_31 = tpu.vector_load %arg7[%get3A] {strides = array<i32>} : memref<2560xi32, #tpu.memory_space<vmem>>, vector<16xi32>,
        %get3A_32 = arith.index_cast %mul3A_30 : i32 to index
        %get3A_33 = tpu.vector_load %arg8[%get3A_32] {strides = array<i32>} : memref<2560xi32, #tpu.memory_space<vmem>>, vector<16xi32>,
        %broadcast_in_dim3A = arith.constant 0 : i32
        %broadcast_in_dim3A_34 = vector.broadcast %broadcast_in_dim3A : i32 to vector<16xi32>
        %gather3A = tpu.vector_load_idx %arg6[%broadcast_in_dim3A_34, %get3A_31] : memref<8x10000xf32, #tpu.memory_space<vmem>>[vector<16xi32>, vector<16xi32>], vector<16xf32>,
        %swap3A = arith.constant 0 : i32
        %swap3A_35 = arith.index_cast %swap3A : i32 to index
        %swap3A_36 = arith.index_cast %mul3A_30 : i32 to index
        %swap3A_37 = tpu.vector_load %arg9[%swap3A_35, %swap3A_36] {strides = array<i32>} : memref<8x2560xf32, #tpu.memory_space<vmem>>, vector<16xf32>,
        tpu.vector_store %arg9[%swap3A_35, %swap3A_36], %gather3A {strides = array<i32>} : memref<8x2560xf32, #tpu.memory_space<vmem>>, vector<16xf32>,
        %broadcast_in_dim3A_38 = arith.constant 1 : i32
        %broadcast_in_dim3A_39 = vector.broadcast %broadcast_in_dim3A_38 : i32 to vector<16xi32>
        %gather3A_40 = tpu.vector_load_idx %arg6[%broadcast_in_dim3A_39, %get3A_31] : memref<8x10000xf32, #tpu.memory_space<vmem>>[vector<16xi32>, vector<16xi32>], vector<16xf32>,
        %swap3A_41 = arith.constant 1 : i32
        %swap3A_42 = arith.index_cast %swap3A_41 : i32 to index
        %swap3A_43 = arith.index_cast %mul3A_30 : i32 to index
        %swap3A_44 = tpu.vector_load %arg9[%swap3A_42, %swap3A_43] {strides = array<i32>} : memref<8x2560xf32, #tpu.memory_space<vmem>>, vector<16xf32>,
        tpu.vector_store %arg9[%swap3A_42, %swap3A_43], %gather3A_40 {strides = array<i32>} : memref<8x2560xf32, #tpu.memory_space<vmem>>, vector<16xf32>,
        %broadcast_in_dim3A_45 = arith.constant 2 : i32
        %broadcast_in_dim3A_46 = vector.broadcast %broadcast_in_dim3A_45 : i32 to vector<16xi32>
        %gather3A_47 = tpu.vector_load_idx %arg6[%broadcast_in_dim3A_46, %get3A_31] : memref<8x10000xf32, #tpu.memory_space<vmem>>[vector<16xi32>, vector<16xi32>], vector<16xf32>,
        %swap3A_48 = arith.constant 2 : i32
        %swap3A_49 = arith.index_cast %swap3A_48 : i32 to index
        %swap3A_50 = arith.index_cast %mul3A_30 : i32 to index
        %swap3A_51 = tpu.vector_load %arg9[%swap3A_49, %swap3A_50] {strides = array<i32>} : memref<8x2560xf32, #tpu.memory_space<vmem>>, vector<16xf32>,
        tpu.vector_store %arg9[%swap3A_49, %swap3A_50], %gather3A_47 {strides = array<i32>} : memref<8x2560xf32, #tpu.memory_space<vmem>>, vector<16xf32>,
        %broadcast_in_dim3A_52 = arith.constant 3 : i32
        %broadcast_in_dim3A_53 = vector.broadcast %broadcast_in_dim3A_52 : i32 to vector<16xi32>
        %gather3A_54 = tpu.vector_load_idx %arg6[%broadcast_in_dim3A_53, %get3A_31] : memref<8x10000xf32, #tpu.memory_space<vmem>>[vector<16xi32>, vector<16xi32>], vector<16xf32>,
        %swap3A_55 = arith.constant 3 : i32
        %swap3A_56 = arith.index_cast %swap3A_55 : i32 to index
        %swap3A_57 = arith.index_cast %mul3A_30 : i32 to index
        %swap3A_58 = tpu.vector_load %arg9[%swap3A_56, %swap3A_57] {strides = array<i32>} : memref<8x2560xf32, #tpu.memory_space<vmem>>, vector<16xf32>,
        tpu.vector_store %arg9[%swap3A_56, %swap3A_57], %gather3A_54 {strides = array<i32>} : memref<8x2560xf32, #tpu.memory_space<vmem>>, vector<16xf32>,
        %broadcast_in_dim3A_59 = arith.constant 4 : i32
        %broadcast_in_dim3A_60 = vector.broadcast %broadcast_in_dim3A_59 : i32 to vector<16xi32>
        %gather3A_61 = tpu.vector_load_idx %arg6[%broadcast_in_dim3A_60, %get3A_33] : memref<8x10000xf32, #tpu.memory_space<vmem>>[vector<16xi32>, vector<16xi32>], vector<16xf32>,
        %swap3A_62 = arith.constant 4 : i32
        %swap3A_63 = arith.index_cast %swap3A_62 : i32 to index
        %swap3A_64 = arith.index_cast %mul3A_30 : i32 to index
        %swap3A_65 = tpu.vector_load %arg9[%swap3A_63, %swap3A_64] {strides = array<i32>} : memref<8x2560xf32, #tpu.memory_space<vmem>>, vector<16xf32>,
        tpu.vector_store %arg9[%swap3A_63, %swap3A_64], %gather3A_61 {strides = array<i32>} : memref<8x2560xf32, #tpu.memory_space<vmem>>, vector<16xf32>,
        %broadcast_in_dim3A_66 = arith.constant 5 : i32
        %broadcast_in_dim3A_67 = vector.broadcast %broadcast_in_dim3A_66 : i32 to vector<16xi32>
        %gather3A_68 = tpu.vector_load_idx %arg6[%broadcast_in_dim3A_67, %get3A_33] : memref<8x10000xf32, #tpu.memory_space<vmem>>[vector<16xi32>, vector<16xi32>], vector<16xf32>,
        %swap3A_69 = arith.constant 5 : i32
        %swap3A_70 = arith.index_cast %swap3A_69 : i32 to index
        %swap3A_71 = arith.index_cast %mul3A_30 : i32 to index
        %swap3A_72 = tpu.vector_load %arg9[%swap3A_70, %swap3A_71] {strides = array<i32>} : memref<8x2560xf32, #tpu.memory_space<vmem>>, vector<16xf32>,
        tpu.vector_store %arg9[%swap3A_70, %swap3A_71], %gather3A_68 {strides = array<i32>} : memref<8x2560xf32, #tpu.memory_space<vmem>>, vector<16xf32>,
        %broadcast_in_dim3A_73 = arith.constant 6 : i32
        %broadcast_in_dim3A_74 = vector.broadcast %broadcast_in_dim3A_73 : i32 to vector<16xi32>
        %gather3A_75 = tpu.vector_load_idx %arg6[%broadcast_in_dim3A_74, %get3A_33] : memref<8x10000xf32, #tpu.memory_space<vmem>>[vector<16xi32>, vector<16xi32>], vector<16xf32>,
        %swap3A_76 = arith.constant 6 : i32
        %swap3A_77 = arith.index_cast %swap3A_76 : i32 to index
        %swap3A_78 = arith.index_cast %mul3A_30 : i32 to index
        %swap3A_79 = tpu.vector_load %arg9[%swap3A_77, %swap3A_78] {strides = array<i32>} : memref<8x2560xf32, #tpu.memory_space<vmem>>, vector<16xf32>,
        tpu.vector_store %arg9[%swap3A_77, %swap3A_78], %gather3A_75 {strides = array<i32>} : memref<8x2560xf32, #tpu.memory_space<vmem>>, vector<16xf32>,
        %broadcast_in_dim3A_80 = arith.constant 7 : i32
        %broadcast_in_dim3A_81 = vector.broadcast %broadcast_in_dim3A_80 : i32 to vector<16xi32>
        %gather3A_82 = tpu.vector_load_idx %arg6[%broadcast_in_dim3A_81, %get3A_33] : memref<8x10000xf32, #tpu.memory_space<vmem>>[vector<16xi32>, vector<16xi32>], vector<16xf32>,
        %swap3A_83 = arith.constant 7 : i32
        %swap3A_84 = arith.index_cast %swap3A_83 : i32 to index
        %swap3A_85 = arith.index_cast %mul3A_30 : i32 to index
        %swap3A_86 = tpu.vector_load %arg9[%swap3A_84, %swap3A_85] {strides = array<i32>} : memref<8x2560xf32, #tpu.memory_space<vmem>>, vector<16xf32>,
        tpu.vector_store %arg9[%swap3A_84, %swap3A_85], %gather3A_82 {strides = array<i32>} : memref<8x2560xf32, #tpu.memory_space<vmem>>, vector<16xf32>,
        %mul3A_87 = arith.constant 4 : i32
        %mul3A_88 = arith.muli %scan3A_24, %mul3A_87 : i32
        %add3A_89 = arith.constant 1 : i32
        %add3A_90 = arith.addi %mul3A_88, %add3A_89 : i32
        %mul3A_91 = arith.constant 16 : i32
        %mul3A_92 = arith.muli %add3A_90, %mul3A_91 : i32
        %get3A_93 = arith.index_cast %mul3A_92 : i32 to index
        %get3A_94 = tpu.vector_load %arg7[%get3A_93] {strides = array<i32>} : memref<2560xi32, #tpu.memory_space<vmem>>, vector<16xi32>,
        %get3A_95 = arith.index_cast %mul3A_92 : i32 to index
        %get3A_96 = tpu.vector_load %arg8[%get3A_95] {strides = array<i32>} : memref<2560xi32, #tpu.memory_space<vmem>>, vector<16xi32>,
        %broadcast_in_dim3A_97 = arith.constant 0 : i32
        %broadcast_in_dim3A_98 = vector.broadcast %broadcast_in_dim3A_97 : i32 to vector<16xi32>
        %gather3A_99 = tpu.vector_load_idx %arg6[%broadcast_in_dim3A_98, %get3A_94] : memref<8x10000xf32, #tpu.memory_space<vmem>>[vector<16xi32>, vector<16xi32>], vector<16xf32>,
        %swap3A_100 = arith.constant 0 : i32
        %swap3A_101 = arith.index_cast %swap3A_100 : i32 to index
        %swap3A_102 = arith.index_cast %mul3A_92 : i32 to index
        %swap3A_103 = tpu.vector_load %arg9[%swap3A_101, %swap3A_102] {strides = array<i32>} : memref<8x2560xf32, #tpu.memory_space<vmem>>, vector<16xf32>,
        tpu.vector_store %arg9[%swap3A_101, %swap3A_102], %gather3A_99 {strides = array<i32>} : memref<8x2560xf32, #tpu.memory_space<vmem>>, vector<16xf32>,
        %broadcast_in_dim3A_104 = arith.constant 1 : i32
        %broadcast_in_dim3A_105 = vector.broadcast %broadcast_in_dim3A_104 : i32 to vector<16xi32>
        %gather3A_106 = tpu.vector_load_idx %arg6[%broadcast_in_dim3A_105, %get3A_94] : memref<8x10000xf32, #tpu.memory_space<vmem>>[vector<16xi32>, vector<16xi32>], vector<16xf32>,
        %swap3A_107 = arith.constant 1 : i32
        %swap3A_108 = arith.index_cast %swap3A_107 : i32 to index
        %swap3A_109 = arith.index_cast %mul3A_92 : i32 to index
        %swap3A_110 = tpu.vector_load %arg9[%swap3A_108, %swap3A_109] {strides = array<i32>} : memref<8x2560xf32, #tpu.memory_space<vmem>>, vector<16xf32>,
        tpu.vector_store %arg9[%swap3A_108, %swap3A_109], %gather3A_106 {strides = array<i32>} : memref<8x2560xf32, #tpu.memory_space<vmem>>, vector<16xf32>,
        %broadcast_in_dim3A_111 = arith.constant 2 : i32
        %broadcast_in_dim3A_112 = vector.broadcast %broadcast_in_dim3A_111 : i32 to vector<16xi32>
        %gather3A_113 = tpu.vector_load_idx %arg6[%broadcast_in_dim3A_112, %get3A_94] : memref<8x10000xf32, #tpu.memory_space<vmem>>[vector<16xi32>, vector<16xi32>], vector<16xf32>,
        %swap3A_114 = arith.constant 2 : i32
        %swap3A_115 = arith.index_cast %swap3A_114 : i32 to index
        %swap3A_116 = arith.index_cast %mul3A_92 : i32 to index
        %swap3A_117 = tpu.vector_load %arg9[%swap3A_115, %swap3A_116] {strides = array<i32>} : memref<8x2560xf32, #tpu.memory_space<vmem>>, vector<16xf32>,
        tpu.vector_store %arg9[%swap3A_115, %swap3A_116], %gather3A_113 {strides = array<i32>} : memref<8x2560xf32, #tpu.memory_space<vmem>>, vector<16xf32>,
        %broadcast_in_dim3A_118 = arith.constant 3 : i32
        %broadcast_in_dim3A_119 = vector.broadcast %broadcast_in_dim3A_118 : i32 to vector<16xi32>
        %gather3A_120 = tpu.vector_load_idx %arg6[%broadcast_in_dim3A_119, %get3A_94] : memref<8x10000xf32, #tpu.memory_space<vmem>>[vector<16xi32>, vector<16xi32>], vector<16xf32>,
        %swap3A_121 = arith.constant 3 : i32
        %swap3A_122 = arith.index_cast %swap3A_121 : i32 to index
        %swap3A_123 = arith.index_cast %mul3A_92 : i32 to index
        %swap3A_124 = tpu.vector_load %arg9[%swap3A_122, %swap3A_123] {strides = array<i32>} : memref<8x2560xf32, #tpu.memory_space<vmem>>, vector<16xf32>,
        tpu.vector_store %arg9[%swap3A_122, %swap3A_123], %gather3A_120 {strides = array<i32>} : memref<8x2560xf32, #tpu.memory_space<vmem>>, vector<16xf32>,
        %broadcast_in_dim3A_125 = arith.constant 4 : i32
        %broadcast_in_dim3A_126 = vector.broadcast %broadcast_in_dim3A_125 : i32 to vector<16xi32>
        %gather3A_127 = tpu.vector_load_idx %arg6[%broadcast_in_dim3A_126, %get3A_96] : memref<8x10000xf32, #tpu.memory_space<vmem>>[vector<16xi32>, vector<16xi32>], vector<16xf32>,
        %swap3A_128 = arith.constant 4 : i32
        %swap3A_129 = arith.index_cast %swap3A_128 : i32 to index
        %swap3A_130 = arith.index_cast %mul3A_92 : i32 to index
        %swap3A_131 = tpu.vector_load %arg9[%swap3A_129, %swap3A_130] {strides = array<i32>} : memref<8x2560xf32, #tpu.memory_space<vmem>>, vector<16xf32>,
        tpu.vector_store %arg9[%swap3A_129, %swap3A_130], %gather3A_127 {strides = array<i32>} : memref<8x2560xf32, #tpu.memory_space<vmem>>, vector<16xf32>,
        %broadcast_in_dim3A_132 = arith.constant 5 : i32
        %broadcast_in_dim3A_133 = vector.broadcast %broadcast_in_dim3A_132 : i32 to vector<16xi32>
        %gather3A_134 = tpu.vector_load_idx %arg6[%broadcast_in_dim3A_133, %get3A_96] : memref<8x10000xf32, #tpu.memory_space<vmem>>[vector<16xi32>, vector<16xi32>], vector<16xf32>,
        %swap3A_135 = arith.constant 5 : i32
        %swap3A_136 = arith.index_cast %swap3A_135 : i32 to index
        %swap3A_137 = arith.index_cast %mul3A_92 : i32 to index
        %swap3A_138 = tpu.vector_load %arg9[%swap3A_136, %swap3A_137] {strides = array<i32>} : memref<8x2560xf32, #tpu.memory_space<vmem>>, vector<16xf32>,
        tpu.vector_store %arg9[%swap3A_136, %swap3A_137], %gather3A_134 {strides = array<i32>} : memref<8x2560xf32, #tpu.memory_space<vmem>>, vector<16xf32>,
        %broadcast_in_dim3A_139 = arith.constant 6 : i32
        %broadcast_in_dim3A_140 = vector.broadcast %broadcast_in_dim3A_139 : i32 to vector<16xi32>
        %gather3A_141 = tpu.vector_load_idx %arg6[%broadcast_in_dim3A_140, %get3A_96] : memref<8x10000xf32, #tpu.memory_space<vmem>>[vector<16xi32>, vector<16xi32>], vector<16xf32>,
        %swap3A_142 = arith.constant 6 : i32
        %swap3A_143 = arith.index_cast %swap3A_142 : i32 to index
        %swap3A_144 = arith.index_cast %mul3A_92 : i32 to index
        %swap3A_145 = tpu.vector_load %arg9[%swap3A_143, %swap3A_144] {strides = array<i32>} : memref<8x2560xf32, #tpu.memory_space<vmem>>, vector<16xf32>,
        tpu.vector_store %arg9[%swap3A_143, %swap3A_144], %gather3A_141 {strides = array<i32>} : memref<8x2560xf32, #tpu.memory_space<vmem>>, vector<16xf32>,
        %broadcast_in_dim3A_146 = arith.constant 7 : i32
        %broadcast_in_dim3A_147 = vector.broadcast %broadcast_in_dim3A_146 : i32 to vector<16xi32>
        %gather3A_148 = tpu.vector_load_idx %arg6[%broadcast_in_dim3A_147, %get3A_96] : memref<8x10000xf32, #tpu.memory_space<vmem>>[vector<16xi32>, vector<16xi32>], vector<16xf32>,
        %swap3A_149 = arith.constant 7 : i32
        %swap3A_150 = arith.index_cast %swap3A_149 : i32 to index
        %swap3A_151 = arith.index_cast %mul3A_92 : i32 to index
        %swap3A_152 = tpu.vector_load %arg9[%swap3A_150, %swap3A_151] {strides = array<i32>} : memref<8x2560xf32, #tpu.memory_space<vmem>>, vector<16xf32>,
        tpu.vector_store %arg9[%swap3A_150, %swap3A_151], %gather3A_148 {strides = array<i32>} : memref<8x2560xf32, #tpu.memory_space<vmem>>, vector<16xf32>,
        %mul3A_153 = arith.constant 4 : i32
        %mul3A_154 = arith.muli %scan3A_24, %mul3A_153 : i32
        %add3A_155 = arith.constant 2 : i32
        %add3A_156 = arith.addi %mul3A_154, %add3A_155 : i32
        %mul3A_157 = arith.constant 16 : i32
        %mul3A_158 = arith.muli %add3A_156, %mul3A_157 : i32
        %get3A_159 = arith.index_cast %mul3A_158 : i32 to index
        %get3A_160 = tpu.vector_load %arg7[%get3A_159] {strides = array<i32>} : memref<2560xi32, #tpu.memory_space<vmem>>, vector<16xi32>,
        %get3A_161 = arith.index_cast %mul3A_158 : i32 to index
        %get3A_162 = tpu.vector_load %arg8[%get3A_161] {strides = array<i32>} : memref<2560xi32, #tpu.memory_space<vmem>>, vector<16xi32>,
        %broadcast_in_dim3A_163 = arith.constant 0 : i32
        %broadcast_in_dim3A_164 = vector.broadcast %broadcast_in_dim3A_163 : i32 to vector<16xi32>
        %gather3A_165 = tpu.vector_load_idx %arg6[%broadcast_in_dim3A_164, %get3A_160] : memref<8x10000xf32, #tpu.memory_space<vmem>>[vector<16xi32>, vector<16xi32>], vector<16xf32>,
        %swap3A_166 = arith.constant 0 : i32
        %swap3A_167 = arith.index_cast %swap3A_166 : i32 to index
        %swap3A_168 = arith.index_cast %mul3A_158 : i32 to index
        %swap3A_169 = tpu.vector_load %arg9[%swap3A_167, %swap3A_168] {strides = array<i32>} : memref<8x2560xf32, #tpu.memory_space<vmem>>, vector<16xf32>,
        tpu.vector_store %arg9[%swap3A_167, %swap3A_168], %gather3A_165 {strides = array<i32>} : memref<8x2560xf32, #tpu.memory_space<vmem>>, vector<16xf32>,
        %broadcast_in_dim3A_170 = arith.constant 1 : i32
        %broadcast_in_dim3A_171 = vector.broadcast %broadcast_in_dim3A_170 : i32 to vector<16xi32>
        %gather3A_172 = tpu.vector_load_idx %arg6[%broadcast_in_dim3A_171, %get3A_160] : memref<8x10000xf32, #tpu.memory_space<vmem>>[vector<16xi32>, vector<16xi32>], vector<16xf32>,
        %swap3A_173 = arith.constant 1 : i32
        %swap3A_174 = arith.index_cast %swap3A_173 : i32 to index
        %swap3A_175 = arith.index_cast %mul3A_158 : i32 to index
        %swap3A_176 = tpu.vector_load %arg9[%swap3A_174, %swap3A_175] {strides = array<i32>} : memref<8x2560xf32, #tpu.memory_space<vmem>>, vector<16xf32>,
        tpu.vector_store %arg9[%swap3A_174, %swap3A_175], %gather3A_172 {strides = array<i32>} : memref<8x2560xf32, #tpu.memory_space<vmem>>, vector<16xf32>,
        %broadcast_in_dim3A_177 = arith.constant 2 : i32
        %broadcast_in_dim3A_178 = vector.broadcast %broadcast_in_dim3A_177 : i32 to vector<16xi32>
        %gather3A_179 = tpu.vector_load_idx %arg6[%broadcast_in_dim3A_178, %get3A_160] : memref<8x10000xf32, #tpu.memory_space<vmem>>[vector<16xi32>, vector<16xi32>], vector<16xf32>,
        %swap3A_180 = arith.constant 2 : i32
        %swap3A_181 = arith.index_cast %swap3A_180 : i32 to index
        %swap3A_182 = arith.index_cast %mul3A_158 : i32 to index
        %swap3A_183 = tpu.vector_load %arg9[%swap3A_181, %swap3A_182] {strides = array<i32>} : memref<8x2560xf32, #tpu.memory_space<vmem>>, vector<16xf32>,
        tpu.vector_store %arg9[%swap3A_181, %swap3A_182], %gather3A_179 {strides = array<i32>} : memref<8x2560xf32, #tpu.memory_space<vmem>>, vector<16xf32>,
        %broadcast_in_dim3A_184 = arith.constant 3 : i32
        %broadcast_in_dim3A_185 = vector.broadcast %broadcast_in_dim3A_184 : i32 to vector<16xi32>
        %gather3A_186 = tpu.vector_load_idx %arg6[%broadcast_in_dim3A_185, %get3A_160] : memref<8x10000xf32, #tpu.memory_space<vmem>>[vector<16xi32>, vector<16xi32>], vector<16xf32>,
        %swap3A_187 = arith.constant 3 : i32
        %swap3A_188 = arith.index_cast %swap3A_187 : i32 to index
        %swap3A_189 = arith.index_cast %mul3A_158 : i32 to index
        %swap3A_190 = tpu.vector_load %arg9[%swap3A_188, %swap3A_189] {strides = array<i32>} : memref<8x2560xf32, #tpu.memory_space<vmem>>, vector<16xf32>,
        tpu.vector_store %arg9[%swap3A_188, %swap3A_189], %gather3A_186 {strides = array<i32>} : memref<8x2560xf32, #tpu.memory_space<vmem>>, vector<16xf32>,
        %broadcast_in_dim3A_191 = arith.constant 4 : i32
        %broadcast_in_dim3A_192 = vector.broadcast %broadcast_in_dim3A_191 : i32 to vector<16xi32>
        %gather3A_193 = tpu.vector_load_idx %arg6[%broadcast_in_dim3A_192, %get3A_162] : memref<8x10000xf32, #tpu.memory_space<vmem>>[vector<16xi32>, vector<16xi32>], vector<16xf32>,
        %swap3A_194 = arith.constant 4 : i32
        %swap3A_195 = arith.index_cast %swap3A_194 : i32 to index
        %swap3A_196 = arith.index_cast %mul3A_158 : i32 to index
        %swap3A_197 = tpu.vector_load %arg9[%swap3A_195, %swap3A_196] {strides = array<i32>} : memref<8x2560xf32, #tpu.memory_space<vmem>>, vector<16xf32>,
        tpu.vector_store %arg9[%swap3A_195, %swap3A_196], %gather3A_193 {strides = array<i32>} : memref<8x2560xf32, #tpu.memory_space<vmem>>, vector<16xf32>,
        %broadcast_in_dim3A_198 = arith.constant 5 : i32
        %broadcast_in_dim3A_199 = vector.broadcast %broadcast_in_dim3A_198 : i32 to vector<16xi32>
        %gather3A_200 = tpu.vector_load_idx %arg6[%broadcast_in_dim3A_199, %get3A_162] : memref<8x10000xf32, #tpu.memory_space<vmem>>[vector<16xi32>, vector<16xi32>], vector<16xf32>,
        %swap3A_201 = arith.constant 5 : i32
        %swap3A_202 = arith.index_cast %swap3A_201 : i32 to index
        %swap3A_203 = arith.index_cast %mul3A_158 : i32 to index
        %swap3A_204 = tpu.vector_load %arg9[%swap3A_202, %swap3A_203] {strides = array<i32>} : memref<8x2560xf32, #tpu.memory_space<vmem>>, vector<16xf32>,
        tpu.vector_store %arg9[%swap3A_202, %swap3A_203], %gather3A_200 {strides = array<i32>} : memref<8x2560xf32, #tpu.memory_space<vmem>>, vector<16xf32>,
        %broadcast_in_dim3A_205 = arith.constant 6 : i32
        %broadcast_in_dim3A_206 = vector.broadcast %broadcast_in_dim3A_205 : i32 to vector<16xi32>
        %gather3A_207 = tpu.vector_load_idx %arg6[%broadcast_in_dim3A_206, %get3A_162] : memref<8x10000xf32, #tpu.memory_space<vmem>>[vector<16xi32>, vector<16xi32>], vector<16xf32>,
        %swap3A_208 = arith.constant 6 : i32
        %swap3A_209 = arith.index_cast %swap3A_208 : i32 to index
        %swap3A_210 = arith.index_cast %mul3A_158 : i32 to index
        %swap3A_211 = tpu.vector_load %arg9[%swap3A_209, %swap3A_210] {strides = array<i32>} : memref<8x2560xf32, #tpu.memory_space<vmem>>, vector<16xf32>,
        tpu.vector_store %arg9[%swap3A_209, %swap3A_210], %gather3A_207 {strides = array<i32>} : memref<8x2560xf32, #tpu.memory_space<vmem>>, vector<16xf32>,
        %broadcast_in_dim3A_212 = arith.constant 7 : i32
        %broadcast_in_dim3A_213 = vector.broadcast %broadcast_in_dim3A_212 : i32 to vector<16xi32>
        %gather3A_214 = tpu.vector_load_idx %arg6[%broadcast_in_dim3A_213, %get3A_162] : memref<8x10000xf32, #tpu.memory_space<vmem>>[vector<16xi32>, vector<16xi32>], vector<16xf32>,
        %swap3A_215 = arith.constant 7 : i32
        %swap3A_216 = arith.index_cast %swap3A_215 : i32 to index
        %swap3A_217 = arith.index_cast %mul3A_158 : i32 to index
        %swap3A_218 = tpu.vector_load %arg9[%swap3A_216, %swap3A_217] {strides = array<i32>} : memref<8x2560xf32, #tpu.memory_space<vmem>>, vector<16xf32>,
        tpu.vector_store %arg9[%swap3A_216, %swap3A_217], %gather3A_214 {strides = array<i32>} : memref<8x2560xf32, #tpu.memory_space<vmem>>, vector<16xf32>,
        %mul3A_219 = arith.constant 4 : i32
        %mul3A_220 = arith.muli %scan3A_24, %mul3A_219 : i32
        %add3A_221 = arith.constant 3 : i32
        %add3A_222 = arith.addi %mul3A_220, %add3A_221 : i32
        %mul3A_223 = arith.constant 16 : i32
        %mul3A_224 = arith.muli %add3A_222, %mul3A_223 : i32
        %get3A_225 = arith.index_cast %mul3A_224 : i32 to index
        %get3A_226 = tpu.vector_load %arg7[%get3A_225] {strides = array<i32>} : memref<2560xi32, #tpu.memory_space<vmem>>, vector<16xi32>,
        %get3A_227 = arith.index_cast %mul3A_224 : i32 to index
        %get3A_228 = tpu.vector_load %arg8[%get3A_227] {strides = array<i32>} : memref<2560xi32, #tpu.memory_space<vmem>>, vector<16xi32>,
        %broadcast_in_dim3A_229 = arith.constant 0 : i32
        %broadcast_in_dim3A_230 = vector.broadcast %broadcast_in_dim3A_229 : i32 to vector<16xi32>
        %gather3A_231 = tpu.vector_load_idx %arg6[%broadcast_in_dim3A_230, %get3A_226] : memref<8x10000xf32, #tpu.memory_space<vmem>>[vector<16xi32>, vector<16xi32>], vector<16xf32>,
        %swap3A_232 = arith.constant 0 : i32
        %swap3A_233 = arith.index_cast %swap3A_232 : i32 to index
        %swap3A_234 = arith.index_cast %mul3A_224 : i32 to index
        %swap3A_235 = tpu.vector_load %arg9[%swap3A_233, %swap3A_234] {strides = array<i32>} : memref<8x2560xf32, #tpu.memory_space<vmem>>, vector<16xf32>,
        tpu.vector_store %arg9[%swap3A_233, %swap3A_234], %gather3A_231 {strides = array<i32>} : memref<8x2560xf32, #tpu.memory_space<vmem>>, vector<16xf32>,
        %broadcast_in_dim3A_236 = arith.constant 1 : i32
        %broadcast_in_dim3A_237 = vector.broadcast %broadcast_in_dim3A_236 : i32 to vector<16xi32>
        %gather3A_238 = tpu.vector_load_idx %arg6[%broadcast_in_dim3A_237, %get3A_226] : memref<8x10000xf32, #tpu.memory_space<vmem>>[vector<16xi32>, vector<16xi32>], vector<16xf32>,
        %swap3A_239 = arith.constant 1 : i32
        %swap3A_240 = arith.index_cast %swap3A_239 : i32 to index
        %swap3A_241 = arith.index_cast %mul3A_224 : i32 to index
        %swap3A_242 = tpu.vector_load %arg9[%swap3A_240, %swap3A_241] {strides = array<i32>} : memref<8x2560xf32, #tpu.memory_space<vmem>>, vector<16xf32>,
        tpu.vector_store %arg9[%swap3A_240, %swap3A_241], %gather3A_238 {strides = array<i32>} : memref<8x2560xf32, #tpu.memory_space<vmem>>, vector<16xf32>,
        %broadcast_in_dim3A_243 = arith.constant 2 : i32
        %broadcast_in_dim3A_244 = vector.broadcast %broadcast_in_dim3A_243 : i32 to vector<16xi32>
        %gather3A_245 = tpu.vector_load_idx %arg6[%broadcast_in_dim3A_244, %get3A_226] : memref<8x10000xf32, #tpu.memory_space<vmem>>[vector<16xi32>, vector<16xi32>], vector<16xf32>,
        %swap3A_246 = arith.constant 2 : i32
        %swap3A_247 = arith.index_cast %swap3A_246 : i32 to index
        %swap3A_248 = arith.index_cast %mul3A_224 : i32 to index
        %swap3A_249 = tpu.vector_load %arg9[%swap3A_247, %swap3A_248] {strides = array<i32>} : memref<8x2560xf32, #tpu.memory_space<vmem>>, vector<16xf32>,
        tpu.vector_store %arg9[%swap3A_247, %swap3A_248], %gather3A_245 {strides = array<i32>} : memref<8x2560xf32, #tpu.memory_space<vmem>>, vector<16xf32>,
        %broadcast_in_dim3A_250 = arith.constant 3 : i32
        %broadcast_in_dim3A_251 = vector.broadcast %broadcast_in_dim3A_250 : i32 to vector<16xi32>
        %gather3A_252 = tpu.vector_load_idx %arg6[%broadcast_in_dim3A_251, %get3A_226] : memref<8x10000xf32, #tpu.memory_space<vmem>>[vector<16xi32>, vector<16xi32>], vector<16xf32>,
        %swap3A_253 = arith.constant 3 : i32
        %swap3A_254 = arith.index_cast %swap3A_253 : i32 to index
        %swap3A_255 = arith.index_cast %mul3A_224 : i32 to index
        %swap3A_256 = tpu.vector_load %arg9[%swap3A_254, %swap3A_255] {strides = array<i32>} : memref<8x2560xf32, #tpu.memory_space<vmem>>, vector<16xf32>,
        tpu.vector_store %arg9[%swap3A_254, %swap3A_255], %gather3A_252 {strides = array<i32>} : memref<8x2560xf32, #tpu.memory_space<vmem>>, vector<16xf32>,
        %broadcast_in_dim3A_257 = arith.constant 4 : i32
        %broadcast_in_dim3A_258 = vector.broadcast %broadcast_in_dim3A_257 : i32 to vector<16xi32>
        %gather3A_259 = tpu.vector_load_idx %arg6[%broadcast_in_dim3A_258, %get3A_228] : memref<8x10000xf32, #tpu.memory_space<vmem>>[vector<16xi32>, vector<16xi32>], vector<16xf32>,
        %swap3A_260 = arith.constant 4 : i32
        %swap3A_261 = arith.index_cast %swap3A_260 : i32 to index
        %swap3A_262 = arith.index_cast %mul3A_224 : i32 to index
        %swap3A_263 = tpu.vector_load %arg9[%swap3A_261, %swap3A_262] {strides = array<i32>} : memref<8x2560xf32, #tpu.memory_space<vmem>>, vector<16xf32>,
        tpu.vector_store %arg9[%swap3A_261, %swap3A_262], %gather3A_259 {strides = array<i32>} : memref<8x2560xf32, #tpu.memory_space<vmem>>, vector<16xf32>,
        %broadcast_in_dim3A_264 = arith.constant 5 : i32
        %broadcast_in_dim3A_265 = vector.broadcast %broadcast_in_dim3A_264 : i32 to vector<16xi32>
        %gather3A_266 = tpu.vector_load_idx %arg6[%broadcast_in_dim3A_265, %get3A_228] : memref<8x10000xf32, #tpu.memory_space<vmem>>[vector<16xi32>, vector<16xi32>], vector<16xf32>,
        %swap3A_267 = arith.constant 5 : i32
        %swap3A_268 = arith.index_cast %swap3A_267 : i32 to index
        %swap3A_269 = arith.index_cast %mul3A_224 : i32 to index
        %swap3A_270 = tpu.vector_load %arg9[%swap3A_268, %swap3A_269] {strides = array<i32>} : memref<8x2560xf32, #tpu.memory_space<vmem>>, vector<16xf32>,
        tpu.vector_store %arg9[%swap3A_268, %swap3A_269], %gather3A_266 {strides = array<i32>} : memref<8x2560xf32, #tpu.memory_space<vmem>>, vector<16xf32>,
        %broadcast_in_dim3A_271 = arith.constant 6 : i32
        %broadcast_in_dim3A_272 = vector.broadcast %broadcast_in_dim3A_271 : i32 to vector<16xi32>
        %gather3A_273 = tpu.vector_load_idx %arg6[%broadcast_in_dim3A_272, %get3A_228] : memref<8x10000xf32, #tpu.memory_space<vmem>>[vector<16xi32>, vector<16xi32>], vector<16xf32>,
        %swap3A_274 = arith.constant 6 : i32
        %swap3A_275 = arith.index_cast %swap3A_274 : i32 to index
        %swap3A_276 = arith.index_cast %mul3A_224 : i32 to index
        %swap3A_277 = tpu.vector_load %arg9[%swap3A_275, %swap3A_276] {strides = array<i32>} : memref<8x2560xf32, #tpu.memory_space<vmem>>, vector<16xf32>,
        tpu.vector_store %arg9[%swap3A_275, %swap3A_276], %gather3A_273 {strides = array<i32>} : memref<8x2560xf32, #tpu.memory_space<vmem>>, vector<16xf32>,
        %broadcast_in_dim3A_278 = arith.constant 7 : i32
        %broadcast_in_dim3A_279 = vector.broadcast %broadcast_in_dim3A_278 : i32 to vector<16xi32>
        %gather3A_280 = tpu.vector_load_idx %arg6[%broadcast_in_dim3A_279, %get3A_228] : memref<8x10000xf32, #tpu.memory_space<vmem>>[vector<16xi32>, vector<16xi32>], vector<16xf32>,
        %swap3A_281 = arith.constant 7 : i32
        %swap3A_282 = arith.index_cast %swap3A_281 : i32 to index
        %swap3A_283 = arith.index_cast %mul3A_224 : i32 to index
        %swap3A_284 = tpu.vector_load %arg9[%swap3A_282, %swap3A_283] {strides = array<i32>} : memref<8x2560xf32, #tpu.memory_space<vmem>>, vector<16xf32>,
        tpu.vector_store %arg9[%swap3A_282, %swap3A_283], %gather3A_280 {strides = array<i32>} : memref<8x2560xf32, #tpu.memory_space<vmem>>, vector<16xf32>,
      }
      %scan3A_23 = arith.constant 40 : i32
      "tpu.region"() ({
        %run_scoped3A = tpu.sem_alloc : memref<!tpu.dma_semaphore, #tpu.memory_space<semaphore_mem>>
        %dma_start3A = arith.constant 0 : i32
        %dma_start3A_24 = tpu.memref_slice %arg5[%dma_start3A, %mul3A_18] : memref<8x320000xf32, #tpu.memory_space<hbm>> -> memref<8x2560xf32, #tpu.memory_space<hbm>>
        %dma_start3A_25 = arith.constant 0 : i32
        %dma_start3A_26 = tpu.memref_slice %arg5[%dma_start3A_25, %mul3A_18] : memref<8x320000xf32, #tpu.memory_space<hbm>> -> memref<8x2560xf32, #tpu.memory_space<hbm>>
        tpu.enqueue_dma source(%arg9 : memref<8x2560xf32, #tpu.memory_space<vmem>>) target(%dma_start3A_26 : memref<8x2560xf32, #tpu.memory_space<hbm>>) target_semaphore(%run_scoped3A : memref<!tpu.dma_semaphore, #tpu.memory_space<semaphore_mem>>)
        %dma_wait3A = arith.constant 0 : i32
        %dma_wait3A_27 = tpu.memref_slice %arg5[%dma_wait3A, %mul3A_18] : memref<8x320000xf32, #tpu.memory_space<hbm>> -> memref<8x2560xf32, #tpu.memory_space<hbm>>
        %dma_wait3A_28 = arith.constant 0 : i32
        %dma_wait3A_29 = tpu.memref_slice %arg5[%dma_wait3A_28, %mul3A_18] : memref<8x320000xf32, #tpu.memory_space<hbm>> -> memref<8x2560xf32, #tpu.memory_space<hbm>>
        tpu.wait_dma2 semaphore(%run_scoped3A : memref<!tpu.dma_semaphore, #tpu.memory_space<semaphore_mem>>) src(%arg9 : memref<8x2560xf32, #tpu.memory_space<vmem>>) dst(%dma_wait3A_29 : memref<8x2560xf32, #tpu.memory_space<hbm>>)
        tpu.yield
      }) : () -> ()
    }
    return
  }
}

#map = affine_map<(d0, d1) -> (0)>
#map1 = affine_map<(d0, d1) -> (0, 0)>
#map2 = affine_map<(d0, d1) -> (0, 0, 0)>
module attributes {stable_mosaic.version = 14 : i64} {
  func.func @_scatter_add(%arg0: i32, %arg1: i32, %arg2: memref<320000xi32, #tpu.memory_space<hbm>>, %arg3: memref<8x320000xf32, #tpu.memory_space<hbm>>, %arg4: memref<32x8x10000xf32, #tpu.memory_space<hbm>>, %arg5: memref<8x10000xf32, #tpu.memory_space<vmem>>, %arg6: memref<2560xi32, #tpu.memory_space<vmem>>, %arg7: memref<8x2560xf32, #tpu.memory_space<vmem>>) attributes {dimension_semantics = [#tpu.dimension_semantics<core_parallel>, #tpu.dimension_semantics<subcore_parallel>], iteration_bounds = array<i64: 2, 16>, scalar_prefetch = 0 : i64, scratch_operands = 3 : i64, tpu.core_type = #tpu.core_type<sc_vector_subcore>, window_params = [{transform_indices = #map}, {transform_indices = #map1}, {transform_indices = #map2}]} {
    %mul3A = arith.constant 2 : i32
    %mul3A_0 = arith.muli %arg1, %mul3A : i32
    %add3A = arith.addi %mul3A_0, %arg0 : i32
    %broadcast_in_dim3A = arith.constant 0.000000e+00 : f32
    %broadcast_in_dim3A_1 = vector.broadcast %broadcast_in_dim3A : f32 to vector<16xf32>
    %scan3A = arith.constant 0 : i32
    %scan3A_2 = arith.constant 0 : i32
    %scan3A_3 = arith.constant 125 : i32
    %scan3A_4 = arith.addi %scan3A_2, %scan3A_3 : i32
    %scan3A_5 = arith.constant 1 : i32
    scf.for %scan3A_19 = %scan3A_2 to %scan3A_4 step %scan3A_5  : i32 {
      %mul3A_20 = arith.constant 5 : i32
      %mul3A_21 = arith.muli %scan3A_19, %mul3A_20 : i32
      %add3A_22 = arith.constant 0 : i32
      %add3A_23 = arith.addi %mul3A_21, %add3A_22 : i32
      %mul3A_24 = arith.constant 16 : i32
      %mul3A_25 = arith.muli %add3A_23, %mul3A_24 : i32
      %swap3A = arith.constant 0 : i32
      %swap3A_26 = arith.index_cast %swap3A : i32 to index
      %swap3A_27 = arith.index_cast %mul3A_25 : i32 to index
      %swap3A_28 = tpu.vector_load %arg5[%swap3A_26, %swap3A_27] {strides = array<i32>} : memref<8x10000xf32, #tpu.memory_space<vmem>>, vector<16xf32>,
      tpu.vector_store %arg5[%swap3A_26, %swap3A_27], %broadcast_in_dim3A_1 {strides = array<i32>} : memref<8x10000xf32, #tpu.memory_space<vmem>>, vector<16xf32>,
      %mul3A_29 = arith.constant 5 : i32
      %mul3A_30 = arith.muli %scan3A_19, %mul3A_29 : i32
      %add3A_31 = arith.constant 0 : i32
      %add3A_32 = arith.addi %mul3A_30, %add3A_31 : i32
      %mul3A_33 = arith.constant 16 : i32
      %mul3A_34 = arith.muli %add3A_32, %mul3A_33 : i32
      %swap3A_35 = arith.constant 1 : i32
      %swap3A_36 = arith.index_cast %swap3A_35 : i32 to index
      %swap3A_37 = arith.index_cast %mul3A_34 : i32 to index
      %swap3A_38 = tpu.vector_load %arg5[%swap3A_36, %swap3A_37] {strides = array<i32>} : memref<8x10000xf32, #tpu.memory_space<vmem>>, vector<16xf32>,
      tpu.vector_store %arg5[%swap3A_36, %swap3A_37], %broadcast_in_dim3A_1 {strides = array<i32>} : memref<8x10000xf32, #tpu.memory_space<vmem>>, vector<16xf32>,
      %mul3A_39 = arith.constant 5 : i32
      %mul3A_40 = arith.muli %scan3A_19, %mul3A_39 : i32
      %add3A_41 = arith.constant 0 : i32
      %add3A_42 = arith.addi %mul3A_40, %add3A_41 : i32
      %mul3A_43 = arith.constant 16 : i32
      %mul3A_44 = arith.muli %add3A_42, %mul3A_43 : i32
      %swap3A_45 = arith.constant 2 : i32
      %swap3A_46 = arith.index_cast %swap3A_45 : i32 to index
      %swap3A_47 = arith.index_cast %mul3A_44 : i32 to index
      %swap3A_48 = tpu.vector_load %arg5[%swap3A_46, %swap3A_47] {strides = array<i32>} : memref<8x10000xf32, #tpu.memory_space<vmem>>, vector<16xf32>,
      tpu.vector_store %arg5[%swap3A_46, %swap3A_47], %broadcast_in_dim3A_1 {strides = array<i32>} : memref<8x10000xf32, #tpu.memory_space<vmem>>, vector<16xf32>,
      %mul3A_49 = arith.constant 5 : i32
      %mul3A_50 = arith.muli %scan3A_19, %mul3A_49 : i32
      %add3A_51 = arith.constant 0 : i32
      %add3A_52 = arith.addi %mul3A_50, %add3A_51 : i32
      %mul3A_53 = arith.constant 16 : i32
      %mul3A_54 = arith.muli %add3A_52, %mul3A_53 : i32
      %swap3A_55 = arith.constant 3 : i32
      %swap3A_56 = arith.index_cast %swap3A_55 : i32 to index
      %swap3A_57 = arith.index_cast %mul3A_54 : i32 to index
      %swap3A_58 = tpu.vector_load %arg5[%swap3A_56, %swap3A_57] {strides = array<i32>} : memref<8x10000xf32, #tpu.memory_space<vmem>>, vector<16xf32>,
      tpu.vector_store %arg5[%swap3A_56, %swap3A_57], %broadcast_in_dim3A_1 {strides = array<i32>} : memref<8x10000xf32, #tpu.memory_space<vmem>>, vector<16xf32>,
      %mul3A_59 = arith.constant 5 : i32
      %mul3A_60 = arith.muli %scan3A_19, %mul3A_59 : i32
      %add3A_61 = arith.constant 0 : i32
      %add3A_62 = arith.addi %mul3A_60, %add3A_61 : i32
      %mul3A_63 = arith.constant 16 : i32
      %mul3A_64 = arith.muli %add3A_62, %mul3A_63 : i32
      %swap3A_65 = arith.constant 4 : i32
      %swap3A_66 = arith.index_cast %swap3A_65 : i32 to index
      %swap3A_67 = arith.index_cast %mul3A_64 : i32 to index
      %swap3A_68 = tpu.vector_load %arg5[%swap3A_66, %swap3A_67] {strides = array<i32>} : memref<8x10000xf32, #tpu.memory_space<vmem>>, vector<16xf32>,
      tpu.vector_store %arg5[%swap3A_66, %swap3A_67], %broadcast_in_dim3A_1 {strides = array<i32>} : memref<8x10000xf32, #tpu.memory_space<vmem>>, vector<16xf32>,
      %mul3A_69 = arith.constant 5 : i32
      %mul3A_70 = arith.muli %scan3A_19, %mul3A_69 : i32
      %add3A_71 = arith.constant 0 : i32
      %add3A_72 = arith.addi %mul3A_70, %add3A_71 : i32
      %mul3A_73 = arith.constant 16 : i32
      %mul3A_74 = arith.muli %add3A_72, %mul3A_73 : i32
      %swap3A_75 = arith.constant 5 : i32
      %swap3A_76 = arith.index_cast %swap3A_75 : i32 to index
      %swap3A_77 = arith.index_cast %mul3A_74 : i32 to index
      %swap3A_78 = tpu.vector_load %arg5[%swap3A_76, %swap3A_77] {strides = array<i32>} : memref<8x10000xf32, #tpu.memory_space<vmem>>, vector<16xf32>,
      tpu.vector_store %arg5[%swap3A_76, %swap3A_77], %broadcast_in_dim3A_1 {strides = array<i32>} : memref<8x10000xf32, #tpu.memory_space<vmem>>, vector<16xf32>,
      %mul3A_79 = arith.constant 5 : i32
      %mul3A_80 = arith.muli %scan3A_19, %mul3A_79 : i32
      %add3A_81 = arith.constant 0 : i32
      %add3A_82 = arith.addi %mul3A_80, %add3A_81 : i32
      %mul3A_83 = arith.constant 16 : i32
      %mul3A_84 = arith.muli %add3A_82, %mul3A_83 : i32
      %swap3A_85 = arith.constant 6 : i32
      %swap3A_86 = arith.index_cast %swap3A_85 : i32 to index
      %swap3A_87 = arith.index_cast %mul3A_84 : i32 to index
      %swap3A_88 = tpu.vector_load %arg5[%swap3A_86, %swap3A_87] {strides = array<i32>} : memref<8x10000xf32, #tpu.memory_space<vmem>>, vector<16xf32>,
      tpu.vector_store %arg5[%swap3A_86, %swap3A_87], %broadcast_in_dim3A_1 {strides = array<i32>} : memref<8x10000xf32, #tpu.memory_space<vmem>>, vector<16xf32>,
      %mul3A_89 = arith.constant 5 : i32
      %mul3A_90 = arith.muli %scan3A_19, %mul3A_89 : i32
      %add3A_91 = arith.constant 0 : i32
      %add3A_92 = arith.addi %mul3A_90, %add3A_91 : i32
      %mul3A_93 = arith.constant 16 : i32
      %mul3A_94 = arith.muli %add3A_92, %mul3A_93 : i32
      %swap3A_95 = arith.constant 7 : i32
      %swap3A_96 = arith.index_cast %swap3A_95 : i32 to index
      %swap3A_97 = arith.index_cast %mul3A_94 : i32 to index
      %swap3A_98 = tpu.vector_load %arg5[%swap3A_96, %swap3A_97] {strides = array<i32>} : memref<8x10000xf32, #tpu.memory_space<vmem>>, vector<16xf32>,
      tpu.vector_store %arg5[%swap3A_96, %swap3A_97], %broadcast_in_dim3A_1 {strides = array<i32>} : memref<8x10000xf32, #tpu.memory_space<vmem>>, vector<16xf32>,
      %mul3A_99 = arith.constant 5 : i32
      %mul3A_100 = arith.muli %scan3A_19, %mul3A_99 : i32
      %add3A_101 = arith.constant 1 : i32
      %add3A_102 = arith.addi %mul3A_100, %add3A_101 : i32
      %mul3A_103 = arith.constant 16 : i32
      %mul3A_104 = arith.muli %add3A_102, %mul3A_103 : i32
      %swap3A_105 = arith.constant 0 : i32
      %swap3A_106 = arith.index_cast %swap3A_105 : i32 to index
      %swap3A_107 = arith.index_cast %mul3A_104 : i32 to index
      %swap3A_108 = tpu.vector_load %arg5[%swap3A_106, %swap3A_107] {strides = array<i32>} : memref<8x10000xf32, #tpu.memory_space<vmem>>, vector<16xf32>,
      tpu.vector_store %arg5[%swap3A_106, %swap3A_107], %broadcast_in_dim3A_1 {strides = array<i32>} : memref<8x10000xf32, #tpu.memory_space<vmem>>, vector<16xf32>,
      %mul3A_109 = arith.constant 5 : i32
      %mul3A_110 = arith.muli %scan3A_19, %mul3A_109 : i32
      %add3A_111 = arith.constant 1 : i32
      %add3A_112 = arith.addi %mul3A_110, %add3A_111 : i32
      %mul3A_113 = arith.constant 16 : i32
      %mul3A_114 = arith.muli %add3A_112, %mul3A_113 : i32
      %swap3A_115 = arith.constant 1 : i32
      %swap3A_116 = arith.index_cast %swap3A_115 : i32 to index
      %swap3A_117 = arith.index_cast %mul3A_114 : i32 to index
      %swap3A_118 = tpu.vector_load %arg5[%swap3A_116, %swap3A_117] {strides = array<i32>} : memref<8x10000xf32, #tpu.memory_space<vmem>>, vector<16xf32>,
      tpu.vector_store %arg5[%swap3A_116, %swap3A_117], %broadcast_in_dim3A_1 {strides = array<i32>} : memref<8x10000xf32, #tpu.memory_space<vmem>>, vector<16xf32>,
      %mul3A_119 = arith.constant 5 : i32
      %mul3A_120 = arith.muli %scan3A_19, %mul3A_119 : i32
      %add3A_121 = arith.constant 1 : i32
      %add3A_122 = arith.addi %mul3A_120, %add3A_121 : i32
      %mul3A_123 = arith.constant 16 : i32
      %mul3A_124 = arith.muli %add3A_122, %mul3A_123 : i32
      %swap3A_125 = arith.constant 2 : i32
      %swap3A_126 = arith.index_cast %swap3A_125 : i32 to index
      %swap3A_127 = arith.index_cast %mul3A_124 : i32 to index
      %swap3A_128 = tpu.vector_load %arg5[%swap3A_126, %swap3A_127] {strides = array<i32>} : memref<8x10000xf32, #tpu.memory_space<vmem>>, vector<16xf32>,
      tpu.vector_store %arg5[%swap3A_126, %swap3A_127], %broadcast_in_dim3A_1 {strides = array<i32>} : memref<8x10000xf32, #tpu.memory_space<vmem>>, vector<16xf32>,
      %mul3A_129 = arith.constant 5 : i32
      %mul3A_130 = arith.muli %scan3A_19, %mul3A_129 : i32
      %add3A_131 = arith.constant 1 : i32
      %add3A_132 = arith.addi %mul3A_130, %add3A_131 : i32
      %mul3A_133 = arith.constant 16 : i32
      %mul3A_134 = arith.muli %add3A_132, %mul3A_133 : i32
      %swap3A_135 = arith.constant 3 : i32
      %swap3A_136 = arith.index_cast %swap3A_135 : i32 to index
      %swap3A_137 = arith.index_cast %mul3A_134 : i32 to index
      %swap3A_138 = tpu.vector_load %arg5[%swap3A_136, %swap3A_137] {strides = array<i32>} : memref<8x10000xf32, #tpu.memory_space<vmem>>, vector<16xf32>,
      tpu.vector_store %arg5[%swap3A_136, %swap3A_137], %broadcast_in_dim3A_1 {strides = array<i32>} : memref<8x10000xf32, #tpu.memory_space<vmem>>, vector<16xf32>,
      %mul3A_139 = arith.constant 5 : i32
      %mul3A_140 = arith.muli %scan3A_19, %mul3A_139 : i32
      %add3A_141 = arith.constant 1 : i32
      %add3A_142 = arith.addi %mul3A_140, %add3A_141 : i32
      %mul3A_143 = arith.constant 16 : i32
      %mul3A_144 = arith.muli %add3A_142, %mul3A_143 : i32
      %swap3A_145 = arith.constant 4 : i32
      %swap3A_146 = arith.index_cast %swap3A_145 : i32 to index
      %swap3A_147 = arith.index_cast %mul3A_144 : i32 to index
      %swap3A_148 = tpu.vector_load %arg5[%swap3A_146, %swap3A_147] {strides = array<i32>} : memref<8x10000xf32, #tpu.memory_space<vmem>>, vector<16xf32>,
      tpu.vector_store %arg5[%swap3A_146, %swap3A_147], %broadcast_in_dim3A_1 {strides = array<i32>} : memref<8x10000xf32, #tpu.memory_space<vmem>>, vector<16xf32>,
      %mul3A_149 = arith.constant 5 : i32
      %mul3A_150 = arith.muli %scan3A_19, %mul3A_149 : i32
      %add3A_151 = arith.constant 1 : i32
      %add3A_152 = arith.addi %mul3A_150, %add3A_151 : i32
      %mul3A_153 = arith.constant 16 : i32
      %mul3A_154 = arith.muli %add3A_152, %mul3A_153 : i32
      %swap3A_155 = arith.constant 5 : i32
      %swap3A_156 = arith.index_cast %swap3A_155 : i32 to index
      %swap3A_157 = arith.index_cast %mul3A_154 : i32 to index
      %swap3A_158 = tpu.vector_load %arg5[%swap3A_156, %swap3A_157] {strides = array<i32>} : memref<8x10000xf32, #tpu.memory_space<vmem>>, vector<16xf32>,
      tpu.vector_store %arg5[%swap3A_156, %swap3A_157], %broadcast_in_dim3A_1 {strides = array<i32>} : memref<8x10000xf32, #tpu.memory_space<vmem>>, vector<16xf32>,
      %mul3A_159 = arith.constant 5 : i32
      %mul3A_160 = arith.muli %scan3A_19, %mul3A_159 : i32
      %add3A_161 = arith.constant 1 : i32
      %add3A_162 = arith.addi %mul3A_160, %add3A_161 : i32
      %mul3A_163 = arith.constant 16 : i32
      %mul3A_164 = arith.muli %add3A_162, %mul3A_163 : i32
      %swap3A_165 = arith.constant 6 : i32
      %swap3A_166 = arith.index_cast %swap3A_165 : i32 to index
      %swap3A_167 = arith.index_cast %mul3A_164 : i32 to index
      %swap3A_168 = tpu.vector_load %arg5[%swap3A_166, %swap3A_167] {strides = array<i32>} : memref<8x10000xf32, #tpu.memory_space<vmem>>, vector<16xf32>,
      tpu.vector_store %arg5[%swap3A_166, %swap3A_167], %broadcast_in_dim3A_1 {strides = array<i32>} : memref<8x10000xf32, #tpu.memory_space<vmem>>, vector<16xf32>,
      %mul3A_169 = arith.constant 5 : i32
      %mul3A_170 = arith.muli %scan3A_19, %mul3A_169 : i32
      %add3A_171 = arith.constant 1 : i32
      %add3A_172 = arith.addi %mul3A_170, %add3A_171 : i32
      %mul3A_173 = arith.constant 16 : i32
      %mul3A_174 = arith.muli %add3A_172, %mul3A_173 : i32
      %swap3A_175 = arith.constant 7 : i32
      %swap3A_176 = arith.index_cast %swap3A_175 : i32 to index
      %swap3A_177 = arith.index_cast %mul3A_174 : i32 to index
      %swap3A_178 = tpu.vector_load %arg5[%swap3A_176, %swap3A_177] {strides = array<i32>} : memref<8x10000xf32, #tpu.memory_space<vmem>>, vector<16xf32>,
      tpu.vector_store %arg5[%swap3A_176, %swap3A_177], %broadcast_in_dim3A_1 {strides = array<i32>} : memref<8x10000xf32, #tpu.memory_space<vmem>>, vector<16xf32>,
      %mul3A_179 = arith.constant 5 : i32
      %mul3A_180 = arith.muli %scan3A_19, %mul3A_179 : i32
      %add3A_181 = arith.constant 2 : i32
      %add3A_182 = arith.addi %mul3A_180, %add3A_181 : i32
      %mul3A_183 = arith.constant 16 : i32
      %mul3A_184 = arith.muli %add3A_182, %mul3A_183 : i32
      %swap3A_185 = arith.constant 0 : i32
      %swap3A_186 = arith.index_cast %swap3A_185 : i32 to index
      %swap3A_187 = arith.index_cast %mul3A_184 : i32 to index
      %swap3A_188 = tpu.vector_load %arg5[%swap3A_186, %swap3A_187] {strides = array<i32>} : memref<8x10000xf32, #tpu.memory_space<vmem>>, vector<16xf32>,
      tpu.vector_store %arg5[%swap3A_186, %swap3A_187], %broadcast_in_dim3A_1 {strides = array<i32>} : memref<8x10000xf32, #tpu.memory_space<vmem>>, vector<16xf32>,
      %mul3A_189 = arith.constant 5 : i32
      %mul3A_190 = arith.muli %scan3A_19, %mul3A_189 : i32
      %add3A_191 = arith.constant 2 : i32
      %add3A_192 = arith.addi %mul3A_190, %add3A_191 : i32
      %mul3A_193 = arith.constant 16 : i32
      %mul3A_194 = arith.muli %add3A_192, %mul3A_193 : i32
      %swap3A_195 = arith.constant 1 : i32
      %swap3A_196 = arith.index_cast %swap3A_195 : i32 to index
      %swap3A_197 = arith.index_cast %mul3A_194 : i32 to index
      %swap3A_198 = tpu.vector_load %arg5[%swap3A_196, %swap3A_197] {strides = array<i32>} : memref<8x10000xf32, #tpu.memory_space<vmem>>, vector<16xf32>,
      tpu.vector_store %arg5[%swap3A_196, %swap3A_197], %broadcast_in_dim3A_1 {strides = array<i32>} : memref<8x10000xf32, #tpu.memory_space<vmem>>, vector<16xf32>,
      %mul3A_199 = arith.constant 5 : i32
      %mul3A_200 = arith.muli %scan3A_19, %mul3A_199 : i32
      %add3A_201 = arith.constant 2 : i32
      %add3A_202 = arith.addi %mul3A_200, %add3A_201 : i32
      %mul3A_203 = arith.constant 16 : i32
      %mul3A_204 = arith.muli %add3A_202, %mul3A_203 : i32
      %swap3A_205 = arith.constant 2 : i32
      %swap3A_206 = arith.index_cast %swap3A_205 : i32 to index
      %swap3A_207 = arith.index_cast %mul3A_204 : i32 to index
      %swap3A_208 = tpu.vector_load %arg5[%swap3A_206, %swap3A_207] {strides = array<i32>} : memref<8x10000xf32, #tpu.memory_space<vmem>>, vector<16xf32>,
      tpu.vector_store %arg5[%swap3A_206, %swap3A_207], %broadcast_in_dim3A_1 {strides = array<i32>} : memref<8x10000xf32, #tpu.memory_space<vmem>>, vector<16xf32>,
      %mul3A_209 = arith.constant 5 : i32
      %mul3A_210 = arith.muli %scan3A_19, %mul3A_209 : i32
      %add3A_211 = arith.constant 2 : i32
      %add3A_212 = arith.addi %mul3A_210, %add3A_211 : i32
      %mul3A_213 = arith.constant 16 : i32
      %mul3A_214 = arith.muli %add3A_212, %mul3A_213 : i32
      %swap3A_215 = arith.constant 3 : i32
      %swap3A_216 = arith.index_cast %swap3A_215 : i32 to index
      %swap3A_217 = arith.index_cast %mul3A_214 : i32 to index
      %swap3A_218 = tpu.vector_load %arg5[%swap3A_216, %swap3A_217] {strides = array<i32>} : memref<8x10000xf32, #tpu.memory_space<vmem>>, vector<16xf32>,
      tpu.vector_store %arg5[%swap3A_216, %swap3A_217], %broadcast_in_dim3A_1 {strides = array<i32>} : memref<8x10000xf32, #tpu.memory_space<vmem>>, vector<16xf32>,
      %mul3A_219 = arith.constant 5 : i32
      %mul3A_220 = arith.muli %scan3A_19, %mul3A_219 : i32
      %add3A_221 = arith.constant 2 : i32
      %add3A_222 = arith.addi %mul3A_220, %add3A_221 : i32
      %mul3A_223 = arith.constant 16 : i32
      %mul3A_224 = arith.muli %add3A_222, %mul3A_223 : i32
      %swap3A_225 = arith.constant 4 : i32
      %swap3A_226 = arith.index_cast %swap3A_225 : i32 to index
      %swap3A_227 = arith.index_cast %mul3A_224 : i32 to index
      %swap3A_228 = tpu.vector_load %arg5[%swap3A_226, %swap3A_227] {strides = array<i32>} : memref<8x10000xf32, #tpu.memory_space<vmem>>, vector<16xf32>,
      tpu.vector_store %arg5[%swap3A_226, %swap3A_227], %broadcast_in_dim3A_1 {strides = array<i32>} : memref<8x10000xf32, #tpu.memory_space<vmem>>, vector<16xf32>,
      %mul3A_229 = arith.constant 5 : i32
      %mul3A_230 = arith.muli %scan3A_19, %mul3A_229 : i32
      %add3A_231 = arith.constant 2 : i32
      %add3A_232 = arith.addi %mul3A_230, %add3A_231 : i32
      %mul3A_233 = arith.constant 16 : i32
      %mul3A_234 = arith.muli %add3A_232, %mul3A_233 : i32
      %swap3A_235 = arith.constant 5 : i32
      %swap3A_236 = arith.index_cast %swap3A_235 : i32 to index
      %swap3A_237 = arith.index_cast %mul3A_234 : i32 to index
      %swap3A_238 = tpu.vector_load %arg5[%swap3A_236, %swap3A_237] {strides = array<i32>} : memref<8x10000xf32, #tpu.memory_space<vmem>>, vector<16xf32>,
      tpu.vector_store %arg5[%swap3A_236, %swap3A_237], %broadcast_in_dim3A_1 {strides = array<i32>} : memref<8x10000xf32, #tpu.memory_space<vmem>>, vector<16xf32>,
      %mul3A_239 = arith.constant 5 : i32
      %mul3A_240 = arith.muli %scan3A_19, %mul3A_239 : i32
      %add3A_241 = arith.constant 2 : i32
      %add3A_242 = arith.addi %mul3A_240, %add3A_241 : i32
      %mul3A_243 = arith.constant 16 : i32
      %mul3A_244 = arith.muli %add3A_242, %mul3A_243 : i32
      %swap3A_245 = arith.constant 6 : i32
      %swap3A_246 = arith.index_cast %swap3A_245 : i32 to index
      %swap3A_247 = arith.index_cast %mul3A_244 : i32 to index
      %swap3A_248 = tpu.vector_load %arg5[%swap3A_246, %swap3A_247] {strides = array<i32>} : memref<8x10000xf32, #tpu.memory_space<vmem>>, vector<16xf32>,
      tpu.vector_store %arg5[%swap3A_246, %swap3A_247], %broadcast_in_dim3A_1 {strides = array<i32>} : memref<8x10000xf32, #tpu.memory_space<vmem>>, vector<16xf32>,
      %mul3A_249 = arith.constant 5 : i32
      %mul3A_250 = arith.muli %scan3A_19, %mul3A_249 : i32
      %add3A_251 = arith.constant 2 : i32
      %add3A_252 = arith.addi %mul3A_250, %add3A_251 : i32
      %mul3A_253 = arith.constant 16 : i32
      %mul3A_254 = arith.muli %add3A_252, %mul3A_253 : i32
      %swap3A_255 = arith.constant 7 : i32
      %swap3A_256 = arith.index_cast %swap3A_255 : i32 to index
      %swap3A_257 = arith.index_cast %mul3A_254 : i32 to index
      %swap3A_258 = tpu.vector_load %arg5[%swap3A_256, %swap3A_257] {strides = array<i32>} : memref<8x10000xf32, #tpu.memory_space<vmem>>, vector<16xf32>,
      tpu.vector_store %arg5[%swap3A_256, %swap3A_257], %broadcast_in_dim3A_1 {strides = array<i32>} : memref<8x10000xf32, #tpu.memory_space<vmem>>, vector<16xf32>,
      %mul3A_259 = arith.constant 5 : i32
      %mul3A_260 = arith.muli %scan3A_19, %mul3A_259 : i32
      %add3A_261 = arith.constant 3 : i32
      %add3A_262 = arith.addi %mul3A_260, %add3A_261 : i32
      %mul3A_263 = arith.constant 16 : i32
      %mul3A_264 = arith.muli %add3A_262, %mul3A_263 : i32
      %swap3A_265 = arith.constant 0 : i32
      %swap3A_266 = arith.index_cast %swap3A_265 : i32 to index
      %swap3A_267 = arith.index_cast %mul3A_264 : i32 to index
      %swap3A_268 = tpu.vector_load %arg5[%swap3A_266, %swap3A_267] {strides = array<i32>} : memref<8x10000xf32, #tpu.memory_space<vmem>>, vector<16xf32>,
      tpu.vector_store %arg5[%swap3A_266, %swap3A_267], %broadcast_in_dim3A_1 {strides = array<i32>} : memref<8x10000xf32, #tpu.memory_space<vmem>>, vector<16xf32>,
      %mul3A_269 = arith.constant 5 : i32
      %mul3A_270 = arith.muli %scan3A_19, %mul3A_269 : i32
      %add3A_271 = arith.constant 3 : i32
      %add3A_272 = arith.addi %mul3A_270, %add3A_271 : i32
      %mul3A_273 = arith.constant 16 : i32
      %mul3A_274 = arith.muli %add3A_272, %mul3A_273 : i32
      %swap3A_275 = arith.constant 1 : i32
      %swap3A_276 = arith.index_cast %swap3A_275 : i32 to index
      %swap3A_277 = arith.index_cast %mul3A_274 : i32 to index
      %swap3A_278 = tpu.vector_load %arg5[%swap3A_276, %swap3A_277] {strides = array<i32>} : memref<8x10000xf32, #tpu.memory_space<vmem>>, vector<16xf32>,
      tpu.vector_store %arg5[%swap3A_276, %swap3A_277], %broadcast_in_dim3A_1 {strides = array<i32>} : memref<8x10000xf32, #tpu.memory_space<vmem>>, vector<16xf32>,
      %mul3A_279 = arith.constant 5 : i32
      %mul3A_280 = arith.muli %scan3A_19, %mul3A_279 : i32
      %add3A_281 = arith.constant 3 : i32
      %add3A_282 = arith.addi %mul3A_280, %add3A_281 : i32
      %mul3A_283 = arith.constant 16 : i32
      %mul3A_284 = arith.muli %add3A_282, %mul3A_283 : i32
      %swap3A_285 = arith.constant 2 : i32
      %swap3A_286 = arith.index_cast %swap3A_285 : i32 to index
      %swap3A_287 = arith.index_cast %mul3A_284 : i32 to index
      %swap3A_288 = tpu.vector_load %arg5[%swap3A_286, %swap3A_287] {strides = array<i32>} : memref<8x10000xf32, #tpu.memory_space<vmem>>, vector<16xf32>,
      tpu.vector_store %arg5[%swap3A_286, %swap3A_287], %broadcast_in_dim3A_1 {strides = array<i32>} : memref<8x10000xf32, #tpu.memory_space<vmem>>, vector<16xf32>,
      %mul3A_289 = arith.constant 5 : i32
      %mul3A_290 = arith.muli %scan3A_19, %mul3A_289 : i32
      %add3A_291 = arith.constant 3 : i32
      %add3A_292 = arith.addi %mul3A_290, %add3A_291 : i32
      %mul3A_293 = arith.constant 16 : i32
      %mul3A_294 = arith.muli %add3A_292, %mul3A_293 : i32
      %swap3A_295 = arith.constant 3 : i32
      %swap3A_296 = arith.index_cast %swap3A_295 : i32 to index
      %swap3A_297 = arith.index_cast %mul3A_294 : i32 to index
      %swap3A_298 = tpu.vector_load %arg5[%swap3A_296, %swap3A_297] {strides = array<i32>} : memref<8x10000xf32, #tpu.memory_space<vmem>>, vector<16xf32>,
      tpu.vector_store %arg5[%swap3A_296, %swap3A_297], %broadcast_in_dim3A_1 {strides = array<i32>} : memref<8x10000xf32, #tpu.memory_space<vmem>>, vector<16xf32>,
      %mul3A_299 = arith.constant 5 : i32
      %mul3A_300 = arith.muli %scan3A_19, %mul3A_299 : i32
      %add3A_301 = arith.constant 3 : i32
      %add3A_302 = arith.addi %mul3A_300, %add3A_301 : i32
      %mul3A_303 = arith.constant 16 : i32
      %mul3A_304 = arith.muli %add3A_302, %mul3A_303 : i32
      %swap3A_305 = arith.constant 4 : i32
      %swap3A_306 = arith.index_cast %swap3A_305 : i32 to index
      %swap3A_307 = arith.index_cast %mul3A_304 : i32 to index
      %swap3A_308 = tpu.vector_load %arg5[%swap3A_306, %swap3A_307] {strides = array<i32>} : memref<8x10000xf32, #tpu.memory_space<vmem>>, vector<16xf32>,
      tpu.vector_store %arg5[%swap3A_306, %swap3A_307], %broadcast_in_dim3A_1 {strides = array<i32>} : memref<8x10000xf32, #tpu.memory_space<vmem>>, vector<16xf32>,
      %mul3A_309 = arith.constant 5 : i32
      %mul3A_310 = arith.muli %scan3A_19, %mul3A_309 : i32
      %add3A_311 = arith.constant 3 : i32
      %add3A_312 = arith.addi %mul3A_310, %add3A_311 : i32
      %mul3A_313 = arith.constant 16 : i32
      %mul3A_314 = arith.muli %add3A_312, %mul3A_313 : i32
      %swap3A_315 = arith.constant 5 : i32
      %swap3A_316 = arith.index_cast %swap3A_315 : i32 to index
      %swap3A_317 = arith.index_cast %mul3A_314 : i32 to index
      %swap3A_318 = tpu.vector_load %arg5[%swap3A_316, %swap3A_317] {strides = array<i32>} : memref<8x10000xf32, #tpu.memory_space<vmem>>, vector<16xf32>,
      tpu.vector_store %arg5[%swap3A_316, %swap3A_317], %broadcast_in_dim3A_1 {strides = array<i32>} : memref<8x10000xf32, #tpu.memory_space<vmem>>, vector<16xf32>,
      %mul3A_319 = arith.constant 5 : i32
      %mul3A_320 = arith.muli %scan3A_19, %mul3A_319 : i32
      %add3A_321 = arith.constant 3 : i32
      %add3A_322 = arith.addi %mul3A_320, %add3A_321 : i32
      %mul3A_323 = arith.constant 16 : i32
      %mul3A_324 = arith.muli %add3A_322, %mul3A_323 : i32
      %swap3A_325 = arith.constant 6 : i32
      %swap3A_326 = arith.index_cast %swap3A_325 : i32 to index
      %swap3A_327 = arith.index_cast %mul3A_324 : i32 to index
      %swap3A_328 = tpu.vector_load %arg5[%swap3A_326, %swap3A_327] {strides = array<i32>} : memref<8x10000xf32, #tpu.memory_space<vmem>>, vector<16xf32>,
      tpu.vector_store %arg5[%swap3A_326, %swap3A_327], %broadcast_in_dim3A_1 {strides = array<i32>} : memref<8x10000xf32, #tpu.memory_space<vmem>>, vector<16xf32>,
      %mul3A_329 = arith.constant 5 : i32
      %mul3A_330 = arith.muli %scan3A_19, %mul3A_329 : i32
      %add3A_331 = arith.constant 3 : i32
      %add3A_332 = arith.addi %mul3A_330, %add3A_331 : i32
      %mul3A_333 = arith.constant 16 : i32
      %mul3A_334 = arith.muli %add3A_332, %mul3A_333 : i32
      %swap3A_335 = arith.constant 7 : i32
      %swap3A_336 = arith.index_cast %swap3A_335 : i32 to index
      %swap3A_337 = arith.index_cast %mul3A_334 : i32 to index
      %swap3A_338 = tpu.vector_load %arg5[%swap3A_336, %swap3A_337] {strides = array<i32>} : memref<8x10000xf32, #tpu.memory_space<vmem>>, vector<16xf32>,
      tpu.vector_store %arg5[%swap3A_336, %swap3A_337], %broadcast_in_dim3A_1 {strides = array<i32>} : memref<8x10000xf32, #tpu.memory_space<vmem>>, vector<16xf32>,
      %mul3A_339 = arith.constant 5 : i32
      %mul3A_340 = arith.muli %scan3A_19, %mul3A_339 : i32
      %add3A_341 = arith.constant 4 : i32
      %add3A_342 = arith.addi %mul3A_340, %add3A_341 : i32
      %mul3A_343 = arith.constant 16 : i32
      %mul3A_344 = arith.muli %add3A_342, %mul3A_343 : i32
      %swap3A_345 = arith.constant 0 : i32
      %swap3A_346 = arith.index_cast %swap3A_345 : i32 to index
      %swap3A_347 = arith.index_cast %mul3A_344 : i32 to index
      %swap3A_348 = tpu.vector_load %arg5[%swap3A_346, %swap3A_347] {strides = array<i32>} : memref<8x10000xf32, #tpu.memory_space<vmem>>, vector<16xf32>,
      tpu.vector_store %arg5[%swap3A_346, %swap3A_347], %broadcast_in_dim3A_1 {strides = array<i32>} : memref<8x10000xf32, #tpu.memory_space<vmem>>, vector<16xf32>,
      %mul3A_349 = arith.constant 5 : i32
      %mul3A_350 = arith.muli %scan3A_19, %mul3A_349 : i32
      %add3A_351 = arith.constant 4 : i32
      %add3A_352 = arith.addi %mul3A_350, %add3A_351 : i32
      %mul3A_353 = arith.constant 16 : i32
      %mul3A_354 = arith.muli %add3A_352, %mul3A_353 : i32
      %swap3A_355 = arith.constant 1 : i32
      %swap3A_356 = arith.index_cast %swap3A_355 : i32 to index
      %swap3A_357 = arith.index_cast %mul3A_354 : i32 to index
      %swap3A_358 = tpu.vector_load %arg5[%swap3A_356, %swap3A_357] {strides = array<i32>} : memref<8x10000xf32, #tpu.memory_space<vmem>>, vector<16xf32>,
      tpu.vector_store %arg5[%swap3A_356, %swap3A_357], %broadcast_in_dim3A_1 {strides = array<i32>} : memref<8x10000xf32, #tpu.memory_space<vmem>>, vector<16xf32>,
      %mul3A_359 = arith.constant 5 : i32
      %mul3A_360 = arith.muli %scan3A_19, %mul3A_359 : i32
      %add3A_361 = arith.constant 4 : i32
      %add3A_362 = arith.addi %mul3A_360, %add3A_361 : i32
      %mul3A_363 = arith.constant 16 : i32
      %mul3A_364 = arith.muli %add3A_362, %mul3A_363 : i32
      %swap3A_365 = arith.constant 2 : i32
      %swap3A_366 = arith.index_cast %swap3A_365 : i32 to index
      %swap3A_367 = arith.index_cast %mul3A_364 : i32 to index
      %swap3A_368 = tpu.vector_load %arg5[%swap3A_366, %swap3A_367] {strides = array<i32>} : memref<8x10000xf32, #tpu.memory_space<vmem>>, vector<16xf32>,
      tpu.vector_store %arg5[%swap3A_366, %swap3A_367], %broadcast_in_dim3A_1 {strides = array<i32>} : memref<8x10000xf32, #tpu.memory_space<vmem>>, vector<16xf32>,
      %mul3A_369 = arith.constant 5 : i32
      %mul3A_370 = arith.muli %scan3A_19, %mul3A_369 : i32
      %add3A_371 = arith.constant 4 : i32
      %add3A_372 = arith.addi %mul3A_370, %add3A_371 : i32
      %mul3A_373 = arith.constant 16 : i32
      %mul3A_374 = arith.muli %add3A_372, %mul3A_373 : i32
      %swap3A_375 = arith.constant 3 : i32
      %swap3A_376 = arith.index_cast %swap3A_375 : i32 to index
      %swap3A_377 = arith.index_cast %mul3A_374 : i32 to index
      %swap3A_378 = tpu.vector_load %arg5[%swap3A_376, %swap3A_377] {strides = array<i32>} : memref<8x10000xf32, #tpu.memory_space<vmem>>, vector<16xf32>,
      tpu.vector_store %arg5[%swap3A_376, %swap3A_377], %broadcast_in_dim3A_1 {strides = array<i32>} : memref<8x10000xf32, #tpu.memory_space<vmem>>, vector<16xf32>,
      %mul3A_379 = arith.constant 5 : i32
      %mul3A_380 = arith.muli %scan3A_19, %mul3A_379 : i32
      %add3A_381 = arith.constant 4 : i32
      %add3A_382 = arith.addi %mul3A_380, %add3A_381 : i32
      %mul3A_383 = arith.constant 16 : i32
      %mul3A_384 = arith.muli %add3A_382, %mul3A_383 : i32
      %swap3A_385 = arith.constant 4 : i32
      %swap3A_386 = arith.index_cast %swap3A_385 : i32 to index
      %swap3A_387 = arith.index_cast %mul3A_384 : i32 to index
      %swap3A_388 = tpu.vector_load %arg5[%swap3A_386, %swap3A_387] {strides = array<i32>} : memref<8x10000xf32, #tpu.memory_space<vmem>>, vector<16xf32>,
      tpu.vector_store %arg5[%swap3A_386, %swap3A_387], %broadcast_in_dim3A_1 {strides = array<i32>} : memref<8x10000xf32, #tpu.memory_space<vmem>>, vector<16xf32>,
      %mul3A_389 = arith.constant 5 : i32
      %mul3A_390 = arith.muli %scan3A_19, %mul3A_389 : i32
      %add3A_391 = arith.constant 4 : i32
      %add3A_392 = arith.addi %mul3A_390, %add3A_391 : i32
      %mul3A_393 = arith.constant 16 : i32
      %mul3A_394 = arith.muli %add3A_392, %mul3A_393 : i32
      %swap3A_395 = arith.constant 5 : i32
      %swap3A_396 = arith.index_cast %swap3A_395 : i32 to index
      %swap3A_397 = arith.index_cast %mul3A_394 : i32 to index
      %swap3A_398 = tpu.vector_load %arg5[%swap3A_396, %swap3A_397] {strides = array<i32>} : memref<8x10000xf32, #tpu.memory_space<vmem>>, vector<16xf32>,
      tpu.vector_store %arg5[%swap3A_396, %swap3A_397], %broadcast_in_dim3A_1 {strides = array<i32>} : memref<8x10000xf32, #tpu.memory_space<vmem>>, vector<16xf32>,
      %mul3A_399 = arith.constant 5 : i32
      %mul3A_400 = arith.muli %scan3A_19, %mul3A_399 : i32
      %add3A_401 = arith.constant 4 : i32
      %add3A_402 = arith.addi %mul3A_400, %add3A_401 : i32
      %mul3A_403 = arith.constant 16 : i32
      %mul3A_404 = arith.muli %add3A_402, %mul3A_403 : i32
      %swap3A_405 = arith.constant 6 : i32
      %swap3A_406 = arith.index_cast %swap3A_405 : i32 to index
      %swap3A_407 = arith.index_cast %mul3A_404 : i32 to index
      %swap3A_408 = tpu.vector_load %arg5[%swap3A_406, %swap3A_407] {strides = array<i32>} : memref<8x10000xf32, #tpu.memory_space<vmem>>, vector<16xf32>,
      tpu.vector_store %arg5[%swap3A_406, %swap3A_407], %broadcast_in_dim3A_1 {strides = array<i32>} : memref<8x10000xf32, #tpu.memory_space<vmem>>, vector<16xf32>,
      %mul3A_409 = arith.constant 5 : i32
      %mul3A_410 = arith.muli %scan3A_19, %mul3A_409 : i32
      %add3A_411 = arith.constant 4 : i32
      %add3A_412 = arith.addi %mul3A_410, %add3A_411 : i32
      %mul3A_413 = arith.constant 16 : i32
      %mul3A_414 = arith.muli %add3A_412, %mul3A_413 : i32
      %swap3A_415 = arith.constant 7 : i32
      %swap3A_416 = arith.index_cast %swap3A_415 : i32 to index
      %swap3A_417 = arith.index_cast %mul3A_414 : i32 to index
      %swap3A_418 = tpu.vector_load %arg5[%swap3A_416, %swap3A_417] {strides = array<i32>} : memref<8x10000xf32, #tpu.memory_space<vmem>>, vector<16xf32>,
      tpu.vector_store %arg5[%swap3A_416, %swap3A_417], %broadcast_in_dim3A_1 {strides = array<i32>} : memref<8x10000xf32, #tpu.memory_space<vmem>>, vector<16xf32>,
    }
    %scan3A_6 = arith.constant 125 : i32
    %lt3A = arith.constant 31 : i32
    %lt3A_7 = arith.cmpi slt, %add3A, %lt3A : i32
    %select_n3A = arith.constant 1 : i32
    %select_n3A_8 = arith.constant 4 : i32
    %select_n3A_9 = arith.select %lt3A_7, %select_n3A_8, %select_n3A : i32
    %while3A = arith.constant 0 : i32
    %while3A_10 = arith.constant 0 : i32
    %while3A_11 = arith.subi %select_n3A_9, %while3A_10 : i32
    %while3A_12 = arith.addi %while3A_10, %while3A_11 : i32
    %while3A_13 = arith.constant 1 : i32
    %while3A_14 = arith.divsi %while3A_11, %while3A_13 : i32
    %while3A_15 = arith.muli %while3A_14, %while3A_13 : i32
    %while3A_16 = arith.addi %while3A_10, %while3A_15 : i32
    %while3A_17 = arith.constant 1 : i32
    scf.for %while3A_19 = %while3A_10 to %while3A_16 step %while3A_17  : i32 {
      %mul3A_20 = arith.constant 4 : i32
      %mul3A_21 = arith.muli %add3A, %mul3A_20 : i32
      %add3A_22 = arith.addi %mul3A_21, %while3A_19 : i32
      %mul3A_23 = arith.constant 2560 : i32
      %mul3A_24 = arith.muli %add3A_22, %mul3A_23 : i32
      "tpu.region"() ({
        %run_scoped3A = tpu.sem_alloc : memref<!tpu.dma_semaphore, #tpu.memory_space<semaphore_mem>>
        %dma_start3A = tpu.memref_slice %arg2[%mul3A_24] : memref<320000xi32, #tpu.memory_space<hbm>> -> memref<2560xi32, #tpu.memory_space<hbm>>
        %dma_start3A_31 = tpu.memref_slice %arg2[%mul3A_24] : memref<320000xi32, #tpu.memory_space<hbm>> -> memref<2560xi32, #tpu.memory_space<hbm>>
        tpu.enqueue_dma source(%dma_start3A_31 : memref<2560xi32, #tpu.memory_space<hbm>>) target(%arg6 : memref<2560xi32, #tpu.memory_space<vmem>>) target_semaphore(%run_scoped3A : memref<!tpu.dma_semaphore, #tpu.memory_space<semaphore_mem>>)
        %dma_wait3A = tpu.memref_slice %arg2[%mul3A_24] : memref<320000xi32, #tpu.memory_space<hbm>> -> memref<2560xi32, #tpu.memory_space<hbm>>
        %dma_wait3A_32 = tpu.memref_slice %arg2[%mul3A_24] : memref<320000xi32, #tpu.memory_space<hbm>> -> memref<2560xi32, #tpu.memory_space<hbm>>
        tpu.wait_dma2 semaphore(%run_scoped3A : memref<!tpu.dma_semaphore, #tpu.memory_space<semaphore_mem>>) src(%dma_wait3A_32 : memref<2560xi32, #tpu.memory_space<hbm>>) dst(%arg6 : memref<2560xi32, #tpu.memory_space<vmem>>)
        tpu.yield
      }) : () -> ()
      "tpu.region"() ({
        %run_scoped3A = tpu.sem_alloc : memref<!tpu.dma_semaphore, #tpu.memory_space<semaphore_mem>>
        %dma_start3A = arith.constant 0 : i32
        %dma_start3A_31 = tpu.memref_slice %arg3[%dma_start3A, %mul3A_24] : memref<8x320000xf32, #tpu.memory_space<hbm>> -> memref<8x2560xf32, #tpu.memory_space<hbm>>
        %dma_start3A_32 = arith.constant 0 : i32
        %dma_start3A_33 = tpu.memref_slice %arg3[%dma_start3A_32, %mul3A_24] : memref<8x320000xf32, #tpu.memory_space<hbm>> -> memref<8x2560xf32, #tpu.memory_space<hbm>>
        tpu.enqueue_dma source(%dma_start3A_33 : memref<8x2560xf32, #tpu.memory_space<hbm>>) target(%arg7 : memref<8x2560xf32, #tpu.memory_space<vmem>>) target_semaphore(%run_scoped3A : memref<!tpu.dma_semaphore, #tpu.memory_space<semaphore_mem>>)
        %dma_wait3A = arith.constant 0 : i32
        %dma_wait3A_34 = tpu.memref_slice %arg3[%dma_wait3A, %mul3A_24] : memref<8x320000xf32, #tpu.memory_space<hbm>> -> memref<8x2560xf32, #tpu.memory_space<hbm>>
        %dma_wait3A_35 = arith.constant 0 : i32
        %dma_wait3A_36 = tpu.memref_slice %arg3[%dma_wait3A_35, %mul3A_24] : memref<8x320000xf32, #tpu.memory_space<hbm>> -> memref<8x2560xf32, #tpu.memory_space<hbm>>
        tpu.wait_dma2 semaphore(%run_scoped3A : memref<!tpu.dma_semaphore, #tpu.memory_space<semaphore_mem>>) src(%dma_wait3A_36 : memref<8x2560xf32, #tpu.memory_space<hbm>>) dst(%arg7 : memref<8x2560xf32, #tpu.memory_space<vmem>>)
        tpu.yield
      }) : () -> ()
      %scan3A_25 = arith.constant 0 : i32
      %scan3A_26 = arith.constant 0 : i32
      %scan3A_27 = arith.constant 40 : i32
      %scan3A_28 = arith.addi %scan3A_26, %scan3A_27 : i32
      %scan3A_29 = arith.constant 1 : i32
      scf.for %scan3A_31 = %scan3A_26 to %scan3A_28 step %scan3A_29  : i32 {
        %mul3A_32 = arith.constant 4 : i32
        %mul3A_33 = arith.muli %scan3A_31, %mul3A_32 : i32
        %add3A_34 = arith.constant 0 : i32
        %add3A_35 = arith.addi %mul3A_33, %add3A_34 : i32
        %mul3A_36 = arith.constant 16 : i32
        %mul3A_37 = arith.muli %add3A_35, %mul3A_36 : i32
        %get3A = arith.index_cast %mul3A_37 : i32 to index
        %get3A_38 = tpu.vector_load %arg6[%get3A] {strides = array<i32>} : memref<2560xi32, #tpu.memory_space<vmem>>, vector<16xi32>,
        %mul3A_39 = arith.constant 4 : i32
        %mul3A_40 = arith.muli %scan3A_31, %mul3A_39 : i32
        %add3A_41 = arith.constant 0 : i32
        %add3A_42 = arith.addi %mul3A_40, %add3A_41 : i32
        %mul3A_43 = arith.constant 16 : i32
        %mul3A_44 = arith.muli %add3A_42, %mul3A_43 : i32
        %get3A_45 = arith.constant 0 : i32
        %get3A_46 = arith.index_cast %get3A_45 : i32 to index
        %get3A_47 = arith.index_cast %mul3A_44 : i32 to index
        %get3A_48 = tpu.vector_load %arg7[%get3A_46, %get3A_47] {strides = array<i32>} : memref<8x2560xf32, #tpu.memory_space<vmem>>, vector<16xf32>,
        %broadcast_in_dim3A_49 = arith.constant 0 : i32
        %broadcast_in_dim3A_50 = vector.broadcast %broadcast_in_dim3A_49 : i32 to vector<16xi32>
        tpu.vector_store_idx %arg5[%broadcast_in_dim3A_50, %get3A_38], %get3A_48 {add = true} : memref<8x10000xf32, #tpu.memory_space<vmem>>[vector<16xi32>, vector<16xi32>], vector<16xf32>,
        %mul3A_51 = arith.constant 4 : i32
        %mul3A_52 = arith.muli %scan3A_31, %mul3A_51 : i32
        %add3A_53 = arith.constant 0 : i32
        %add3A_54 = arith.addi %mul3A_52, %add3A_53 : i32
        %mul3A_55 = arith.constant 16 : i32
        %mul3A_56 = arith.muli %add3A_54, %mul3A_55 : i32
        %get3A_57 = arith.constant 1 : i32
        %get3A_58 = arith.index_cast %get3A_57 : i32 to index
        %get3A_59 = arith.index_cast %mul3A_56 : i32 to index
        %get3A_60 = tpu.vector_load %arg7[%get3A_58, %get3A_59] {strides = array<i32>} : memref<8x2560xf32, #tpu.memory_space<vmem>>, vector<16xf32>,
        %broadcast_in_dim3A_61 = arith.constant 1 : i32
        %broadcast_in_dim3A_62 = vector.broadcast %broadcast_in_dim3A_61 : i32 to vector<16xi32>
        tpu.vector_store_idx %arg5[%broadcast_in_dim3A_62, %get3A_38], %get3A_60 {add = true} : memref<8x10000xf32, #tpu.memory_space<vmem>>[vector<16xi32>, vector<16xi32>], vector<16xf32>,
        %mul3A_63 = arith.constant 4 : i32
        %mul3A_64 = arith.muli %scan3A_31, %mul3A_63 : i32
        %add3A_65 = arith.constant 0 : i32
        %add3A_66 = arith.addi %mul3A_64, %add3A_65 : i32
        %mul3A_67 = arith.constant 16 : i32
        %mul3A_68 = arith.muli %add3A_66, %mul3A_67 : i32
        %get3A_69 = arith.constant 2 : i32
        %get3A_70 = arith.index_cast %get3A_69 : i32 to index
        %get3A_71 = arith.index_cast %mul3A_68 : i32 to index
        %get3A_72 = tpu.vector_load %arg7[%get3A_70, %get3A_71] {strides = array<i32>} : memref<8x2560xf32, #tpu.memory_space<vmem>>, vector<16xf32>,
        %broadcast_in_dim3A_73 = arith.constant 2 : i32
        %broadcast_in_dim3A_74 = vector.broadcast %broadcast_in_dim3A_73 : i32 to vector<16xi32>
        tpu.vector_store_idx %arg5[%broadcast_in_dim3A_74, %get3A_38], %get3A_72 {add = true} : memref<8x10000xf32, #tpu.memory_space<vmem>>[vector<16xi32>, vector<16xi32>], vector<16xf32>,
        %mul3A_75 = arith.constant 4 : i32
        %mul3A_76 = arith.muli %scan3A_31, %mul3A_75 : i32
        %add3A_77 = arith.constant 0 : i32
        %add3A_78 = arith.addi %mul3A_76, %add3A_77 : i32
        %mul3A_79 = arith.constant 16 : i32
        %mul3A_80 = arith.muli %add3A_78, %mul3A_79 : i32
        %get3A_81 = arith.constant 3 : i32
        %get3A_82 = arith.index_cast %get3A_81 : i32 to index
        %get3A_83 = arith.index_cast %mul3A_80 : i32 to index
        %get3A_84 = tpu.vector_load %arg7[%get3A_82, %get3A_83] {strides = array<i32>} : memref<8x2560xf32, #tpu.memory_space<vmem>>, vector<16xf32>,
        %broadcast_in_dim3A_85 = arith.constant 3 : i32
        %broadcast_in_dim3A_86 = vector.broadcast %broadcast_in_dim3A_85 : i32 to vector<16xi32>
        tpu.vector_store_idx %arg5[%broadcast_in_dim3A_86, %get3A_38], %get3A_84 {add = true} : memref<8x10000xf32, #tpu.memory_space<vmem>>[vector<16xi32>, vector<16xi32>], vector<16xf32>,
        %mul3A_87 = arith.constant 4 : i32
        %mul3A_88 = arith.muli %scan3A_31, %mul3A_87 : i32
        %add3A_89 = arith.constant 0 : i32
        %add3A_90 = arith.addi %mul3A_88, %add3A_89 : i32
        %mul3A_91 = arith.constant 16 : i32
        %mul3A_92 = arith.muli %add3A_90, %mul3A_91 : i32
        %get3A_93 = arith.constant 4 : i32
        %get3A_94 = arith.index_cast %get3A_93 : i32 to index
        %get3A_95 = arith.index_cast %mul3A_92 : i32 to index
        %get3A_96 = tpu.vector_load %arg7[%get3A_94, %get3A_95] {strides = array<i32>} : memref<8x2560xf32, #tpu.memory_space<vmem>>, vector<16xf32>,
        %broadcast_in_dim3A_97 = arith.constant 4 : i32
        %broadcast_in_dim3A_98 = vector.broadcast %broadcast_in_dim3A_97 : i32 to vector<16xi32>
        tpu.vector_store_idx %arg5[%broadcast_in_dim3A_98, %get3A_38], %get3A_96 {add = true} : memref<8x10000xf32, #tpu.memory_space<vmem>>[vector<16xi32>, vector<16xi32>], vector<16xf32>,
        %mul3A_99 = arith.constant 4 : i32
        %mul3A_100 = arith.muli %scan3A_31, %mul3A_99 : i32
        %add3A_101 = arith.constant 0 : i32
        %add3A_102 = arith.addi %mul3A_100, %add3A_101 : i32
        %mul3A_103 = arith.constant 16 : i32
        %mul3A_104 = arith.muli %add3A_102, %mul3A_103 : i32
        %get3A_105 = arith.constant 5 : i32
        %get3A_106 = arith.index_cast %get3A_105 : i32 to index
        %get3A_107 = arith.index_cast %mul3A_104 : i32 to index
        %get3A_108 = tpu.vector_load %arg7[%get3A_106, %get3A_107] {strides = array<i32>} : memref<8x2560xf32, #tpu.memory_space<vmem>>, vector<16xf32>,
        %broadcast_in_dim3A_109 = arith.constant 5 : i32
        %broadcast_in_dim3A_110 = vector.broadcast %broadcast_in_dim3A_109 : i32 to vector<16xi32>
        tpu.vector_store_idx %arg5[%broadcast_in_dim3A_110, %get3A_38], %get3A_108 {add = true} : memref<8x10000xf32, #tpu.memory_space<vmem>>[vector<16xi32>, vector<16xi32>], vector<16xf32>,
        %mul3A_111 = arith.constant 4 : i32
        %mul3A_112 = arith.muli %scan3A_31, %mul3A_111 : i32
        %add3A_113 = arith.constant 0 : i32
        %add3A_114 = arith.addi %mul3A_112, %add3A_113 : i32
        %mul3A_115 = arith.constant 16 : i32
        %mul3A_116 = arith.muli %add3A_114, %mul3A_115 : i32
        %get3A_117 = arith.constant 6 : i32
        %get3A_118 = arith.index_cast %get3A_117 : i32 to index
        %get3A_119 = arith.index_cast %mul3A_116 : i32 to index
        %get3A_120 = tpu.vector_load %arg7[%get3A_118, %get3A_119] {strides = array<i32>} : memref<8x2560xf32, #tpu.memory_space<vmem>>, vector<16xf32>,
        %broadcast_in_dim3A_121 = arith.constant 6 : i32
        %broadcast_in_dim3A_122 = vector.broadcast %broadcast_in_dim3A_121 : i32 to vector<16xi32>
        tpu.vector_store_idx %arg5[%broadcast_in_dim3A_122, %get3A_38], %get3A_120 {add = true} : memref<8x10000xf32, #tpu.memory_space<vmem>>[vector<16xi32>, vector<16xi32>], vector<16xf32>,
        %mul3A_123 = arith.constant 4 : i32
        %mul3A_124 = arith.muli %scan3A_31, %mul3A_123 : i32
        %add3A_125 = arith.constant 0 : i32
        %add3A_126 = arith.addi %mul3A_124, %add3A_125 : i32
        %mul3A_127 = arith.constant 16 : i32
        %mul3A_128 = arith.muli %add3A_126, %mul3A_127 : i32
        %get3A_129 = arith.constant 7 : i32
        %get3A_130 = arith.index_cast %get3A_129 : i32 to index
        %get3A_131 = arith.index_cast %mul3A_128 : i32 to index
        %get3A_132 = tpu.vector_load %arg7[%get3A_130, %get3A_131] {strides = array<i32>} : memref<8x2560xf32, #tpu.memory_space<vmem>>, vector<16xf32>,
        %broadcast_in_dim3A_133 = arith.constant 7 : i32
        %broadcast_in_dim3A_134 = vector.broadcast %broadcast_in_dim3A_133 : i32 to vector<16xi32>
        tpu.vector_store_idx %arg5[%broadcast_in_dim3A_134, %get3A_38], %get3A_132 {add = true} : memref<8x10000xf32, #tpu.memory_space<vmem>>[vector<16xi32>, vector<16xi32>], vector<16xf32>,
        %mul3A_135 = arith.constant 4 : i32
        %mul3A_136 = arith.muli %scan3A_31, %mul3A_135 : i32
        %add3A_137 = arith.constant 1 : i32
        %add3A_138 = arith.addi %mul3A_136, %add3A_137 : i32
        %mul3A_139 = arith.constant 16 : i32
        %mul3A_140 = arith.muli %add3A_138, %mul3A_139 : i32
        %get3A_141 = arith.index_cast %mul3A_140 : i32 to index
        %get3A_142 = tpu.vector_load %arg6[%get3A_141] {strides = array<i32>} : memref<2560xi32, #tpu.memory_space<vmem>>, vector<16xi32>,
        %mul3A_143 = arith.constant 4 : i32
        %mul3A_144 = arith.muli %scan3A_31, %mul3A_143 : i32
        %add3A_145 = arith.constant 1 : i32
        %add3A_146 = arith.addi %mul3A_144, %add3A_145 : i32
        %mul3A_147 = arith.constant 16 : i32
        %mul3A_148 = arith.muli %add3A_146, %mul3A_147 : i32
        %get3A_149 = arith.constant 0 : i32
        %get3A_150 = arith.index_cast %get3A_149 : i32 to index
        %get3A_151 = arith.index_cast %mul3A_148 : i32 to index
        %get3A_152 = tpu.vector_load %arg7[%get3A_150, %get3A_151] {strides = array<i32>} : memref<8x2560xf32, #tpu.memory_space<vmem>>, vector<16xf32>,
        %broadcast_in_dim3A_153 = arith.constant 0 : i32
        %broadcast_in_dim3A_154 = vector.broadcast %broadcast_in_dim3A_153 : i32 to vector<16xi32>
        tpu.vector_store_idx %arg5[%broadcast_in_dim3A_154, %get3A_142], %get3A_152 {add = true} : memref<8x10000xf32, #tpu.memory_space<vmem>>[vector<16xi32>, vector<16xi32>], vector<16xf32>,
        %mul3A_155 = arith.constant 4 : i32
        %mul3A_156 = arith.muli %scan3A_31, %mul3A_155 : i32
        %add3A_157 = arith.constant 1 : i32
        %add3A_158 = arith.addi %mul3A_156, %add3A_157 : i32
        %mul3A_159 = arith.constant 16 : i32
        %mul3A_160 = arith.muli %add3A_158, %mul3A_159 : i32
        %get3A_161 = arith.constant 1 : i32
        %get3A_162 = arith.index_cast %get3A_161 : i32 to index
        %get3A_163 = arith.index_cast %mul3A_160 : i32 to index
        %get3A_164 = tpu.vector_load %arg7[%get3A_162, %get3A_163] {strides = array<i32>} : memref<8x2560xf32, #tpu.memory_space<vmem>>, vector<16xf32>,
        %broadcast_in_dim3A_165 = arith.constant 1 : i32
        %broadcast_in_dim3A_166 = vector.broadcast %broadcast_in_dim3A_165 : i32 to vector<16xi32>
        tpu.vector_store_idx %arg5[%broadcast_in_dim3A_166, %get3A_142], %get3A_164 {add = true} : memref<8x10000xf32, #tpu.memory_space<vmem>>[vector<16xi32>, vector<16xi32>], vector<16xf32>,
        %mul3A_167 = arith.constant 4 : i32
        %mul3A_168 = arith.muli %scan3A_31, %mul3A_167 : i32
        %add3A_169 = arith.constant 1 : i32
        %add3A_170 = arith.addi %mul3A_168, %add3A_169 : i32
        %mul3A_171 = arith.constant 16 : i32
        %mul3A_172 = arith.muli %add3A_170, %mul3A_171 : i32
        %get3A_173 = arith.constant 2 : i32
        %get3A_174 = arith.index_cast %get3A_173 : i32 to index
        %get3A_175 = arith.index_cast %mul3A_172 : i32 to index
        %get3A_176 = tpu.vector_load %arg7[%get3A_174, %get3A_175] {strides = array<i32>} : memref<8x2560xf32, #tpu.memory_space<vmem>>, vector<16xf32>,
        %broadcast_in_dim3A_177 = arith.constant 2 : i32
        %broadcast_in_dim3A_178 = vector.broadcast %broadcast_in_dim3A_177 : i32 to vector<16xi32>
        tpu.vector_store_idx %arg5[%broadcast_in_dim3A_178, %get3A_142], %get3A_176 {add = true} : memref<8x10000xf32, #tpu.memory_space<vmem>>[vector<16xi32>, vector<16xi32>], vector<16xf32>,
        %mul3A_179 = arith.constant 4 : i32
        %mul3A_180 = arith.muli %scan3A_31, %mul3A_179 : i32
        %add3A_181 = arith.constant 1 : i32
        %add3A_182 = arith.addi %mul3A_180, %add3A_181 : i32
        %mul3A_183 = arith.constant 16 : i32
        %mul3A_184 = arith.muli %add3A_182, %mul3A_183 : i32
        %get3A_185 = arith.constant 3 : i32
        %get3A_186 = arith.index_cast %get3A_185 : i32 to index
        %get3A_187 = arith.index_cast %mul3A_184 : i32 to index
        %get3A_188 = tpu.vector_load %arg7[%get3A_186, %get3A_187] {strides = array<i32>} : memref<8x2560xf32, #tpu.memory_space<vmem>>, vector<16xf32>,
        %broadcast_in_dim3A_189 = arith.constant 3 : i32
        %broadcast_in_dim3A_190 = vector.broadcast %broadcast_in_dim3A_189 : i32 to vector<16xi32>
        tpu.vector_store_idx %arg5[%broadcast_in_dim3A_190, %get3A_142], %get3A_188 {add = true} : memref<8x10000xf32, #tpu.memory_space<vmem>>[vector<16xi32>, vector<16xi32>], vector<16xf32>,
        %mul3A_191 = arith.constant 4 : i32
        %mul3A_192 = arith.muli %scan3A_31, %mul3A_191 : i32
        %add3A_193 = arith.constant 1 : i32
        %add3A_194 = arith.addi %mul3A_192, %add3A_193 : i32
        %mul3A_195 = arith.constant 16 : i32
        %mul3A_196 = arith.muli %add3A_194, %mul3A_195 : i32
        %get3A_197 = arith.constant 4 : i32
        %get3A_198 = arith.index_cast %get3A_197 : i32 to index
        %get3A_199 = arith.index_cast %mul3A_196 : i32 to index
        %get3A_200 = tpu.vector_load %arg7[%get3A_198, %get3A_199] {strides = array<i32>} : memref<8x2560xf32, #tpu.memory_space<vmem>>, vector<16xf32>,
        %broadcast_in_dim3A_201 = arith.constant 4 : i32
        %broadcast_in_dim3A_202 = vector.broadcast %broadcast_in_dim3A_201 : i32 to vector<16xi32>
        tpu.vector_store_idx %arg5[%broadcast_in_dim3A_202, %get3A_142], %get3A_200 {add = true} : memref<8x10000xf32, #tpu.memory_space<vmem>>[vector<16xi32>, vector<16xi32>], vector<16xf32>,
        %mul3A_203 = arith.constant 4 : i32
        %mul3A_204 = arith.muli %scan3A_31, %mul3A_203 : i32
        %add3A_205 = arith.constant 1 : i32
        %add3A_206 = arith.addi %mul3A_204, %add3A_205 : i32
        %mul3A_207 = arith.constant 16 : i32
        %mul3A_208 = arith.muli %add3A_206, %mul3A_207 : i32
        %get3A_209 = arith.constant 5 : i32
        %get3A_210 = arith.index_cast %get3A_209 : i32 to index
        %get3A_211 = arith.index_cast %mul3A_208 : i32 to index
        %get3A_212 = tpu.vector_load %arg7[%get3A_210, %get3A_211] {strides = array<i32>} : memref<8x2560xf32, #tpu.memory_space<vmem>>, vector<16xf32>,
        %broadcast_in_dim3A_213 = arith.constant 5 : i32
        %broadcast_in_dim3A_214 = vector.broadcast %broadcast_in_dim3A_213 : i32 to vector<16xi32>
        tpu.vector_store_idx %arg5[%broadcast_in_dim3A_214, %get3A_142], %get3A_212 {add = true} : memref<8x10000xf32, #tpu.memory_space<vmem>>[vector<16xi32>, vector<16xi32>], vector<16xf32>,
        %mul3A_215 = arith.constant 4 : i32
        %mul3A_216 = arith.muli %scan3A_31, %mul3A_215 : i32
        %add3A_217 = arith.constant 1 : i32
        %add3A_218 = arith.addi %mul3A_216, %add3A_217 : i32
        %mul3A_219 = arith.constant 16 : i32
        %mul3A_220 = arith.muli %add3A_218, %mul3A_219 : i32
        %get3A_221 = arith.constant 6 : i32
        %get3A_222 = arith.index_cast %get3A_221 : i32 to index
        %get3A_223 = arith.index_cast %mul3A_220 : i32 to index
        %get3A_224 = tpu.vector_load %arg7[%get3A_222, %get3A_223] {strides = array<i32>} : memref<8x2560xf32, #tpu.memory_space<vmem>>, vector<16xf32>,
        %broadcast_in_dim3A_225 = arith.constant 6 : i32
        %broadcast_in_dim3A_226 = vector.broadcast %broadcast_in_dim3A_225 : i32 to vector<16xi32>
        tpu.vector_store_idx %arg5[%broadcast_in_dim3A_226, %get3A_142], %get3A_224 {add = true} : memref<8x10000xf32, #tpu.memory_space<vmem>>[vector<16xi32>, vector<16xi32>], vector<16xf32>,
        %mul3A_227 = arith.constant 4 : i32
        %mul3A_228 = arith.muli %scan3A_31, %mul3A_227 : i32
        %add3A_229 = arith.constant 1 : i32
        %add3A_230 = arith.addi %mul3A_228, %add3A_229 : i32
        %mul3A_231 = arith.constant 16 : i32
        %mul3A_232 = arith.muli %add3A_230, %mul3A_231 : i32
        %get3A_233 = arith.constant 7 : i32
        %get3A_234 = arith.index_cast %get3A_233 : i32 to index
        %get3A_235 = arith.index_cast %mul3A_232 : i32 to index
        %get3A_236 = tpu.vector_load %arg7[%get3A_234, %get3A_235] {strides = array<i32>} : memref<8x2560xf32, #tpu.memory_space<vmem>>, vector<16xf32>,
        %broadcast_in_dim3A_237 = arith.constant 7 : i32
        %broadcast_in_dim3A_238 = vector.broadcast %broadcast_in_dim3A_237 : i32 to vector<16xi32>
        tpu.vector_store_idx %arg5[%broadcast_in_dim3A_238, %get3A_142], %get3A_236 {add = true} : memref<8x10000xf32, #tpu.memory_space<vmem>>[vector<16xi32>, vector<16xi32>], vector<16xf32>,
        %mul3A_239 = arith.constant 4 : i32
        %mul3A_240 = arith.muli %scan3A_31, %mul3A_239 : i32
        %add3A_241 = arith.constant 2 : i32
        %add3A_242 = arith.addi %mul3A_240, %add3A_241 : i32
        %mul3A_243 = arith.constant 16 : i32
        %mul3A_244 = arith.muli %add3A_242, %mul3A_243 : i32
        %get3A_245 = arith.index_cast %mul3A_244 : i32 to index
        %get3A_246 = tpu.vector_load %arg6[%get3A_245] {strides = array<i32>} : memref<2560xi32, #tpu.memory_space<vmem>>, vector<16xi32>,
        %mul3A_247 = arith.constant 4 : i32
        %mul3A_248 = arith.muli %scan3A_31, %mul3A_247 : i32
        %add3A_249 = arith.constant 2 : i32
        %add3A_250 = arith.addi %mul3A_248, %add3A_249 : i32
        %mul3A_251 = arith.constant 16 : i32
        %mul3A_252 = arith.muli %add3A_250, %mul3A_251 : i32
        %get3A_253 = arith.constant 0 : i32
        %get3A_254 = arith.index_cast %get3A_253 : i32 to index
        %get3A_255 = arith.index_cast %mul3A_252 : i32 to index
        %get3A_256 = tpu.vector_load %arg7[%get3A_254, %get3A_255] {strides = array<i32>} : memref<8x2560xf32, #tpu.memory_space<vmem>>, vector<16xf32>,
        %broadcast_in_dim3A_257 = arith.constant 0 : i32
        %broadcast_in_dim3A_258 = vector.broadcast %broadcast_in_dim3A_257 : i32 to vector<16xi32>
        tpu.vector_store_idx %arg5[%broadcast_in_dim3A_258, %get3A_246], %get3A_256 {add = true} : memref<8x10000xf32, #tpu.memory_space<vmem>>[vector<16xi32>, vector<16xi32>], vector<16xf32>,
        %mul3A_259 = arith.constant 4 : i32
        %mul3A_260 = arith.muli %scan3A_31, %mul3A_259 : i32
        %add3A_261 = arith.constant 2 : i32
        %add3A_262 = arith.addi %mul3A_260, %add3A_261 : i32
        %mul3A_263 = arith.constant 16 : i32
        %mul3A_264 = arith.muli %add3A_262, %mul3A_263 : i32
        %get3A_265 = arith.constant 1 : i32
        %get3A_266 = arith.index_cast %get3A_265 : i32 to index
        %get3A_267 = arith.index_cast %mul3A_264 : i32 to index
        %get3A_268 = tpu.vector_load %arg7[%get3A_266, %get3A_267] {strides = array<i32>} : memref<8x2560xf32, #tpu.memory_space<vmem>>, vector<16xf32>,
        %broadcast_in_dim3A_269 = arith.constant 1 : i32
        %broadcast_in_dim3A_270 = vector.broadcast %broadcast_in_dim3A_269 : i32 to vector<16xi32>
        tpu.vector_store_idx %arg5[%broadcast_in_dim3A_270, %get3A_246], %get3A_268 {add = true} : memref<8x10000xf32, #tpu.memory_space<vmem>>[vector<16xi32>, vector<16xi32>], vector<16xf32>,
        %mul3A_271 = arith.constant 4 : i32
        %mul3A_272 = arith.muli %scan3A_31, %mul3A_271 : i32
        %add3A_273 = arith.constant 2 : i32
        %add3A_274 = arith.addi %mul3A_272, %add3A_273 : i32
        %mul3A_275 = arith.constant 16 : i32
        %mul3A_276 = arith.muli %add3A_274, %mul3A_275 : i32
        %get3A_277 = arith.constant 2 : i32
        %get3A_278 = arith.index_cast %get3A_277 : i32 to index
        %get3A_279 = arith.index_cast %mul3A_276 : i32 to index
        %get3A_280 = tpu.vector_load %arg7[%get3A_278, %get3A_279] {strides = array<i32>} : memref<8x2560xf32, #tpu.memory_space<vmem>>, vector<16xf32>,
        %broadcast_in_dim3A_281 = arith.constant 2 : i32
        %broadcast_in_dim3A_282 = vector.broadcast %broadcast_in_dim3A_281 : i32 to vector<16xi32>
        tpu.vector_store_idx %arg5[%broadcast_in_dim3A_282, %get3A_246], %get3A_280 {add = true} : memref<8x10000xf32, #tpu.memory_space<vmem>>[vector<16xi32>, vector<16xi32>], vector<16xf32>,
        %mul3A_283 = arith.constant 4 : i32
        %mul3A_284 = arith.muli %scan3A_31, %mul3A_283 : i32
        %add3A_285 = arith.constant 2 : i32
        %add3A_286 = arith.addi %mul3A_284, %add3A_285 : i32
        %mul3A_287 = arith.constant 16 : i32
        %mul3A_288 = arith.muli %add3A_286, %mul3A_287 : i32
        %get3A_289 = arith.constant 3 : i32
        %get3A_290 = arith.index_cast %get3A_289 : i32 to index
        %get3A_291 = arith.index_cast %mul3A_288 : i32 to index
        %get3A_292 = tpu.vector_load %arg7[%get3A_290, %get3A_291] {strides = array<i32>} : memref<8x2560xf32, #tpu.memory_space<vmem>>, vector<16xf32>,
        %broadcast_in_dim3A_293 = arith.constant 3 : i32
        %broadcast_in_dim3A_294 = vector.broadcast %broadcast_in_dim3A_293 : i32 to vector<16xi32>
        tpu.vector_store_idx %arg5[%broadcast_in_dim3A_294, %get3A_246], %get3A_292 {add = true} : memref<8x10000xf32, #tpu.memory_space<vmem>>[vector<16xi32>, vector<16xi32>], vector<16xf32>,
        %mul3A_295 = arith.constant 4 : i32
        %mul3A_296 = arith.muli %scan3A_31, %mul3A_295 : i32
        %add3A_297 = arith.constant 2 : i32
        %add3A_298 = arith.addi %mul3A_296, %add3A_297 : i32
        %mul3A_299 = arith.constant 16 : i32
        %mul3A_300 = arith.muli %add3A_298, %mul3A_299 : i32
        %get3A_301 = arith.constant 4 : i32
        %get3A_302 = arith.index_cast %get3A_301 : i32 to index
        %get3A_303 = arith.index_cast %mul3A_300 : i32 to index
        %get3A_304 = tpu.vector_load %arg7[%get3A_302, %get3A_303] {strides = array<i32>} : memref<8x2560xf32, #tpu.memory_space<vmem>>, vector<16xf32>,
        %broadcast_in_dim3A_305 = arith.constant 4 : i32
        %broadcast_in_dim3A_306 = vector.broadcast %broadcast_in_dim3A_305 : i32 to vector<16xi32>
        tpu.vector_store_idx %arg5[%broadcast_in_dim3A_306, %get3A_246], %get3A_304 {add = true} : memref<8x10000xf32, #tpu.memory_space<vmem>>[vector<16xi32>, vector<16xi32>], vector<16xf32>,
        %mul3A_307 = arith.constant 4 : i32
        %mul3A_308 = arith.muli %scan3A_31, %mul3A_307 : i32
        %add3A_309 = arith.constant 2 : i32
        %add3A_310 = arith.addi %mul3A_308, %add3A_309 : i32
        %mul3A_311 = arith.constant 16 : i32
        %mul3A_312 = arith.muli %add3A_310, %mul3A_311 : i32
        %get3A_313 = arith.constant 5 : i32
        %get3A_314 = arith.index_cast %get3A_313 : i32 to index
        %get3A_315 = arith.index_cast %mul3A_312 : i32 to index
        %get3A_316 = tpu.vector_load %arg7[%get3A_314, %get3A_315] {strides = array<i32>} : memref<8x2560xf32, #tpu.memory_space<vmem>>, vector<16xf32>,
        %broadcast_in_dim3A_317 = arith.constant 5 : i32
        %broadcast_in_dim3A_318 = vector.broadcast %broadcast_in_dim3A_317 : i32 to vector<16xi32>
        tpu.vector_store_idx %arg5[%broadcast_in_dim3A_318, %get3A_246], %get3A_316 {add = true} : memref<8x10000xf32, #tpu.memory_space<vmem>>[vector<16xi32>, vector<16xi32>], vector<16xf32>,
        %mul3A_319 = arith.constant 4 : i32
        %mul3A_320 = arith.muli %scan3A_31, %mul3A_319 : i32
        %add3A_321 = arith.constant 2 : i32
        %add3A_322 = arith.addi %mul3A_320, %add3A_321 : i32
        %mul3A_323 = arith.constant 16 : i32
        %mul3A_324 = arith.muli %add3A_322, %mul3A_323 : i32
        %get3A_325 = arith.constant 6 : i32
        %get3A_326 = arith.index_cast %get3A_325 : i32 to index
        %get3A_327 = arith.index_cast %mul3A_324 : i32 to index
        %get3A_328 = tpu.vector_load %arg7[%get3A_326, %get3A_327] {strides = array<i32>} : memref<8x2560xf32, #tpu.memory_space<vmem>>, vector<16xf32>,
        %broadcast_in_dim3A_329 = arith.constant 6 : i32
        %broadcast_in_dim3A_330 = vector.broadcast %broadcast_in_dim3A_329 : i32 to vector<16xi32>
        tpu.vector_store_idx %arg5[%broadcast_in_dim3A_330, %get3A_246], %get3A_328 {add = true} : memref<8x10000xf32, #tpu.memory_space<vmem>>[vector<16xi32>, vector<16xi32>], vector<16xf32>,
        %mul3A_331 = arith.constant 4 : i32
        %mul3A_332 = arith.muli %scan3A_31, %mul3A_331 : i32
        %add3A_333 = arith.constant 2 : i32
        %add3A_334 = arith.addi %mul3A_332, %add3A_333 : i32
        %mul3A_335 = arith.constant 16 : i32
        %mul3A_336 = arith.muli %add3A_334, %mul3A_335 : i32
        %get3A_337 = arith.constant 7 : i32
        %get3A_338 = arith.index_cast %get3A_337 : i32 to index
        %get3A_339 = arith.index_cast %mul3A_336 : i32 to index
        %get3A_340 = tpu.vector_load %arg7[%get3A_338, %get3A_339] {strides = array<i32>} : memref<8x2560xf32, #tpu.memory_space<vmem>>, vector<16xf32>,
        %broadcast_in_dim3A_341 = arith.constant 7 : i32
        %broadcast_in_dim3A_342 = vector.broadcast %broadcast_in_dim3A_341 : i32 to vector<16xi32>
        tpu.vector_store_idx %arg5[%broadcast_in_dim3A_342, %get3A_246], %get3A_340 {add = true} : memref<8x10000xf32, #tpu.memory_space<vmem>>[vector<16xi32>, vector<16xi32>], vector<16xf32>,
        %mul3A_343 = arith.constant 4 : i32
        %mul3A_344 = arith.muli %scan3A_31, %mul3A_343 : i32
        %add3A_345 = arith.constant 3 : i32
        %add3A_346 = arith.addi %mul3A_344, %add3A_345 : i32
        %mul3A_347 = arith.constant 16 : i32
        %mul3A_348 = arith.muli %add3A_346, %mul3A_347 : i32
        %get3A_349 = arith.index_cast %mul3A_348 : i32 to index
        %get3A_350 = tpu.vector_load %arg6[%get3A_349] {strides = array<i32>} : memref<2560xi32, #tpu.memory_space<vmem>>, vector<16xi32>,
        %mul3A_351 = arith.constant 4 : i32
        %mul3A_352 = arith.muli %scan3A_31, %mul3A_351 : i32
        %add3A_353 = arith.constant 3 : i32
        %add3A_354 = arith.addi %mul3A_352, %add3A_353 : i32
        %mul3A_355 = arith.constant 16 : i32
        %mul3A_356 = arith.muli %add3A_354, %mul3A_355 : i32
        %get3A_357 = arith.constant 0 : i32
        %get3A_358 = arith.index_cast %get3A_357 : i32 to index
        %get3A_359 = arith.index_cast %mul3A_356 : i32 to index
        %get3A_360 = tpu.vector_load %arg7[%get3A_358, %get3A_359] {strides = array<i32>} : memref<8x2560xf32, #tpu.memory_space<vmem>>, vector<16xf32>,
        %broadcast_in_dim3A_361 = arith.constant 0 : i32
        %broadcast_in_dim3A_362 = vector.broadcast %broadcast_in_dim3A_361 : i32 to vector<16xi32>
        tpu.vector_store_idx %arg5[%broadcast_in_dim3A_362, %get3A_350], %get3A_360 {add = true} : memref<8x10000xf32, #tpu.memory_space<vmem>>[vector<16xi32>, vector<16xi32>], vector<16xf32>,
        %mul3A_363 = arith.constant 4 : i32
        %mul3A_364 = arith.muli %scan3A_31, %mul3A_363 : i32
        %add3A_365 = arith.constant 3 : i32
        %add3A_366 = arith.addi %mul3A_364, %add3A_365 : i32
        %mul3A_367 = arith.constant 16 : i32
        %mul3A_368 = arith.muli %add3A_366, %mul3A_367 : i32
        %get3A_369 = arith.constant 1 : i32
        %get3A_370 = arith.index_cast %get3A_369 : i32 to index
        %get3A_371 = arith.index_cast %mul3A_368 : i32 to index
        %get3A_372 = tpu.vector_load %arg7[%get3A_370, %get3A_371] {strides = array<i32>} : memref<8x2560xf32, #tpu.memory_space<vmem>>, vector<16xf32>,
        %broadcast_in_dim3A_373 = arith.constant 1 : i32
        %broadcast_in_dim3A_374 = vector.broadcast %broadcast_in_dim3A_373 : i32 to vector<16xi32>
        tpu.vector_store_idx %arg5[%broadcast_in_dim3A_374, %get3A_350], %get3A_372 {add = true} : memref<8x10000xf32, #tpu.memory_space<vmem>>[vector<16xi32>, vector<16xi32>], vector<16xf32>,
        %mul3A_375 = arith.constant 4 : i32
        %mul3A_376 = arith.muli %scan3A_31, %mul3A_375 : i32
        %add3A_377 = arith.constant 3 : i32
        %add3A_378 = arith.addi %mul3A_376, %add3A_377 : i32
        %mul3A_379 = arith.constant 16 : i32
        %mul3A_380 = arith.muli %add3A_378, %mul3A_379 : i32
        %get3A_381 = arith.constant 2 : i32
        %get3A_382 = arith.index_cast %get3A_381 : i32 to index
        %get3A_383 = arith.index_cast %mul3A_380 : i32 to index
        %get3A_384 = tpu.vector_load %arg7[%get3A_382, %get3A_383] {strides = array<i32>} : memref<8x2560xf32, #tpu.memory_space<vmem>>, vector<16xf32>,
        %broadcast_in_dim3A_385 = arith.constant 2 : i32
        %broadcast_in_dim3A_386 = vector.broadcast %broadcast_in_dim3A_385 : i32 to vector<16xi32>
        tpu.vector_store_idx %arg5[%broadcast_in_dim3A_386, %get3A_350], %get3A_384 {add = true} : memref<8x10000xf32, #tpu.memory_space<vmem>>[vector<16xi32>, vector<16xi32>], vector<16xf32>,
        %mul3A_387 = arith.constant 4 : i32
        %mul3A_388 = arith.muli %scan3A_31, %mul3A_387 : i32
        %add3A_389 = arith.constant 3 : i32
        %add3A_390 = arith.addi %mul3A_388, %add3A_389 : i32
        %mul3A_391 = arith.constant 16 : i32
        %mul3A_392 = arith.muli %add3A_390, %mul3A_391 : i32
        %get3A_393 = arith.constant 3 : i32
        %get3A_394 = arith.index_cast %get3A_393 : i32 to index
        %get3A_395 = arith.index_cast %mul3A_392 : i32 to index
        %get3A_396 = tpu.vector_load %arg7[%get3A_394, %get3A_395] {strides = array<i32>} : memref<8x2560xf32, #tpu.memory_space<vmem>>, vector<16xf32>,
        %broadcast_in_dim3A_397 = arith.constant 3 : i32
        %broadcast_in_dim3A_398 = vector.broadcast %broadcast_in_dim3A_397 : i32 to vector<16xi32>
        tpu.vector_store_idx %arg5[%broadcast_in_dim3A_398, %get3A_350], %get3A_396 {add = true} : memref<8x10000xf32, #tpu.memory_space<vmem>>[vector<16xi32>, vector<16xi32>], vector<16xf32>,
        %mul3A_399 = arith.constant 4 : i32
        %mul3A_400 = arith.muli %scan3A_31, %mul3A_399 : i32
        %add3A_401 = arith.constant 3 : i32
        %add3A_402 = arith.addi %mul3A_400, %add3A_401 : i32
        %mul3A_403 = arith.constant 16 : i32
        %mul3A_404 = arith.muli %add3A_402, %mul3A_403 : i32
        %get3A_405 = arith.constant 4 : i32
        %get3A_406 = arith.index_cast %get3A_405 : i32 to index
        %get3A_407 = arith.index_cast %mul3A_404 : i32 to index
        %get3A_408 = tpu.vector_load %arg7[%get3A_406, %get3A_407] {strides = array<i32>} : memref<8x2560xf32, #tpu.memory_space<vmem>>, vector<16xf32>,
        %broadcast_in_dim3A_409 = arith.constant 4 : i32
        %broadcast_in_dim3A_410 = vector.broadcast %broadcast_in_dim3A_409 : i32 to vector<16xi32>
        tpu.vector_store_idx %arg5[%broadcast_in_dim3A_410, %get3A_350], %get3A_408 {add = true} : memref<8x10000xf32, #tpu.memory_space<vmem>>[vector<16xi32>, vector<16xi32>], vector<16xf32>,
        %mul3A_411 = arith.constant 4 : i32
        %mul3A_412 = arith.muli %scan3A_31, %mul3A_411 : i32
        %add3A_413 = arith.constant 3 : i32
        %add3A_414 = arith.addi %mul3A_412, %add3A_413 : i32
        %mul3A_415 = arith.constant 16 : i32
        %mul3A_416 = arith.muli %add3A_414, %mul3A_415 : i32
        %get3A_417 = arith.constant 5 : i32
        %get3A_418 = arith.index_cast %get3A_417 : i32 to index
        %get3A_419 = arith.index_cast %mul3A_416 : i32 to index
        %get3A_420 = tpu.vector_load %arg7[%get3A_418, %get3A_419] {strides = array<i32>} : memref<8x2560xf32, #tpu.memory_space<vmem>>, vector<16xf32>,
        %broadcast_in_dim3A_421 = arith.constant 5 : i32
        %broadcast_in_dim3A_422 = vector.broadcast %broadcast_in_dim3A_421 : i32 to vector<16xi32>
        tpu.vector_store_idx %arg5[%broadcast_in_dim3A_422, %get3A_350], %get3A_420 {add = true} : memref<8x10000xf32, #tpu.memory_space<vmem>>[vector<16xi32>, vector<16xi32>], vector<16xf32>,
        %mul3A_423 = arith.constant 4 : i32
        %mul3A_424 = arith.muli %scan3A_31, %mul3A_423 : i32
        %add3A_425 = arith.constant 3 : i32
        %add3A_426 = arith.addi %mul3A_424, %add3A_425 : i32
        %mul3A_427 = arith.constant 16 : i32
        %mul3A_428 = arith.muli %add3A_426, %mul3A_427 : i32
        %get3A_429 = arith.constant 6 : i32
        %get3A_430 = arith.index_cast %get3A_429 : i32 to index
        %get3A_431 = arith.index_cast %mul3A_428 : i32 to index
        %get3A_432 = tpu.vector_load %arg7[%get3A_430, %get3A_431] {strides = array<i32>} : memref<8x2560xf32, #tpu.memory_space<vmem>>, vector<16xf32>,
        %broadcast_in_dim3A_433 = arith.constant 6 : i32
        %broadcast_in_dim3A_434 = vector.broadcast %broadcast_in_dim3A_433 : i32 to vector<16xi32>
        tpu.vector_store_idx %arg5[%broadcast_in_dim3A_434, %get3A_350], %get3A_432 {add = true} : memref<8x10000xf32, #tpu.memory_space<vmem>>[vector<16xi32>, vector<16xi32>], vector<16xf32>,
        %mul3A_435 = arith.constant 4 : i32
        %mul3A_436 = arith.muli %scan3A_31, %mul3A_435 : i32
        %add3A_437 = arith.constant 3 : i32
        %add3A_438 = arith.addi %mul3A_436, %add3A_437 : i32
        %mul3A_439 = arith.constant 16 : i32
        %mul3A_440 = arith.muli %add3A_438, %mul3A_439 : i32
        %get3A_441 = arith.constant 7 : i32
        %get3A_442 = arith.index_cast %get3A_441 : i32 to index
        %get3A_443 = arith.index_cast %mul3A_440 : i32 to index
        %get3A_444 = tpu.vector_load %arg7[%get3A_442, %get3A_443] {strides = array<i32>} : memref<8x2560xf32, #tpu.memory_space<vmem>>, vector<16xf32>,
        %broadcast_in_dim3A_445 = arith.constant 7 : i32
        %broadcast_in_dim3A_446 = vector.broadcast %broadcast_in_dim3A_445 : i32 to vector<16xi32>
        tpu.vector_store_idx %arg5[%broadcast_in_dim3A_446, %get3A_350], %get3A_444 {add = true} : memref<8x10000xf32, #tpu.memory_space<vmem>>[vector<16xi32>, vector<16xi32>], vector<16xf32>,
      }
      %scan3A_30 = arith.constant 40 : i32
    }
    %while3A_18 = arith.constant 1 : i32
    scf.for %while3A_19 = %while3A_16 to %while3A_12 step %while3A_18  : i32 {
      %mul3A_20 = arith.constant 4 : i32
      %mul3A_21 = arith.muli %add3A, %mul3A_20 : i32
      %add3A_22 = arith.addi %mul3A_21, %while3A_19 : i32
      %mul3A_23 = arith.constant 2560 : i32
      %mul3A_24 = arith.muli %add3A_22, %mul3A_23 : i32
      "tpu.region"() ({
        %run_scoped3A = tpu.sem_alloc : memref<!tpu.dma_semaphore, #tpu.memory_space<semaphore_mem>>
        %dma_start3A = tpu.memref_slice %arg2[%mul3A_24] : memref<320000xi32, #tpu.memory_space<hbm>> -> memref<2560xi32, #tpu.memory_space<hbm>>
        %dma_start3A_31 = tpu.memref_slice %arg2[%mul3A_24] : memref<320000xi32, #tpu.memory_space<hbm>> -> memref<2560xi32, #tpu.memory_space<hbm>>
        tpu.enqueue_dma source(%dma_start3A_31 : memref<2560xi32, #tpu.memory_space<hbm>>) target(%arg6 : memref<2560xi32, #tpu.memory_space<vmem>>) target_semaphore(%run_scoped3A : memref<!tpu.dma_semaphore, #tpu.memory_space<semaphore_mem>>)
        %dma_wait3A = tpu.memref_slice %arg2[%mul3A_24] : memref<320000xi32, #tpu.memory_space<hbm>> -> memref<2560xi32, #tpu.memory_space<hbm>>
        %dma_wait3A_32 = tpu.memref_slice %arg2[%mul3A_24] : memref<320000xi32, #tpu.memory_space<hbm>> -> memref<2560xi32, #tpu.memory_space<hbm>>
        tpu.wait_dma2 semaphore(%run_scoped3A : memref<!tpu.dma_semaphore, #tpu.memory_space<semaphore_mem>>) src(%dma_wait3A_32 : memref<2560xi32, #tpu.memory_space<hbm>>) dst(%arg6 : memref<2560xi32, #tpu.memory_space<vmem>>)
        tpu.yield
      }) : () -> ()
      "tpu.region"() ({
        %run_scoped3A = tpu.sem_alloc : memref<!tpu.dma_semaphore, #tpu.memory_space<semaphore_mem>>
        %dma_start3A = arith.constant 0 : i32
        %dma_start3A_31 = tpu.memref_slice %arg3[%dma_start3A, %mul3A_24] : memref<8x320000xf32, #tpu.memory_space<hbm>> -> memref<8x2560xf32, #tpu.memory_space<hbm>>
        %dma_start3A_32 = arith.constant 0 : i32
        %dma_start3A_33 = tpu.memref_slice %arg3[%dma_start3A_32, %mul3A_24] : memref<8x320000xf32, #tpu.memory_space<hbm>> -> memref<8x2560xf32, #tpu.memory_space<hbm>>
        tpu.enqueue_dma source(%dma_start3A_33 : memref<8x2560xf32, #tpu.memory_space<hbm>>) target(%arg7 : memref<8x2560xf32, #tpu.memory_space<vmem>>) target_semaphore(%run_scoped3A : memref<!tpu.dma_semaphore, #tpu.memory_space<semaphore_mem>>)
        %dma_wait3A = arith.constant 0 : i32
        %dma_wait3A_34 = tpu.memref_slice %arg3[%dma_wait3A, %mul3A_24] : memref<8x320000xf32, #tpu.memory_space<hbm>> -> memref<8x2560xf32, #tpu.memory_space<hbm>>
        %dma_wait3A_35 = arith.constant 0 : i32
        %dma_wait3A_36 = tpu.memref_slice %arg3[%dma_wait3A_35, %mul3A_24] : memref<8x320000xf32, #tpu.memory_space<hbm>> -> memref<8x2560xf32, #tpu.memory_space<hbm>>
        tpu.wait_dma2 semaphore(%run_scoped3A : memref<!tpu.dma_semaphore, #tpu.memory_space<semaphore_mem>>) src(%dma_wait3A_36 : memref<8x2560xf32, #tpu.memory_space<hbm>>) dst(%arg7 : memref<8x2560xf32, #tpu.memory_space<vmem>>)
        tpu.yield
      }) : () -> ()
      %scan3A_25 = arith.constant 0 : i32
      %scan3A_26 = arith.constant 0 : i32
      %scan3A_27 = arith.constant 40 : i32
      %scan3A_28 = arith.addi %scan3A_26, %scan3A_27 : i32
      %scan3A_29 = arith.constant 1 : i32
      scf.for %scan3A_31 = %scan3A_26 to %scan3A_28 step %scan3A_29  : i32 {
        %mul3A_32 = arith.constant 4 : i32
        %mul3A_33 = arith.muli %scan3A_31, %mul3A_32 : i32
        %add3A_34 = arith.constant 0 : i32
        %add3A_35 = arith.addi %mul3A_33, %add3A_34 : i32
        %mul3A_36 = arith.constant 16 : i32
        %mul3A_37 = arith.muli %add3A_35, %mul3A_36 : i32
        %get3A = arith.index_cast %mul3A_37 : i32 to index
        %get3A_38 = tpu.vector_load %arg6[%get3A] {strides = array<i32>} : memref<2560xi32, #tpu.memory_space<vmem>>, vector<16xi32>,
        %mul3A_39 = arith.constant 4 : i32
        %mul3A_40 = arith.muli %scan3A_31, %mul3A_39 : i32
        %add3A_41 = arith.constant 0 : i32
        %add3A_42 = arith.addi %mul3A_40, %add3A_41 : i32
        %mul3A_43 = arith.constant 16 : i32
        %mul3A_44 = arith.muli %add3A_42, %mul3A_43 : i32
        %get3A_45 = arith.constant 0 : i32
        %get3A_46 = arith.index_cast %get3A_45 : i32 to index
        %get3A_47 = arith.index_cast %mul3A_44 : i32 to index
        %get3A_48 = tpu.vector_load %arg7[%get3A_46, %get3A_47] {strides = array<i32>} : memref<8x2560xf32, #tpu.memory_space<vmem>>, vector<16xf32>,
        %broadcast_in_dim3A_49 = arith.constant 0 : i32
        %broadcast_in_dim3A_50 = vector.broadcast %broadcast_in_dim3A_49 : i32 to vector<16xi32>
        tpu.vector_store_idx %arg5[%broadcast_in_dim3A_50, %get3A_38], %get3A_48 {add = true} : memref<8x10000xf32, #tpu.memory_space<vmem>>[vector<16xi32>, vector<16xi32>], vector<16xf32>,
        %mul3A_51 = arith.constant 4 : i32
        %mul3A_52 = arith.muli %scan3A_31, %mul3A_51 : i32
        %add3A_53 = arith.constant 0 : i32
        %add3A_54 = arith.addi %mul3A_52, %add3A_53 : i32
        %mul3A_55 = arith.constant 16 : i32
        %mul3A_56 = arith.muli %add3A_54, %mul3A_55 : i32
        %get3A_57 = arith.constant 1 : i32
        %get3A_58 = arith.index_cast %get3A_57 : i32 to index
        %get3A_59 = arith.index_cast %mul3A_56 : i32 to index
        %get3A_60 = tpu.vector_load %arg7[%get3A_58, %get3A_59] {strides = array<i32>} : memref<8x2560xf32, #tpu.memory_space<vmem>>, vector<16xf32>,
        %broadcast_in_dim3A_61 = arith.constant 1 : i32
        %broadcast_in_dim3A_62 = vector.broadcast %broadcast_in_dim3A_61 : i32 to vector<16xi32>
        tpu.vector_store_idx %arg5[%broadcast_in_dim3A_62, %get3A_38], %get3A_60 {add = true} : memref<8x10000xf32, #tpu.memory_space<vmem>>[vector<16xi32>, vector<16xi32>], vector<16xf32>,
        %mul3A_63 = arith.constant 4 : i32
        %mul3A_64 = arith.muli %scan3A_31, %mul3A_63 : i32
        %add3A_65 = arith.constant 0 : i32
        %add3A_66 = arith.addi %mul3A_64, %add3A_65 : i32
        %mul3A_67 = arith.constant 16 : i32
        %mul3A_68 = arith.muli %add3A_66, %mul3A_67 : i32
        %get3A_69 = arith.constant 2 : i32
        %get3A_70 = arith.index_cast %get3A_69 : i32 to index
        %get3A_71 = arith.index_cast %mul3A_68 : i32 to index
        %get3A_72 = tpu.vector_load %arg7[%get3A_70, %get3A_71] {strides = array<i32>} : memref<8x2560xf32, #tpu.memory_space<vmem>>, vector<16xf32>,
        %broadcast_in_dim3A_73 = arith.constant 2 : i32
        %broadcast_in_dim3A_74 = vector.broadcast %broadcast_in_dim3A_73 : i32 to vector<16xi32>
        tpu.vector_store_idx %arg5[%broadcast_in_dim3A_74, %get3A_38], %get3A_72 {add = true} : memref<8x10000xf32, #tpu.memory_space<vmem>>[vector<16xi32>, vector<16xi32>], vector<16xf32>,
        %mul3A_75 = arith.constant 4 : i32
        %mul3A_76 = arith.muli %scan3A_31, %mul3A_75 : i32
        %add3A_77 = arith.constant 0 : i32
        %add3A_78 = arith.addi %mul3A_76, %add3A_77 : i32
        %mul3A_79 = arith.constant 16 : i32
        %mul3A_80 = arith.muli %add3A_78, %mul3A_79 : i32
        %get3A_81 = arith.constant 3 : i32
        %get3A_82 = arith.index_cast %get3A_81 : i32 to index
        %get3A_83 = arith.index_cast %mul3A_80 : i32 to index
        %get3A_84 = tpu.vector_load %arg7[%get3A_82, %get3A_83] {strides = array<i32>} : memref<8x2560xf32, #tpu.memory_space<vmem>>, vector<16xf32>,
        %broadcast_in_dim3A_85 = arith.constant 3 : i32
        %broadcast_in_dim3A_86 = vector.broadcast %broadcast_in_dim3A_85 : i32 to vector<16xi32>
        tpu.vector_store_idx %arg5[%broadcast_in_dim3A_86, %get3A_38], %get3A_84 {add = true} : memref<8x10000xf32, #tpu.memory_space<vmem>>[vector<16xi32>, vector<16xi32>], vector<16xf32>,
        %mul3A_87 = arith.constant 4 : i32
        %mul3A_88 = arith.muli %scan3A_31, %mul3A_87 : i32
        %add3A_89 = arith.constant 0 : i32
        %add3A_90 = arith.addi %mul3A_88, %add3A_89 : i32
        %mul3A_91 = arith.constant 16 : i32
        %mul3A_92 = arith.muli %add3A_90, %mul3A_91 : i32
        %get3A_93 = arith.constant 4 : i32
        %get3A_94 = arith.index_cast %get3A_93 : i32 to index
        %get3A_95 = arith.index_cast %mul3A_92 : i32 to index
        %get3A_96 = tpu.vector_load %arg7[%get3A_94, %get3A_95] {strides = array<i32>} : memref<8x2560xf32, #tpu.memory_space<vmem>>, vector<16xf32>,
        %broadcast_in_dim3A_97 = arith.constant 4 : i32
        %broadcast_in_dim3A_98 = vector.broadcast %broadcast_in_dim3A_97 : i32 to vector<16xi32>
        tpu.vector_store_idx %arg5[%broadcast_in_dim3A_98, %get3A_38], %get3A_96 {add = true} : memref<8x10000xf32, #tpu.memory_space<vmem>>[vector<16xi32>, vector<16xi32>], vector<16xf32>,
        %mul3A_99 = arith.constant 4 : i32
        %mul3A_100 = arith.muli %scan3A_31, %mul3A_99 : i32
        %add3A_101 = arith.constant 0 : i32
        %add3A_102 = arith.addi %mul3A_100, %add3A_101 : i32
        %mul3A_103 = arith.constant 16 : i32
        %mul3A_104 = arith.muli %add3A_102, %mul3A_103 : i32
        %get3A_105 = arith.constant 5 : i32
        %get3A_106 = arith.index_cast %get3A_105 : i32 to index
        %get3A_107 = arith.index_cast %mul3A_104 : i32 to index
        %get3A_108 = tpu.vector_load %arg7[%get3A_106, %get3A_107] {strides = array<i32>} : memref<8x2560xf32, #tpu.memory_space<vmem>>, vector<16xf32>,
        %broadcast_in_dim3A_109 = arith.constant 5 : i32
        %broadcast_in_dim3A_110 = vector.broadcast %broadcast_in_dim3A_109 : i32 to vector<16xi32>
        tpu.vector_store_idx %arg5[%broadcast_in_dim3A_110, %get3A_38], %get3A_108 {add = true} : memref<8x10000xf32, #tpu.memory_space<vmem>>[vector<16xi32>, vector<16xi32>], vector<16xf32>,
        %mul3A_111 = arith.constant 4 : i32
        %mul3A_112 = arith.muli %scan3A_31, %mul3A_111 : i32
        %add3A_113 = arith.constant 0 : i32
        %add3A_114 = arith.addi %mul3A_112, %add3A_113 : i32
        %mul3A_115 = arith.constant 16 : i32
        %mul3A_116 = arith.muli %add3A_114, %mul3A_115 : i32
        %get3A_117 = arith.constant 6 : i32
        %get3A_118 = arith.index_cast %get3A_117 : i32 to index
        %get3A_119 = arith.index_cast %mul3A_116 : i32 to index
        %get3A_120 = tpu.vector_load %arg7[%get3A_118, %get3A_119] {strides = array<i32>} : memref<8x2560xf32, #tpu.memory_space<vmem>>, vector<16xf32>,
        %broadcast_in_dim3A_121 = arith.constant 6 : i32
        %broadcast_in_dim3A_122 = vector.broadcast %broadcast_in_dim3A_121 : i32 to vector<16xi32>
        tpu.vector_store_idx %arg5[%broadcast_in_dim3A_122, %get3A_38], %get3A_120 {add = true} : memref<8x10000xf32, #tpu.memory_space<vmem>>[vector<16xi32>, vector<16xi32>], vector<16xf32>,
        %mul3A_123 = arith.constant 4 : i32
        %mul3A_124 = arith.muli %scan3A_31, %mul3A_123 : i32
        %add3A_125 = arith.constant 0 : i32
        %add3A_126 = arith.addi %mul3A_124, %add3A_125 : i32
        %mul3A_127 = arith.constant 16 : i32
        %mul3A_128 = arith.muli %add3A_126, %mul3A_127 : i32
        %get3A_129 = arith.constant 7 : i32
        %get3A_130 = arith.index_cast %get3A_129 : i32 to index
        %get3A_131 = arith.index_cast %mul3A_128 : i32 to index
        %get3A_132 = tpu.vector_load %arg7[%get3A_130, %get3A_131] {strides = array<i32>} : memref<8x2560xf32, #tpu.memory_space<vmem>>, vector<16xf32>,
        %broadcast_in_dim3A_133 = arith.constant 7 : i32
        %broadcast_in_dim3A_134 = vector.broadcast %broadcast_in_dim3A_133 : i32 to vector<16xi32>
        tpu.vector_store_idx %arg5[%broadcast_in_dim3A_134, %get3A_38], %get3A_132 {add = true} : memref<8x10000xf32, #tpu.memory_space<vmem>>[vector<16xi32>, vector<16xi32>], vector<16xf32>,
        %mul3A_135 = arith.constant 4 : i32
        %mul3A_136 = arith.muli %scan3A_31, %mul3A_135 : i32
        %add3A_137 = arith.constant 1 : i32
        %add3A_138 = arith.addi %mul3A_136, %add3A_137 : i32
        %mul3A_139 = arith.constant 16 : i32
        %mul3A_140 = arith.muli %add3A_138, %mul3A_139 : i32
        %get3A_141 = arith.index_cast %mul3A_140 : i32 to index
        %get3A_142 = tpu.vector_load %arg6[%get3A_141] {strides = array<i32>} : memref<2560xi32, #tpu.memory_space<vmem>>, vector<16xi32>,
        %mul3A_143 = arith.constant 4 : i32
        %mul3A_144 = arith.muli %scan3A_31, %mul3A_143 : i32
        %add3A_145 = arith.constant 1 : i32
        %add3A_146 = arith.addi %mul3A_144, %add3A_145 : i32
        %mul3A_147 = arith.constant 16 : i32
        %mul3A_148 = arith.muli %add3A_146, %mul3A_147 : i32
        %get3A_149 = arith.constant 0 : i32
        %get3A_150 = arith.index_cast %get3A_149 : i32 to index
        %get3A_151 = arith.index_cast %mul3A_148 : i32 to index
        %get3A_152 = tpu.vector_load %arg7[%get3A_150, %get3A_151] {strides = array<i32>} : memref<8x2560xf32, #tpu.memory_space<vmem>>, vector<16xf32>,
        %broadcast_in_dim3A_153 = arith.constant 0 : i32
        %broadcast_in_dim3A_154 = vector.broadcast %broadcast_in_dim3A_153 : i32 to vector<16xi32>
        tpu.vector_store_idx %arg5[%broadcast_in_dim3A_154, %get3A_142], %get3A_152 {add = true} : memref<8x10000xf32, #tpu.memory_space<vmem>>[vector<16xi32>, vector<16xi32>], vector<16xf32>,
        %mul3A_155 = arith.constant 4 : i32
        %mul3A_156 = arith.muli %scan3A_31, %mul3A_155 : i32
        %add3A_157 = arith.constant 1 : i32
        %add3A_158 = arith.addi %mul3A_156, %add3A_157 : i32
        %mul3A_159 = arith.constant 16 : i32
        %mul3A_160 = arith.muli %add3A_158, %mul3A_159 : i32
        %get3A_161 = arith.constant 1 : i32
        %get3A_162 = arith.index_cast %get3A_161 : i32 to index
        %get3A_163 = arith.index_cast %mul3A_160 : i32 to index
        %get3A_164 = tpu.vector_load %arg7[%get3A_162, %get3A_163] {strides = array<i32>} : memref<8x2560xf32, #tpu.memory_space<vmem>>, vector<16xf32>,
        %broadcast_in_dim3A_165 = arith.constant 1 : i32
        %broadcast_in_dim3A_166 = vector.broadcast %broadcast_in_dim3A_165 : i32 to vector<16xi32>
        tpu.vector_store_idx %arg5[%broadcast_in_dim3A_166, %get3A_142], %get3A_164 {add = true} : memref<8x10000xf32, #tpu.memory_space<vmem>>[vector<16xi32>, vector<16xi32>], vector<16xf32>,
        %mul3A_167 = arith.constant 4 : i32
        %mul3A_168 = arith.muli %scan3A_31, %mul3A_167 : i32
        %add3A_169 = arith.constant 1 : i32
        %add3A_170 = arith.addi %mul3A_168, %add3A_169 : i32
        %mul3A_171 = arith.constant 16 : i32
        %mul3A_172 = arith.muli %add3A_170, %mul3A_171 : i32
        %get3A_173 = arith.constant 2 : i32
        %get3A_174 = arith.index_cast %get3A_173 : i32 to index
        %get3A_175 = arith.index_cast %mul3A_172 : i32 to index
        %get3A_176 = tpu.vector_load %arg7[%get3A_174, %get3A_175] {strides = array<i32>} : memref<8x2560xf32, #tpu.memory_space<vmem>>, vector<16xf32>,
        %broadcast_in_dim3A_177 = arith.constant 2 : i32
        %broadcast_in_dim3A_178 = vector.broadcast %broadcast_in_dim3A_177 : i32 to vector<16xi32>
        tpu.vector_store_idx %arg5[%broadcast_in_dim3A_178, %get3A_142], %get3A_176 {add = true} : memref<8x10000xf32, #tpu.memory_space<vmem>>[vector<16xi32>, vector<16xi32>], vector<16xf32>,
        %mul3A_179 = arith.constant 4 : i32
        %mul3A_180 = arith.muli %scan3A_31, %mul3A_179 : i32
        %add3A_181 = arith.constant 1 : i32
        %add3A_182 = arith.addi %mul3A_180, %add3A_181 : i32
        %mul3A_183 = arith.constant 16 : i32
        %mul3A_184 = arith.muli %add3A_182, %mul3A_183 : i32
        %get3A_185 = arith.constant 3 : i32
        %get3A_186 = arith.index_cast %get3A_185 : i32 to index
        %get3A_187 = arith.index_cast %mul3A_184 : i32 to index
        %get3A_188 = tpu.vector_load %arg7[%get3A_186, %get3A_187] {strides = array<i32>} : memref<8x2560xf32, #tpu.memory_space<vmem>>, vector<16xf32>,
        %broadcast_in_dim3A_189 = arith.constant 3 : i32
        %broadcast_in_dim3A_190 = vector.broadcast %broadcast_in_dim3A_189 : i32 to vector<16xi32>
        tpu.vector_store_idx %arg5[%broadcast_in_dim3A_190, %get3A_142], %get3A_188 {add = true} : memref<8x10000xf32, #tpu.memory_space<vmem>>[vector<16xi32>, vector<16xi32>], vector<16xf32>,
        %mul3A_191 = arith.constant 4 : i32
        %mul3A_192 = arith.muli %scan3A_31, %mul3A_191 : i32
        %add3A_193 = arith.constant 1 : i32
        %add3A_194 = arith.addi %mul3A_192, %add3A_193 : i32
        %mul3A_195 = arith.constant 16 : i32
        %mul3A_196 = arith.muli %add3A_194, %mul3A_195 : i32
        %get3A_197 = arith.constant 4 : i32
        %get3A_198 = arith.index_cast %get3A_197 : i32 to index
        %get3A_199 = arith.index_cast %mul3A_196 : i32 to index
        %get3A_200 = tpu.vector_load %arg7[%get3A_198, %get3A_199] {strides = array<i32>} : memref<8x2560xf32, #tpu.memory_space<vmem>>, vector<16xf32>,
        %broadcast_in_dim3A_201 = arith.constant 4 : i32
        %broadcast_in_dim3A_202 = vector.broadcast %broadcast_in_dim3A_201 : i32 to vector<16xi32>
        tpu.vector_store_idx %arg5[%broadcast_in_dim3A_202, %get3A_142], %get3A_200 {add = true} : memref<8x10000xf32, #tpu.memory_space<vmem>>[vector<16xi32>, vector<16xi32>], vector<16xf32>,
        %mul3A_203 = arith.constant 4 : i32
        %mul3A_204 = arith.muli %scan3A_31, %mul3A_203 : i32
        %add3A_205 = arith.constant 1 : i32
        %add3A_206 = arith.addi %mul3A_204, %add3A_205 : i32
        %mul3A_207 = arith.constant 16 : i32
        %mul3A_208 = arith.muli %add3A_206, %mul3A_207 : i32
        %get3A_209 = arith.constant 5 : i32
        %get3A_210 = arith.index_cast %get3A_209 : i32 to index
        %get3A_211 = arith.index_cast %mul3A_208 : i32 to index
        %get3A_212 = tpu.vector_load %arg7[%get3A_210, %get3A_211] {strides = array<i32>} : memref<8x2560xf32, #tpu.memory_space<vmem>>, vector<16xf32>,
        %broadcast_in_dim3A_213 = arith.constant 5 : i32
        %broadcast_in_dim3A_214 = vector.broadcast %broadcast_in_dim3A_213 : i32 to vector<16xi32>
        tpu.vector_store_idx %arg5[%broadcast_in_dim3A_214, %get3A_142], %get3A_212 {add = true} : memref<8x10000xf32, #tpu.memory_space<vmem>>[vector<16xi32>, vector<16xi32>], vector<16xf32>,
        %mul3A_215 = arith.constant 4 : i32
        %mul3A_216 = arith.muli %scan3A_31, %mul3A_215 : i32
        %add3A_217 = arith.constant 1 : i32
        %add3A_218 = arith.addi %mul3A_216, %add3A_217 : i32
        %mul3A_219 = arith.constant 16 : i32
        %mul3A_220 = arith.muli %add3A_218, %mul3A_219 : i32
        %get3A_221 = arith.constant 6 : i32
        %get3A_222 = arith.index_cast %get3A_221 : i32 to index
        %get3A_223 = arith.index_cast %mul3A_220 : i32 to index
        %get3A_224 = tpu.vector_load %arg7[%get3A_222, %get3A_223] {strides = array<i32>} : memref<8x2560xf32, #tpu.memory_space<vmem>>, vector<16xf32>,
        %broadcast_in_dim3A_225 = arith.constant 6 : i32
        %broadcast_in_dim3A_226 = vector.broadcast %broadcast_in_dim3A_225 : i32 to vector<16xi32>
        tpu.vector_store_idx %arg5[%broadcast_in_dim3A_226, %get3A_142], %get3A_224 {add = true} : memref<8x10000xf32, #tpu.memory_space<vmem>>[vector<16xi32>, vector<16xi32>], vector<16xf32>,
        %mul3A_227 = arith.constant 4 : i32
        %mul3A_228 = arith.muli %scan3A_31, %mul3A_227 : i32
        %add3A_229 = arith.constant 1 : i32
        %add3A_230 = arith.addi %mul3A_228, %add3A_229 : i32
        %mul3A_231 = arith.constant 16 : i32
        %mul3A_232 = arith.muli %add3A_230, %mul3A_231 : i32
        %get3A_233 = arith.constant 7 : i32
        %get3A_234 = arith.index_cast %get3A_233 : i32 to index
        %get3A_235 = arith.index_cast %mul3A_232 : i32 to index
        %get3A_236 = tpu.vector_load %arg7[%get3A_234, %get3A_235] {strides = array<i32>} : memref<8x2560xf32, #tpu.memory_space<vmem>>, vector<16xf32>,
        %broadcast_in_dim3A_237 = arith.constant 7 : i32
        %broadcast_in_dim3A_238 = vector.broadcast %broadcast_in_dim3A_237 : i32 to vector<16xi32>
        tpu.vector_store_idx %arg5[%broadcast_in_dim3A_238, %get3A_142], %get3A_236 {add = true} : memref<8x10000xf32, #tpu.memory_space<vmem>>[vector<16xi32>, vector<16xi32>], vector<16xf32>,
        %mul3A_239 = arith.constant 4 : i32
        %mul3A_240 = arith.muli %scan3A_31, %mul3A_239 : i32
        %add3A_241 = arith.constant 2 : i32
        %add3A_242 = arith.addi %mul3A_240, %add3A_241 : i32
        %mul3A_243 = arith.constant 16 : i32
        %mul3A_244 = arith.muli %add3A_242, %mul3A_243 : i32
        %get3A_245 = arith.index_cast %mul3A_244 : i32 to index
        %get3A_246 = tpu.vector_load %arg6[%get3A_245] {strides = array<i32>} : memref<2560xi32, #tpu.memory_space<vmem>>, vector<16xi32>,
        %mul3A_247 = arith.constant 4 : i32
        %mul3A_248 = arith.muli %scan3A_31, %mul3A_247 : i32
        %add3A_249 = arith.constant 2 : i32
        %add3A_250 = arith.addi %mul3A_248, %add3A_249 : i32
        %mul3A_251 = arith.constant 16 : i32
        %mul3A_252 = arith.muli %add3A_250, %mul3A_251 : i32
        %get3A_253 = arith.constant 0 : i32
        %get3A_254 = arith.index_cast %get3A_253 : i32 to index
        %get3A_255 = arith.index_cast %mul3A_252 : i32 to index
        %get3A_256 = tpu.vector_load %arg7[%get3A_254, %get3A_255] {strides = array<i32>} : memref<8x2560xf32, #tpu.memory_space<vmem>>, vector<16xf32>,
        %broadcast_in_dim3A_257 = arith.constant 0 : i32
        %broadcast_in_dim3A_258 = vector.broadcast %broadcast_in_dim3A_257 : i32 to vector<16xi32>
        tpu.vector_store_idx %arg5[%broadcast_in_dim3A_258, %get3A_246], %get3A_256 {add = true} : memref<8x10000xf32, #tpu.memory_space<vmem>>[vector<16xi32>, vector<16xi32>], vector<16xf32>,
        %mul3A_259 = arith.constant 4 : i32
        %mul3A_260 = arith.muli %scan3A_31, %mul3A_259 : i32
        %add3A_261 = arith.constant 2 : i32
        %add3A_262 = arith.addi %mul3A_260, %add3A_261 : i32
        %mul3A_263 = arith.constant 16 : i32
        %mul3A_264 = arith.muli %add3A_262, %mul3A_263 : i32
        %get3A_265 = arith.constant 1 : i32
        %get3A_266 = arith.index_cast %get3A_265 : i32 to index
        %get3A_267 = arith.index_cast %mul3A_264 : i32 to index
        %get3A_268 = tpu.vector_load %arg7[%get3A_266, %get3A_267] {strides = array<i32>} : memref<8x2560xf32, #tpu.memory_space<vmem>>, vector<16xf32>,
        %broadcast_in_dim3A_269 = arith.constant 1 : i32
        %broadcast_in_dim3A_270 = vector.broadcast %broadcast_in_dim3A_269 : i32 to vector<16xi32>
        tpu.vector_store_idx %arg5[%broadcast_in_dim3A_270, %get3A_246], %get3A_268 {add = true} : memref<8x10000xf32, #tpu.memory_space<vmem>>[vector<16xi32>, vector<16xi32>], vector<16xf32>,
        %mul3A_271 = arith.constant 4 : i32
        %mul3A_272 = arith.muli %scan3A_31, %mul3A_271 : i32
        %add3A_273 = arith.constant 2 : i32
        %add3A_274 = arith.addi %mul3A_272, %add3A_273 : i32
        %mul3A_275 = arith.constant 16 : i32
        %mul3A_276 = arith.muli %add3A_274, %mul3A_275 : i32
        %get3A_277 = arith.constant 2 : i32
        %get3A_278 = arith.index_cast %get3A_277 : i32 to index
        %get3A_279 = arith.index_cast %mul3A_276 : i32 to index
        %get3A_280 = tpu.vector_load %arg7[%get3A_278, %get3A_279] {strides = array<i32>} : memref<8x2560xf32, #tpu.memory_space<vmem>>, vector<16xf32>,
        %broadcast_in_dim3A_281 = arith.constant 2 : i32
        %broadcast_in_dim3A_282 = vector.broadcast %broadcast_in_dim3A_281 : i32 to vector<16xi32>
        tpu.vector_store_idx %arg5[%broadcast_in_dim3A_282, %get3A_246], %get3A_280 {add = true} : memref<8x10000xf32, #tpu.memory_space<vmem>>[vector<16xi32>, vector<16xi32>], vector<16xf32>,
        %mul3A_283 = arith.constant 4 : i32
        %mul3A_284 = arith.muli %scan3A_31, %mul3A_283 : i32
        %add3A_285 = arith.constant 2 : i32
        %add3A_286 = arith.addi %mul3A_284, %add3A_285 : i32
        %mul3A_287 = arith.constant 16 : i32
        %mul3A_288 = arith.muli %add3A_286, %mul3A_287 : i32
        %get3A_289 = arith.constant 3 : i32
        %get3A_290 = arith.index_cast %get3A_289 : i32 to index
        %get3A_291 = arith.index_cast %mul3A_288 : i32 to index
        %get3A_292 = tpu.vector_load %arg7[%get3A_290, %get3A_291] {strides = array<i32>} : memref<8x2560xf32, #tpu.memory_space<vmem>>, vector<16xf32>,
        %broadcast_in_dim3A_293 = arith.constant 3 : i32
        %broadcast_in_dim3A_294 = vector.broadcast %broadcast_in_dim3A_293 : i32 to vector<16xi32>
        tpu.vector_store_idx %arg5[%broadcast_in_dim3A_294, %get3A_246], %get3A_292 {add = true} : memref<8x10000xf32, #tpu.memory_space<vmem>>[vector<16xi32>, vector<16xi32>], vector<16xf32>,
        %mul3A_295 = arith.constant 4 : i32
        %mul3A_296 = arith.muli %scan3A_31, %mul3A_295 : i32
        %add3A_297 = arith.constant 2 : i32
        %add3A_298 = arith.addi %mul3A_296, %add3A_297 : i32
        %mul3A_299 = arith.constant 16 : i32
        %mul3A_300 = arith.muli %add3A_298, %mul3A_299 : i32
        %get3A_301 = arith.constant 4 : i32
        %get3A_302 = arith.index_cast %get3A_301 : i32 to index
        %get3A_303 = arith.index_cast %mul3A_300 : i32 to index
        %get3A_304 = tpu.vector_load %arg7[%get3A_302, %get3A_303] {strides = array<i32>} : memref<8x2560xf32, #tpu.memory_space<vmem>>, vector<16xf32>,
        %broadcast_in_dim3A_305 = arith.constant 4 : i32
        %broadcast_in_dim3A_306 = vector.broadcast %broadcast_in_dim3A_305 : i32 to vector<16xi32>
        tpu.vector_store_idx %arg5[%broadcast_in_dim3A_306, %get3A_246], %get3A_304 {add = true} : memref<8x10000xf32, #tpu.memory_space<vmem>>[vector<16xi32>, vector<16xi32>], vector<16xf32>,
        %mul3A_307 = arith.constant 4 : i32
        %mul3A_308 = arith.muli %scan3A_31, %mul3A_307 : i32
        %add3A_309 = arith.constant 2 : i32
        %add3A_310 = arith.addi %mul3A_308, %add3A_309 : i32
        %mul3A_311 = arith.constant 16 : i32
        %mul3A_312 = arith.muli %add3A_310, %mul3A_311 : i32
        %get3A_313 = arith.constant 5 : i32
        %get3A_314 = arith.index_cast %get3A_313 : i32 to index
        %get3A_315 = arith.index_cast %mul3A_312 : i32 to index
        %get3A_316 = tpu.vector_load %arg7[%get3A_314, %get3A_315] {strides = array<i32>} : memref<8x2560xf32, #tpu.memory_space<vmem>>, vector<16xf32>,
        %broadcast_in_dim3A_317 = arith.constant 5 : i32
        %broadcast_in_dim3A_318 = vector.broadcast %broadcast_in_dim3A_317 : i32 to vector<16xi32>
        tpu.vector_store_idx %arg5[%broadcast_in_dim3A_318, %get3A_246], %get3A_316 {add = true} : memref<8x10000xf32, #tpu.memory_space<vmem>>[vector<16xi32>, vector<16xi32>], vector<16xf32>,
        %mul3A_319 = arith.constant 4 : i32
        %mul3A_320 = arith.muli %scan3A_31, %mul3A_319 : i32
        %add3A_321 = arith.constant 2 : i32
        %add3A_322 = arith.addi %mul3A_320, %add3A_321 : i32
        %mul3A_323 = arith.constant 16 : i32
        %mul3A_324 = arith.muli %add3A_322, %mul3A_323 : i32
        %get3A_325 = arith.constant 6 : i32
        %get3A_326 = arith.index_cast %get3A_325 : i32 to index
        %get3A_327 = arith.index_cast %mul3A_324 : i32 to index
        %get3A_328 = tpu.vector_load %arg7[%get3A_326, %get3A_327] {strides = array<i32>} : memref<8x2560xf32, #tpu.memory_space<vmem>>, vector<16xf32>,
        %broadcast_in_dim3A_329 = arith.constant 6 : i32
        %broadcast_in_dim3A_330 = vector.broadcast %broadcast_in_dim3A_329 : i32 to vector<16xi32>
        tpu.vector_store_idx %arg5[%broadcast_in_dim3A_330, %get3A_246], %get3A_328 {add = true} : memref<8x10000xf32, #tpu.memory_space<vmem>>[vector<16xi32>, vector<16xi32>], vector<16xf32>,
        %mul3A_331 = arith.constant 4 : i32
        %mul3A_332 = arith.muli %scan3A_31, %mul3A_331 : i32
        %add3A_333 = arith.constant 2 : i32
        %add3A_334 = arith.addi %mul3A_332, %add3A_333 : i32
        %mul3A_335 = arith.constant 16 : i32
        %mul3A_336 = arith.muli %add3A_334, %mul3A_335 : i32
        %get3A_337 = arith.constant 7 : i32
        %get3A_338 = arith.index_cast %get3A_337 : i32 to index
        %get3A_339 = arith.index_cast %mul3A_336 : i32 to index
        %get3A_340 = tpu.vector_load %arg7[%get3A_338, %get3A_339] {strides = array<i32>} : memref<8x2560xf32, #tpu.memory_space<vmem>>, vector<16xf32>,
        %broadcast_in_dim3A_341 = arith.constant 7 : i32
        %broadcast_in_dim3A_342 = vector.broadcast %broadcast_in_dim3A_341 : i32 to vector<16xi32>
        tpu.vector_store_idx %arg5[%broadcast_in_dim3A_342, %get3A_246], %get3A_340 {add = true} : memref<8x10000xf32, #tpu.memory_space<vmem>>[vector<16xi32>, vector<16xi32>], vector<16xf32>,
        %mul3A_343 = arith.constant 4 : i32
        %mul3A_344 = arith.muli %scan3A_31, %mul3A_343 : i32
        %add3A_345 = arith.constant 3 : i32
        %add3A_346 = arith.addi %mul3A_344, %add3A_345 : i32
        %mul3A_347 = arith.constant 16 : i32
        %mul3A_348 = arith.muli %add3A_346, %mul3A_347 : i32
        %get3A_349 = arith.index_cast %mul3A_348 : i32 to index
        %get3A_350 = tpu.vector_load %arg6[%get3A_349] {strides = array<i32>} : memref<2560xi32, #tpu.memory_space<vmem>>, vector<16xi32>,
        %mul3A_351 = arith.constant 4 : i32
        %mul3A_352 = arith.muli %scan3A_31, %mul3A_351 : i32
        %add3A_353 = arith.constant 3 : i32
        %add3A_354 = arith.addi %mul3A_352, %add3A_353 : i32
        %mul3A_355 = arith.constant 16 : i32
        %mul3A_356 = arith.muli %add3A_354, %mul3A_355 : i32
        %get3A_357 = arith.constant 0 : i32
        %get3A_358 = arith.index_cast %get3A_357 : i32 to index
        %get3A_359 = arith.index_cast %mul3A_356 : i32 to index
        %get3A_360 = tpu.vector_load %arg7[%get3A_358, %get3A_359] {strides = array<i32>} : memref<8x2560xf32, #tpu.memory_space<vmem>>, vector<16xf32>,
        %broadcast_in_dim3A_361 = arith.constant 0 : i32
        %broadcast_in_dim3A_362 = vector.broadcast %broadcast_in_dim3A_361 : i32 to vector<16xi32>
        tpu.vector_store_idx %arg5[%broadcast_in_dim3A_362, %get3A_350], %get3A_360 {add = true} : memref<8x10000xf32, #tpu.memory_space<vmem>>[vector<16xi32>, vector<16xi32>], vector<16xf32>,
        %mul3A_363 = arith.constant 4 : i32
        %mul3A_364 = arith.muli %scan3A_31, %mul3A_363 : i32
        %add3A_365 = arith.constant 3 : i32
        %add3A_366 = arith.addi %mul3A_364, %add3A_365 : i32
        %mul3A_367 = arith.constant 16 : i32
        %mul3A_368 = arith.muli %add3A_366, %mul3A_367 : i32
        %get3A_369 = arith.constant 1 : i32
        %get3A_370 = arith.index_cast %get3A_369 : i32 to index
        %get3A_371 = arith.index_cast %mul3A_368 : i32 to index
        %get3A_372 = tpu.vector_load %arg7[%get3A_370, %get3A_371] {strides = array<i32>} : memref<8x2560xf32, #tpu.memory_space<vmem>>, vector<16xf32>,
        %broadcast_in_dim3A_373 = arith.constant 1 : i32
        %broadcast_in_dim3A_374 = vector.broadcast %broadcast_in_dim3A_373 : i32 to vector<16xi32>
        tpu.vector_store_idx %arg5[%broadcast_in_dim3A_374, %get3A_350], %get3A_372 {add = true} : memref<8x10000xf32, #tpu.memory_space<vmem>>[vector<16xi32>, vector<16xi32>], vector<16xf32>,
        %mul3A_375 = arith.constant 4 : i32
        %mul3A_376 = arith.muli %scan3A_31, %mul3A_375 : i32
        %add3A_377 = arith.constant 3 : i32
        %add3A_378 = arith.addi %mul3A_376, %add3A_377 : i32
        %mul3A_379 = arith.constant 16 : i32
        %mul3A_380 = arith.muli %add3A_378, %mul3A_379 : i32
        %get3A_381 = arith.constant 2 : i32
        %get3A_382 = arith.index_cast %get3A_381 : i32 to index
        %get3A_383 = arith.index_cast %mul3A_380 : i32 to index
        %get3A_384 = tpu.vector_load %arg7[%get3A_382, %get3A_383] {strides = array<i32>} : memref<8x2560xf32, #tpu.memory_space<vmem>>, vector<16xf32>,
        %broadcast_in_dim3A_385 = arith.constant 2 : i32
        %broadcast_in_dim3A_386 = vector.broadcast %broadcast_in_dim3A_385 : i32 to vector<16xi32>
        tpu.vector_store_idx %arg5[%broadcast_in_dim3A_386, %get3A_350], %get3A_384 {add = true} : memref<8x10000xf32, #tpu.memory_space<vmem>>[vector<16xi32>, vector<16xi32>], vector<16xf32>,
        %mul3A_387 = arith.constant 4 : i32
        %mul3A_388 = arith.muli %scan3A_31, %mul3A_387 : i32
        %add3A_389 = arith.constant 3 : i32
        %add3A_390 = arith.addi %mul3A_388, %add3A_389 : i32
        %mul3A_391 = arith.constant 16 : i32
        %mul3A_392 = arith.muli %add3A_390, %mul3A_391 : i32
        %get3A_393 = arith.constant 3 : i32
        %get3A_394 = arith.index_cast %get3A_393 : i32 to index
        %get3A_395 = arith.index_cast %mul3A_392 : i32 to index
        %get3A_396 = tpu.vector_load %arg7[%get3A_394, %get3A_395] {strides = array<i32>} : memref<8x2560xf32, #tpu.memory_space<vmem>>, vector<16xf32>,
        %broadcast_in_dim3A_397 = arith.constant 3 : i32
        %broadcast_in_dim3A_398 = vector.broadcast %broadcast_in_dim3A_397 : i32 to vector<16xi32>
        tpu.vector_store_idx %arg5[%broadcast_in_dim3A_398, %get3A_350], %get3A_396 {add = true} : memref<8x10000xf32, #tpu.memory_space<vmem>>[vector<16xi32>, vector<16xi32>], vector<16xf32>,
        %mul3A_399 = arith.constant 4 : i32
        %mul3A_400 = arith.muli %scan3A_31, %mul3A_399 : i32
        %add3A_401 = arith.constant 3 : i32
        %add3A_402 = arith.addi %mul3A_400, %add3A_401 : i32
        %mul3A_403 = arith.constant 16 : i32
        %mul3A_404 = arith.muli %add3A_402, %mul3A_403 : i32
        %get3A_405 = arith.constant 4 : i32
        %get3A_406 = arith.index_cast %get3A_405 : i32 to index
        %get3A_407 = arith.index_cast %mul3A_404 : i32 to index
        %get3A_408 = tpu.vector_load %arg7[%get3A_406, %get3A_407] {strides = array<i32>} : memref<8x2560xf32, #tpu.memory_space<vmem>>, vector<16xf32>,
        %broadcast_in_dim3A_409 = arith.constant 4 : i32
        %broadcast_in_dim3A_410 = vector.broadcast %broadcast_in_dim3A_409 : i32 to vector<16xi32>
        tpu.vector_store_idx %arg5[%broadcast_in_dim3A_410, %get3A_350], %get3A_408 {add = true} : memref<8x10000xf32, #tpu.memory_space<vmem>>[vector<16xi32>, vector<16xi32>], vector<16xf32>,
        %mul3A_411 = arith.constant 4 : i32
        %mul3A_412 = arith.muli %scan3A_31, %mul3A_411 : i32
        %add3A_413 = arith.constant 3 : i32
        %add3A_414 = arith.addi %mul3A_412, %add3A_413 : i32
        %mul3A_415 = arith.constant 16 : i32
        %mul3A_416 = arith.muli %add3A_414, %mul3A_415 : i32
        %get3A_417 = arith.constant 5 : i32
        %get3A_418 = arith.index_cast %get3A_417 : i32 to index
        %get3A_419 = arith.index_cast %mul3A_416 : i32 to index
        %get3A_420 = tpu.vector_load %arg7[%get3A_418, %get3A_419] {strides = array<i32>} : memref<8x2560xf32, #tpu.memory_space<vmem>>, vector<16xf32>,
        %broadcast_in_dim3A_421 = arith.constant 5 : i32
        %broadcast_in_dim3A_422 = vector.broadcast %broadcast_in_dim3A_421 : i32 to vector<16xi32>
        tpu.vector_store_idx %arg5[%broadcast_in_dim3A_422, %get3A_350], %get3A_420 {add = true} : memref<8x10000xf32, #tpu.memory_space<vmem>>[vector<16xi32>, vector<16xi32>], vector<16xf32>,
        %mul3A_423 = arith.constant 4 : i32
        %mul3A_424 = arith.muli %scan3A_31, %mul3A_423 : i32
        %add3A_425 = arith.constant 3 : i32
        %add3A_426 = arith.addi %mul3A_424, %add3A_425 : i32
        %mul3A_427 = arith.constant 16 : i32
        %mul3A_428 = arith.muli %add3A_426, %mul3A_427 : i32
        %get3A_429 = arith.constant 6 : i32
        %get3A_430 = arith.index_cast %get3A_429 : i32 to index
        %get3A_431 = arith.index_cast %mul3A_428 : i32 to index
        %get3A_432 = tpu.vector_load %arg7[%get3A_430, %get3A_431] {strides = array<i32>} : memref<8x2560xf32, #tpu.memory_space<vmem>>, vector<16xf32>,
        %broadcast_in_dim3A_433 = arith.constant 6 : i32
        %broadcast_in_dim3A_434 = vector.broadcast %broadcast_in_dim3A_433 : i32 to vector<16xi32>
        tpu.vector_store_idx %arg5[%broadcast_in_dim3A_434, %get3A_350], %get3A_432 {add = true} : memref<8x10000xf32, #tpu.memory_space<vmem>>[vector<16xi32>, vector<16xi32>], vector<16xf32>,
        %mul3A_435 = arith.constant 4 : i32
        %mul3A_436 = arith.muli %scan3A_31, %mul3A_435 : i32
        %add3A_437 = arith.constant 3 : i32
        %add3A_438 = arith.addi %mul3A_436, %add3A_437 : i32
        %mul3A_439 = arith.constant 16 : i32
        %mul3A_440 = arith.muli %add3A_438, %mul3A_439 : i32
        %get3A_441 = arith.constant 7 : i32
        %get3A_442 = arith.index_cast %get3A_441 : i32 to index
        %get3A_443 = arith.index_cast %mul3A_440 : i32 to index
        %get3A_444 = tpu.vector_load %arg7[%get3A_442, %get3A_443] {strides = array<i32>} : memref<8x2560xf32, #tpu.memory_space<vmem>>, vector<16xf32>,
        %broadcast_in_dim3A_445 = arith.constant 7 : i32
        %broadcast_in_dim3A_446 = vector.broadcast %broadcast_in_dim3A_445 : i32 to vector<16xi32>
        tpu.vector_store_idx %arg5[%broadcast_in_dim3A_446, %get3A_350], %get3A_444 {add = true} : memref<8x10000xf32, #tpu.memory_space<vmem>>[vector<16xi32>, vector<16xi32>], vector<16xf32>,
      }
      %scan3A_30 = arith.constant 40 : i32
    }
    "tpu.region"() ({
      %run_scoped3A = tpu.sem_alloc : memref<!tpu.dma_semaphore, #tpu.memory_space<semaphore_mem>>
      %dma_start3A = arith.constant 0 : i32
      %dma_start3A_19 = arith.constant 0 : i32
      %dma_start3A_20 = tpu.memref_slice %arg4[%add3A, %dma_start3A, %dma_start3A_19] : memref<32x8x10000xf32, #tpu.memory_space<hbm>> -> memref<1x8x10000xf32, #tpu.memory_space<hbm>>
      %dma_start3A_21 = tpu.memref_squeeze %dma_start3A_20 : memref<1x8x10000xf32, #tpu.memory_space<hbm>> -> memref<8x10000xf32, #tpu.memory_space<hbm>>
      %dma_start3A_22 = arith.constant 0 : i32
      %dma_start3A_23 = arith.constant 0 : i32
      %dma_start3A_24 = tpu.memref_slice %arg4[%add3A, %dma_start3A_22, %dma_start3A_23] : memref<32x8x10000xf32, #tpu.memory_space<hbm>> -> memref<1x8x10000xf32, #tpu.memory_space<hbm>>
      %dma_start3A_25 = tpu.memref_squeeze %dma_start3A_24 : memref<1x8x10000xf32, #tpu.memory_space<hbm>> -> memref<8x10000xf32, #tpu.memory_space<hbm>>
      tpu.enqueue_dma source(%arg5 : memref<8x10000xf32, #tpu.memory_space<vmem>>) target(%dma_start3A_25 : memref<8x10000xf32, #tpu.memory_space<hbm>>) target_semaphore(%run_scoped3A : memref<!tpu.dma_semaphore, #tpu.memory_space<semaphore_mem>>)
      %dma_wait3A = arith.constant 0 : i32
      %dma_wait3A_26 = arith.constant 0 : i32
      %dma_wait3A_27 = tpu.memref_slice %arg4[%add3A, %dma_wait3A, %dma_wait3A_26] : memref<32x8x10000xf32, #tpu.memory_space<hbm>> -> memref<1x8x10000xf32, #tpu.memory_space<hbm>>
      %dma_wait3A_28 = tpu.memref_squeeze %dma_wait3A_27 : memref<1x8x10000xf32, #tpu.memory_space<hbm>> -> memref<8x10000xf32, #tpu.memory_space<hbm>>
      %dma_wait3A_29 = arith.constant 0 : i32
      %dma_wait3A_30 = arith.constant 0 : i32
      %dma_wait3A_31 = tpu.memref_slice %arg4[%add3A, %dma_wait3A_29, %dma_wait3A_30] : memref<32x8x10000xf32, #tpu.memory_space<hbm>> -> memref<1x8x10000xf32, #tpu.memory_space<hbm>>
      %dma_wait3A_32 = tpu.memref_squeeze %dma_wait3A_31 : memref<1x8x10000xf32, #tpu.memory_space<hbm>> -> memref<8x10000xf32, #tpu.memory_space<hbm>>
      tpu.wait_dma2 semaphore(%run_scoped3A : memref<!tpu.dma_semaphore, #tpu.memory_space<semaphore_mem>>) src(%arg5 : memref<8x10000xf32, #tpu.memory_space<vmem>>) dst(%dma_wait3A_32 : memref<8x10000xf32, #tpu.memory_space<hbm>>)
      tpu.yield
    }) : () -> ()
    return
  }
}

module attributes {stable_mosaic.version = 14 : i64} {
  func.func @_mlp_body(%arg0: i32, %arg1: memref<16x12800xf32, #tpu.memory_space<vmem>>, %arg2: memref<16x12800xf32, #tpu.memory_space<vmem>>, %arg3: memref<16x64xf32, #tpu.memory_space<vmem>>, %arg4: memref<64x1xf32, #tpu.memory_space<vmem>>, %arg5: memref<64x64xf32, #tpu.memory_space<vmem>>, %arg6: memref<64x1xf32, #tpu.memory_space<vmem>>, %arg7: memref<64x128xf32, #tpu.memory_space<vmem>>, %arg8: memref<128x1xf32, #tpu.memory_space<vmem>>, %arg9: memref<16x128xf32, #tpu.memory_space<vmem>>, %arg10: memref<128x8xf32, #tpu.memory_space<vmem>>, %arg11: memref<8x12800xf32, #tpu.memory_space<vmem>>) attributes {dimension_semantics = [#tpu.dimension_semantics<arbitrary>], iteration_bounds = array<i64: 25>, scalar_prefetch = 0 : i64, scratch_operands = 0 : i64, tpu.core_type = #tpu.core_type<tc>, window_params = [{transform_indices = @transform_0, window_bounds = array<i64: 16, 12800>}, {transform_indices = @transform_1, window_bounds = array<i64: 16, 12800>}, {pipeline_mode = #tpu.pipeline_mode<synchronous>, transform_indices = @transform_2, window_bounds = array<i64: 16, 64>}, {pipeline_mode = #tpu.pipeline_mode<synchronous>, transform_indices = @transform_3, window_bounds = array<i64: 64, 1>}, {pipeline_mode = #tpu.pipeline_mode<synchronous>, transform_indices = @transform_4, window_bounds = array<i64: 64, 64>}, {pipeline_mode = #tpu.pipeline_mode<synchronous>, transform_indices = @transform_5, window_bounds = array<i64: 64, 1>}, {pipeline_mode = #tpu.pipeline_mode<synchronous>, transform_indices = @transform_6, window_bounds = array<i64: 64, 128>}, {pipeline_mode = #tpu.pipeline_mode<synchronous>, transform_indices = @transform_7, window_bounds = array<i64: 128, 1>}, {pipeline_mode = #tpu.pipeline_mode<synchronous>, transform_indices = @transform_8, window_bounds = array<i64: 16, 128>}, {pipeline_mode = #tpu.pipeline_mode<synchronous>, transform_indices = @transform_9, window_bounds = array<i64: 128, 8>}, {transform_indices = @transform_10, window_bounds = array<i64: 8, 12800>}]} {
    %get3A = arith.constant 0 : index
    %get3A_0 = arith.constant 0 : index
    %get3A_1 = vector.load %arg2[%get3A, %get3A_0] : memref<16x12800xf32, #tpu.memory_space<vmem>>, vector<16x12800xf32>
    %convert_element_type3A = arith.truncf %get3A_1 : vector<16x12800xf32> to vector<16x12800xbf16>
    %get3A_2 = arith.constant 0 : index
    %get3A_3 = arith.constant 0 : index
    %get3A_4 = vector.load %arg3[%get3A_2, %get3A_3] : memref<16x64xf32, #tpu.memory_space<vmem>>, vector<16x64xf32>
    %convert_element_type3A_5 = arith.truncf %get3A_4 : vector<16x64xf32> to vector<16x64xbf16>
    %dot_general3A = arith.constant dense<0.000000e+00> : vector<64x12800xf32>
    %dot_general3A_6 = tpu.matmul %convert_element_type3A_5, %convert_element_type3A, %dot_general3A {dimension_numbers = #tpu.dot_dimension_numbers<[0], [0], [1], [1], [0, 1, 1, 1], [], []>, transpose_lhs_hint = false} : vector<16x64xbf16>, vector<16x12800xbf16>, vector<64x12800xf32> -> vector<64x12800xf32>
    %get3A_7 = arith.constant 0 : index
    %get3A_8 = arith.constant 0 : index
    %get3A_9 = vector.load %arg4[%get3A_7, %get3A_8] : memref<64x1xf32, #tpu.memory_space<vmem>>, vector<64x1xf32>
    %add3A = vector.broadcast %get3A_9 : vector<64x1xf32> to vector<64x12800xf32>
    %add3A_10 = arith.addf %dot_general3A_6, %add3A : vector<64x12800xf32>
    %logistic3A = arith.negf %add3A_10 : vector<64x12800xf32>
    %logistic3A_11 = math.exp %logistic3A : vector<64x12800xf32>
    %logistic3A_12 = arith.constant 1.000000e+00 : f32
    %logistic3A_13 = vector.broadcast %logistic3A_12 : f32 to vector<64x12800xf32>
    %logistic3A_14 = arith.addf %logistic3A_13, %logistic3A_11 : vector<64x12800xf32>
    %logistic3A_15 = arith.divf %logistic3A_13, %logistic3A_14 : vector<64x12800xf32>
    %mul3A = arith.mulf %add3A_10, %logistic3A_15 : vector<64x12800xf32>
    %get3A_16 = arith.constant 0 : index
    %get3A_17 = arith.constant 0 : index
    %get3A_18 = vector.load %arg5[%get3A_16, %get3A_17] : memref<64x64xf32, #tpu.memory_space<vmem>>, vector<64x64xf32>
    %convert_element_type3A_19 = arith.truncf %get3A_18 : vector<64x64xf32> to vector<64x64xbf16>
    %convert_element_type3A_20 = arith.truncf %mul3A : vector<64x12800xf32> to vector<64x12800xbf16>
    %dot_general3A_21 = arith.constant dense<0.000000e+00> : vector<64x12800xf32>
    %dot_general3A_22 = tpu.matmul %convert_element_type3A_19, %convert_element_type3A_20, %dot_general3A_21 {dimension_numbers = #tpu.dot_dimension_numbers<[0], [0], [1], [1], [0, 1, 1, 1], [], []>, transpose_lhs_hint = false} : vector<64x64xbf16>, vector<64x12800xbf16>, vector<64x12800xf32> -> vector<64x12800xf32>
    %get3A_23 = arith.constant 0 : index
    %get3A_24 = arith.constant 0 : index
    %get3A_25 = vector.load %arg6[%get3A_23, %get3A_24] : memref<64x1xf32, #tpu.memory_space<vmem>>, vector<64x1xf32>
    %add3A_26 = vector.broadcast %get3A_25 : vector<64x1xf32> to vector<64x12800xf32>
    %add3A_27 = arith.addf %dot_general3A_22, %add3A_26 : vector<64x12800xf32>
    %logistic3A_28 = arith.negf %add3A_27 : vector<64x12800xf32>
    %logistic3A_29 = math.exp %logistic3A_28 : vector<64x12800xf32>
    %logistic3A_30 = arith.constant 1.000000e+00 : f32
    %logistic3A_31 = vector.broadcast %logistic3A_30 : f32 to vector<64x12800xf32>
    %logistic3A_32 = arith.addf %logistic3A_31, %logistic3A_29 : vector<64x12800xf32>
    %logistic3A_33 = arith.divf %logistic3A_31, %logistic3A_32 : vector<64x12800xf32>
    %mul3A_34 = arith.mulf %add3A_27, %logistic3A_33 : vector<64x12800xf32>
    %get3A_35 = arith.constant 0 : index
    %get3A_36 = arith.constant 0 : index
    %get3A_37 = vector.load %arg7[%get3A_35, %get3A_36] : memref<64x128xf32, #tpu.memory_space<vmem>>, vector<64x128xf32>
    %convert_element_type3A_38 = arith.truncf %get3A_37 : vector<64x128xf32> to vector<64x128xbf16>
    %convert_element_type3A_39 = arith.truncf %mul3A_34 : vector<64x12800xf32> to vector<64x12800xbf16>
    %dot_general3A_40 = arith.constant dense<0.000000e+00> : vector<128x12800xf32>
    %dot_general3A_41 = tpu.matmul %convert_element_type3A_38, %convert_element_type3A_39, %dot_general3A_40 {dimension_numbers = #tpu.dot_dimension_numbers<[0], [0], [1], [1], [0, 1, 1, 1], [], []>, transpose_lhs_hint = false} : vector<64x128xbf16>, vector<64x12800xbf16>, vector<128x12800xf32> -> vector<128x12800xf32>
    %get3A_42 = arith.constant 0 : index
    %get3A_43 = arith.constant 0 : index
    %get3A_44 = vector.load %arg8[%get3A_42, %get3A_43] : memref<128x1xf32, #tpu.memory_space<vmem>>, vector<128x1xf32>
    %add3A_45 = vector.broadcast %get3A_44 : vector<128x1xf32> to vector<128x12800xf32>
    %add3A_46 = arith.addf %dot_general3A_41, %add3A_45 : vector<128x12800xf32>
    %get3A_47 = arith.constant 0 : index
    %get3A_48 = arith.constant 0 : index
    %get3A_49 = vector.load %arg9[%get3A_47, %get3A_48] : memref<16x128xf32, #tpu.memory_space<vmem>>, vector<16x128xf32>
    %convert_element_type3A_50 = arith.truncf %get3A_49 : vector<16x128xf32> to vector<16x128xbf16>
    %get3A_51 = arith.constant 0 : index
    %get3A_52 = arith.constant 0 : index
    %get3A_53 = vector.load %arg1[%get3A_51, %get3A_52] : memref<16x12800xf32, #tpu.memory_space<vmem>>, vector<16x12800xf32>
    %convert_element_type3A_54 = arith.truncf %get3A_53 : vector<16x12800xf32> to vector<16x12800xbf16>
    %dot_general3A_55 = arith.constant dense<0.000000e+00> : vector<128x12800xf32>
    %dot_general3A_56 = tpu.matmul %convert_element_type3A_50, %convert_element_type3A_54, %dot_general3A_55 {dimension_numbers = #tpu.dot_dimension_numbers<[0], [0], [1], [1], [0, 1, 1, 1], [], []>, transpose_lhs_hint = false} : vector<16x128xbf16>, vector<16x12800xbf16>, vector<128x12800xf32> -> vector<128x12800xf32>
    %mul3A_57 = arith.mulf %add3A_46, %dot_general3A_56 : vector<128x12800xf32>
    %get3A_58 = arith.constant 0 : index
    %get3A_59 = arith.constant 0 : index
    %get3A_60 = vector.load %arg10[%get3A_58, %get3A_59] : memref<128x8xf32, #tpu.memory_space<vmem>>, vector<128x8xf32>
    %dot_general3A_61 = arith.constant dense<0.000000e+00> : vector<8x12800xf32>
    %dot_general3A_62 = tpu.matmul %get3A_60, %mul3A_57, %dot_general3A_61 {dimension_numbers = #tpu.dot_dimension_numbers<[0], [0], [1], [1], [0, 1, 1, 1], [], []>, transpose_lhs_hint = false} : vector<128x8xf32>, vector<128x12800xf32>, vector<8x12800xf32> -> vector<8x12800xf32>
    %swap3A = arith.constant 0 : index
    %swap3A_63 = arith.constant 0 : index
    %swap3A_64 = vector.load %arg11[%swap3A, %swap3A_63] : memref<8x12800xf32, #tpu.memory_space<vmem>>, vector<8x12800xf32>
    tpu.vector_store %arg11[%swap3A, %swap3A_63], %dot_general3A_62 {strides = array<i32>} : memref<8x12800xf32, #tpu.memory_space<vmem>>, vector<8x12800xf32>,
    return
  }
  func.func @transform_0(%arg0: i32) -> (i32, i32) {
    %c0_i32 = arith.constant 0 : i32
    %c0_i32_0 = arith.constant 0 : i32
    return %c0_i32, %arg0 : i32, i32
  }
  func.func @transform_1(%arg0: i32) -> (i32, i32) {
    %c0_i32 = arith.constant 0 : i32
    %c0_i32_0 = arith.constant 0 : i32
    return %c0_i32, %arg0 : i32, i32
  }
  func.func @transform_2(%arg0: i32) -> (i32, i32) {
    %c0_i32 = arith.constant 0 : i32
    %c0_i32_0 = arith.constant 0 : i32
    %c0_i32_1 = arith.constant 0 : i32
    return %c0_i32, %c0_i32_0 : i32, i32
  }
  func.func @transform_3(%arg0: i32) -> (i32, i32) {
    %c0_i32 = arith.constant 0 : i32
    %c0_i32_0 = arith.constant 0 : i32
    %c0_i32_1 = arith.constant 0 : i32
    return %c0_i32, %c0_i32_0 : i32, i32
  }
  func.func @transform_4(%arg0: i32) -> (i32, i32) {
    %c0_i32 = arith.constant 0 : i32
    %c0_i32_0 = arith.constant 0 : i32
    %c0_i32_1 = arith.constant 0 : i32
    return %c0_i32, %c0_i32_0 : i32, i32
  }
  func.func @transform_5(%arg0: i32) -> (i32, i32) {
    %c0_i32 = arith.constant 0 : i32
    %c0_i32_0 = arith.constant 0 : i32
    %c0_i32_1 = arith.constant 0 : i32
    return %c0_i32, %c0_i32_0 : i32, i32
  }
  func.func @transform_6(%arg0: i32) -> (i32, i32) {
    %c0_i32 = arith.constant 0 : i32
    %c0_i32_0 = arith.constant 0 : i32
    %c0_i32_1 = arith.constant 0 : i32
    return %c0_i32, %c0_i32_0 : i32, i32
  }
  func.func @transform_7(%arg0: i32) -> (i32, i32) {
    %c0_i32 = arith.constant 0 : i32
    %c0_i32_0 = arith.constant 0 : i32
    %c0_i32_1 = arith.constant 0 : i32
    return %c0_i32, %c0_i32_0 : i32, i32
  }
  func.func @transform_8(%arg0: i32) -> (i32, i32) {
    %c0_i32 = arith.constant 0 : i32
    %c0_i32_0 = arith.constant 0 : i32
    %c0_i32_1 = arith.constant 0 : i32
    return %c0_i32, %c0_i32_0 : i32, i32
  }
  func.func @transform_9(%arg0: i32) -> (i32, i32) {
    %c0_i32 = arith.constant 0 : i32
    %c0_i32_0 = arith.constant 0 : i32
    %c0_i32_1 = arith.constant 0 : i32
    return %c0_i32, %c0_i32_0 : i32, i32
  }
  func.func @transform_10(%arg0: i32) -> (i32, i32) {
    %c0_i32 = arith.constant 0 : i32
    %c0_i32_0 = arith.constant 0 : i32
    return %c0_i32, %arg0 : i32, i32
  }
}

module attributes {stable_mosaic.version = 14 : i64} {
  func.func @_reduce_body(%arg0: i32, %arg1: memref<1x8x10000xf32, #tpu.memory_space<vmem>>, %arg2: memref<8x10000xf32, #tpu.memory_space<vmem>>) attributes {dimension_semantics = [#tpu.dimension_semantics<arbitrary>], iteration_bounds = array<i64: 32>, scalar_prefetch = 0 : i64, scratch_operands = 0 : i64, tpu.core_type = #tpu.core_type<tc>, window_params = [{transform_indices = @transform_0, window_bounds = array<i64: 1, 8, 10000>}, {pipeline_mode = #tpu.pipeline_mode<synchronous>, transform_indices = @transform_1, window_bounds = array<i64: 8, 10000>}]} {
    %eq3A = arith.constant 0 : i32
    %eq3A_0 = arith.cmpi eq, %arg0, %eq3A : i32
    %convert_element_type3A = arith.extui %eq3A_0 : i1 to i32
    %cond3A = arith.constant 0 : i32
    %cond3A_1 = arith.cmpi ne, %convert_element_type3A, %cond3A : i32
    scf.if %cond3A_1 {
      %broadcast_in_dim3A = arith.constant 0.000000e+00 : f32
      %broadcast_in_dim3A_11 = vector.broadcast %broadcast_in_dim3A : f32 to vector<8x10000xf32>
      %swap3A_12 = arith.constant 0 : index
      %swap3A_13 = arith.constant 0 : index
      %swap3A_14 = vector.load %arg2[%swap3A_12, %swap3A_13] : memref<8x10000xf32, #tpu.memory_space<vmem>>, vector<8x10000xf32>
      tpu.vector_store %arg2[%swap3A_12, %swap3A_13], %broadcast_in_dim3A_11 {strides = array<i32>} : memref<8x10000xf32, #tpu.memory_space<vmem>>, vector<8x10000xf32>,
    } else {
    }
    %get3A = arith.constant 0 : index
    %get3A_2 = arith.constant 0 : index
    %get3A_3 = vector.load %arg2[%get3A, %get3A_2] : memref<8x10000xf32, #tpu.memory_space<vmem>>, vector<8x10000xf32>
    %get3A_4 = arith.constant 0 : index
    %get3A_5 = arith.constant 0 : index
    %get3A_6 = arith.constant 0 : index
    %get3A_7 = vector.load %arg1[%get3A_4, %get3A_5, %get3A_6] : memref<1x8x10000xf32, #tpu.memory_space<vmem>>, vector<1x8x10000xf32>
    %get3A_8 = vector.shape_cast %get3A_7 : vector<1x8x10000xf32> to vector<8x10000xf32>
    %add3A = arith.addf %get3A_3, %get3A_8 : vector<8x10000xf32>
    %swap3A = arith.constant 0 : index
    %swap3A_9 = arith.constant 0 : index
    %swap3A_10 = vector.load %arg2[%swap3A, %swap3A_9] : memref<8x10000xf32, #tpu.memory_space<vmem>>, vector<8x10000xf32>
    tpu.vector_store %arg2[%swap3A, %swap3A_9], %add3A {strides = array<i32>} : memref<8x10000xf32, #tpu.memory_space<vmem>>, vector<8x10000xf32>,
    return
  }
  func.func @transform_0(%arg0: i32) -> (i32, i32, i32) {
    %c0_i32 = arith.constant 0 : i32
    %c0_i32_0 = arith.constant 0 : i32
    %c0_i32_1 = arith.constant 0 : i32
    return %arg0, %c0_i32, %c0_i32_0 : i32, i32, i32
  }
  func.func @transform_1(%arg0: i32) -> (i32, i32) {
    %c0_i32 = arith.constant 0 : i32
    %c0_i32_0 = arith.constant 0 : i32
    %c0_i32_1 = arith.constant 0 : i32
    return %c0_i32, %c0_i32_0 : i32, i32
  }
}

module attributes {stable_mosaic.version = 14 : i64} {
  func.func @_tp_body(%arg0: i32, %arg1: memref<8x12800xf32, #tpu.memory_space<vmem>>, %arg2: memref<16x12800xf32, #tpu.memory_space<vmem>>, %arg3: memref<8x128xf32, #tpu.memory_space<vmem>>, %arg4: memref<16x128xf32, #tpu.memory_space<vmem>>, %arg5: memref<128x32xf32, #tpu.memory_space<vmem>>, %arg6: memref<12800x32xf32, #tpu.memory_space<vmem>>) attributes {dimension_semantics = [#tpu.dimension_semantics<arbitrary>], iteration_bounds = array<i64: 25>, scalar_prefetch = 0 : i64, scratch_operands = 0 : i64, tpu.core_type = #tpu.core_type<tc>, window_params = [{transform_indices = @transform_0, window_bounds = array<i64: 8, 12800>}, {transform_indices = @transform_1, window_bounds = array<i64: 16, 12800>}, {pipeline_mode = #tpu.pipeline_mode<synchronous>, transform_indices = @transform_2, window_bounds = array<i64: 8, 128>}, {pipeline_mode = #tpu.pipeline_mode<synchronous>, transform_indices = @transform_3, window_bounds = array<i64: 16, 128>}, {pipeline_mode = #tpu.pipeline_mode<synchronous>, transform_indices = @transform_4, window_bounds = array<i64: 128, 32>}, {transform_indices = @transform_5, window_bounds = array<i64: 12800, 32>}]} {
    %get3A = arith.constant 0 : index
    %get3A_0 = arith.constant 0 : index
    %get3A_1 = vector.load %arg1[%get3A, %get3A_0] : memref<8x12800xf32, #tpu.memory_space<vmem>>, vector<8x12800xf32>
    %convert_element_type3A = arith.truncf %get3A_1 : vector<8x12800xf32> to vector<8x12800xbf16>
    %get3A_2 = arith.constant 0 : index
    %get3A_3 = arith.constant 0 : index
    %get3A_4 = vector.load %arg3[%get3A_2, %get3A_3] : memref<8x128xf32, #tpu.memory_space<vmem>>, vector<8x128xf32>
    %convert_element_type3A_5 = arith.truncf %get3A_4 : vector<8x128xf32> to vector<8x128xbf16>
    %dot_general3A = arith.constant dense<0.000000e+00> : vector<12800x128xf32>
    %dot_general3A_6 = tpu.matmul %convert_element_type3A, %convert_element_type3A_5, %dot_general3A {dimension_numbers = #tpu.dot_dimension_numbers<[0], [0], [1], [1], [0, 1, 1, 1], [], []>, transpose_lhs_hint = false} : vector<8x12800xbf16>, vector<8x128xbf16>, vector<12800x128xf32> -> vector<12800x128xf32>
    %get3A_7 = arith.constant 0 : index
    %get3A_8 = arith.constant 0 : index
    %get3A_9 = vector.load %arg2[%get3A_7, %get3A_8] : memref<16x12800xf32, #tpu.memory_space<vmem>>, vector<16x12800xf32>
    %convert_element_type3A_10 = arith.truncf %get3A_9 : vector<16x12800xf32> to vector<16x12800xbf16>
    %get3A_11 = arith.constant 0 : index
    %get3A_12 = arith.constant 0 : index
    %get3A_13 = vector.load %arg4[%get3A_11, %get3A_12] : memref<16x128xf32, #tpu.memory_space<vmem>>, vector<16x128xf32>
    %convert_element_type3A_14 = arith.truncf %get3A_13 : vector<16x128xf32> to vector<16x128xbf16>
    %dot_general3A_15 = arith.constant dense<0.000000e+00> : vector<12800x128xf32>
    %dot_general3A_16 = tpu.matmul %convert_element_type3A_10, %convert_element_type3A_14, %dot_general3A_15 {dimension_numbers = #tpu.dot_dimension_numbers<[0], [0], [1], [1], [0, 1, 1, 1], [], []>, transpose_lhs_hint = false} : vector<16x12800xbf16>, vector<16x128xbf16>, vector<12800x128xf32> -> vector<12800x128xf32>
    %mul3A = arith.mulf %dot_general3A_6, %dot_general3A_16 : vector<12800x128xf32>
    %convert_element_type3A_17 = arith.truncf %mul3A : vector<12800x128xf32> to vector<12800x128xbf16>
    %get3A_18 = arith.constant 0 : index
    %get3A_19 = arith.constant 0 : index
    %get3A_20 = vector.load %arg5[%get3A_18, %get3A_19] : memref<128x32xf32, #tpu.memory_space<vmem>>, vector<128x32xf32>
    %convert_element_type3A_21 = arith.truncf %get3A_20 : vector<128x32xf32> to vector<128x32xbf16>
    %dot_general3A_22 = arith.constant dense<0.000000e+00> : vector<12800x32xf32>
    %dot_general3A_23 = tpu.matmul %convert_element_type3A_17, %convert_element_type3A_21, %dot_general3A_22 {dimension_numbers = #tpu.dot_dimension_numbers<[1], [0], [0], [1], [0, 0, 1, 1], [], []>, transpose_lhs_hint = false} : vector<12800x128xbf16>, vector<128x32xbf16>, vector<12800x32xf32> -> vector<12800x32xf32>
    %logistic3A = arith.negf %dot_general3A_23 : vector<12800x32xf32>
    %logistic3A_24 = math.exp %logistic3A : vector<12800x32xf32>
    %logistic3A_25 = arith.constant 1.000000e+00 : f32
    %logistic3A_26 = vector.broadcast %logistic3A_25 : f32 to vector<12800x32xf32>
    %logistic3A_27 = arith.addf %logistic3A_26, %logistic3A_24 : vector<12800x32xf32>
    %logistic3A_28 = arith.divf %logistic3A_26, %logistic3A_27 : vector<12800x32xf32>
    %mul3A_29 = arith.mulf %dot_general3A_23, %logistic3A_28 : vector<12800x32xf32>
    %swap3A = arith.constant 0 : index
    %swap3A_30 = arith.constant 0 : index
    %swap3A_31 = vector.load %arg6[%swap3A, %swap3A_30] : memref<12800x32xf32, #tpu.memory_space<vmem>>, vector<12800x32xf32>
    tpu.vector_store %arg6[%swap3A, %swap3A_30], %mul3A_29 {strides = array<i32>} : memref<12800x32xf32, #tpu.memory_space<vmem>>, vector<12800x32xf32>,
    return
  }
  func.func @transform_0(%arg0: i32) -> (i32, i32) {
    %c0_i32 = arith.constant 0 : i32
    %c0_i32_0 = arith.constant 0 : i32
    return %c0_i32, %arg0 : i32, i32
  }
  func.func @transform_1(%arg0: i32) -> (i32, i32) {
    %c0_i32 = arith.constant 0 : i32
    %c0_i32_0 = arith.constant 0 : i32
    return %c0_i32, %arg0 : i32, i32
  }
  func.func @transform_2(%arg0: i32) -> (i32, i32) {
    %c0_i32 = arith.constant 0 : i32
    %c0_i32_0 = arith.constant 0 : i32
    %c0_i32_1 = arith.constant 0 : i32
    return %c0_i32, %c0_i32_0 : i32, i32
  }
  func.func @transform_3(%arg0: i32) -> (i32, i32) {
    %c0_i32 = arith.constant 0 : i32
    %c0_i32_0 = arith.constant 0 : i32
    %c0_i32_1 = arith.constant 0 : i32
    return %c0_i32, %c0_i32_0 : i32, i32
  }
  func.func @transform_4(%arg0: i32) -> (i32, i32) {
    %c0_i32 = arith.constant 0 : i32
    %c0_i32_0 = arith.constant 0 : i32
    %c0_i32_1 = arith.constant 0 : i32
    return %c0_i32, %c0_i32_0 : i32, i32
  }
  func.func @transform_5(%arg0: i32) -> (i32, i32) {
    %c0_i32 = arith.constant 0 : i32
    %c0_i32_0 = arith.constant 0 : i32
    return %arg0, %c0_i32 : i32, i32
  }
}

</mosaic_0001>

<sc_bundles>
// kernel: kernel.10.cloned.1.call-start
scs
__scs_entry_jumppad:
0x0: {  	(pc) =	sbr.rel $0x88, $3  }
0x1: {  	(tag) =	ssettag $0x0;
	lr =	simm.s32 $0x1  }
0x2: {  	[smem:$0x3F97] =	sst lr;
	_ =	strace $0xD0000000  }
0x3: {  	_ = 	snop  }
0x4: {  	_ = 	snop  }
0x5: {  	_ = 	snop  }
0x6: {  	_ = 	snop  }
0x7: {  	_ = 	snop  }
__scs_overlays_trampoline_lowered:
0x8: {  	[smem:$0x3FA6] =	sst s0  }
0x9: {  	[smem:$0x3FA7] =	sst s1  }
0xa: {  	[smem:$0x3FA8] =	sst s2  }
0xb: {  	[smem:$0x3FA9] =	sst s3  }
0xc: {  	[smem:$0x3FAA] =	sst s4  }
0xd: {  	[smem:$0x3FAB] =	sst s5  }
0xe: {  	[smem:$0x3FAC] =	sst s6  }
0xf: {  	[smem:$0x3FAD] =	sst s7  }
0x10: {  	[smem:$0x3FAE] =	sst s8  }
0x11: {  	[smem:$0x3FAF] =	sst s9;
	s0 =	simm.s32 @!p0 $0x0  }
0x12: {  	s1 =	sld [smem:$0x3F95];
	s0 =	simm.s32 @p0 $0x1  }
0x13: {  	[smem:$0x3FB0] =	sst s0;
	s0 =	simm.s32 @!p1 $0x0  }
0x14: {  	s2 =	sld [smem:$0x3F94];
	s0 =	simm.s32 @p1 $0x1  }
0x15: {  	[smem:$0x3FB1] =	sst s0;
	s0 =	simm.s32 @!p2 $0x0  }
0x16: {  	s3 =	sld [smem:$0x3FDB];
	s0 =	simm.s32 @p2 $0x1  }
0x17: {  	s4 =	simm.s32 $0x1BF5;
	[smem:$0x3FB3] =	sst s0  }
0x18: {  	s0 =	sld [smem:$0x3F96];
	_ =	swait.ge [sflag:s4], $0x0  }
0x19: {  	s7 =	sld [smem:$0x3F97]  }
0x1a: {  	s8 =	sadd.s32 $0xFFFFE003, lr  }
0x1b: {  	s9 =	sadd.s32 $0xFFFFFEF7, lr;
	s5 =	simm.s32 $0xFFFFFFFF;
	p2 =	slt.u32 s8, $0xFFFFF086  }
0x1c: {  	p1 =	slt.u32 s9, $0xF7A;
	s5 =	simm.s32 @!p2 $0x0  }
0x1d: {  	s5 =	simm.s32 @p1 $0x1;
	p0 =	seq.s32 s7, s2  }
0x1e: {  	s7 =	smul.u32 @!p0 $0xF7A, s2;
	p2 =	seq.s32 @!p0 s5, $0x0  }
0x1f: {  	s9 =	smul.u32 $0xF7A, s1;
	s8 =	simm.s32 @!p0 $0x1BF5;
	p2 =	por !p2, p0  }
0x20: {  	[sflag:s8] =	ssyncset.s32 @!p0 $0xFFFFF086;
	s6 =	sadd.s32 @!p0 s3, s7;
	s7 =	simm.s32 @!p0 $0x108  }
0x21: {  	s3 =	sadd.s32 s3, s9;
	s6 =	sadd.s32 @!p0 $0x88, s6;
	s7 =	simm.s32 @p2 $0x1082  }
0x22: {  	[simem:s7], [sflag:s8] =	dma.local @!p0 [hbm:s6], $0xF7A  }
0x23: {  	s9 =	sor.u32 $0xD0000000, s2;
	s6 =	simm.s32 $0x108;
	_ =	swait.ge @!p0 [sflag:s8], $0x0  }
0x24: {  	s3 =	sadd.s32 $0x88, s3;
	s6 =	simm.s32 @!p1 $0x1082;
	[sflag:s4] =	ssyncset.s32 $0xFFFFF086  }
0x25: {  	[simem:s6], [sflag:s4] =	dma.local [hbm:s3], $0xF7A  }
0x26: {  	[smem:$0x3F97] =	sst s1;
	(tag) =	ssettag s2;
	_ =	strace s9  }
0x27: {  	s1 =	sld [smem:$0x3FA7]  }
0x28: {  	s2 =	sld [smem:$0x3FA8]  }
0x29: {  	s4 =	sld [smem:$0x3FAA]  }
0x2a: {  	p0 =	seq.s32 s5, $0x0;
	s5 =	sld [smem:$0x3FAB]  }
0x2b: {  	s6 =	sld [smem:$0x3FAC]  }
0x2c: {  	s7 =	sld [smem:$0x3FAD]  }
0x2d: {  	s3 =	simm.s32 $0x108;
	s8 =	sld [smem:$0x3FAE]  }
0x2e: {  	s3 =	simm.s32 @!p0 $0x1082;
	s9 =	sld [smem:$0x3FAF]  }
0x2f: {  	lr =	sadd.s32 s0, s3;
	s0 =	sld [smem:$0x3FA6]  }
0x30: {  	s3 =	sld [smem:$0x3FA9]  }
0x31: {  	[smem:$0x3FB2] =	sst s10  }
0x32: {  	s10 =	sld [smem:$0x3FB0];
	_ =	sdelay $0x3  }
0x33: {  	p0 =	seq.s32 s10, $0x1;
	s10 =	sld [smem:$0x3FB2];
	_ =	sdelay $0x3  }
0x34: {  	[smem:$0x3FB2] =	sst s10  }
0x35: {  	s10 =	sld [smem:$0x3FB1];
	_ =	sdelay $0x3  }
0x36: {  	p1 =	seq.s32 s10, $0x1;
	s10 =	sld [smem:$0x3FB2];
	_ =	sdelay $0x3  }
0x37: {  	[smem:$0x3FB2] =	sst s10  }
0x38: {  	s10 =	sld [smem:$0x3FB3]  }
0x39: {  	_ = 	snop;
	(pc) =	sbr.ind lr, $3  }
0x3a: {  	_ = 	snop  }
0x3b: {  	_ = 	snop  }
0x3c: {  	p2 =	seq.s32 s10, $0x1;
	s10 =	sld [smem:$0x3FB2]  }
0x3d: {  	_ =	shalt  }
0x3e: {  	_ =	shalt  }
0x3f: {  	_ =	shalt  }
0x40: {  	_ =	shalt  }
0x41: {  	_ =	shalt  }
0x42: {  	_ =	shalt  }
0x43: {  	_ =	shalt  }
0x44: {  	_ =	shalt  }
0x45: {  	_ =	shalt  }
0x46: {  	_ =	shalt  }
0x47: {  	_ =	shalt  }
0x48: {  	_ =	shalt  }
0x49: {  	_ =	shalt  }
0x4a: {  	_ =	shalt  }
0x4b: {  	_ =	shalt  }
0x4c: {  	_ =	shalt  }
0x4d: {  	_ =	shalt  }
0x4e: {  	_ =	shalt  }
0x4f: {  	_ =	shalt  }
0x50: {  	_ =	shalt  }
0x51: {  	_ =	shalt  }
0x52: {  	_ =	shalt  }
0x53: {  	_ =	shalt  }
0x54: {  	_ =	shalt  }
0x55: {  	_ =	shalt  }
0x56: {  	_ =	shalt  }
0x57: {  	_ =	shalt  }
0x58: {  	_ =	shalt  }
0x59: {  	_ =	shalt  }
0x5a: {  	_ =	shalt  }
0x5b: {  	_ =	shalt  }
0x5c: {  	_ =	shalt  }
0x5d: {  	_ =	shalt  }
0x5e: {  	_ =	shalt  }
0x5f: {  	_ =	shalt  }
0x60: {  	_ =	shalt  }
0x61: {  	_ =	shalt  }
0x62: {  	_ =	shalt  }
0x63: {  	_ =	shalt  }
0x64: {  	_ =	shalt  }
0x65: {  	_ =	shalt  }
0x66: {  	_ =	shalt  }
0x67: {  	_ =	shalt  }
0x68: {  	_ =	shalt  }
0x69: {  	_ =	shalt  }
0x6a: {  	_ =	shalt  }
0x6b: {  	_ =	shalt  }
0x6c: {  	_ =	shalt  }
0x6d: {  	_ =	shalt  }
0x6e: {  	_ =	shalt  }
0x6f: {  	_ =	shalt  }
0x70: {  	_ =	shalt  }
0x71: {  	_ =	shalt  }
0x72: {  	_ =	shalt  }
0x73: {  	_ =	shalt  }
0x74: {  	_ =	shalt  }
0x75: {  	_ =	shalt  }
0x76: {  	_ =	shalt  }
0x77: {  	_ =	shalt  }
0x78: {  	_ =	shalt  }
0x79: {  	_ =	shalt  }
0x7a: {  	_ =	shalt  }
0x7b: {  	_ =	shalt  }
0x7c: {  	_ =	shalt  }
0x7d: {  	_ =	shalt  }
0x7e: {  	_ =	shalt  }
0x7f: {  	_ =	shalt  }
0x80: {  	_ =	shalt  }
0x81: {  	_ =	shalt  }
0x82: {  	_ =	shalt  }
0x83: {  	_ =	shalt  }
0x84: {  	_ =	shalt  }
0x85: {  	_ =	shalt  }
0x86: {  	_ =	shalt  }
0x87: {  	_ =	shalt  }
.Lfunc_end0:
.L_simem_size_0:
called_computation.1_lowered:
.L_overlay_start_0:
0x88: {  	s2 =	sld [smem:$0x3FD9]  }
0x89: {  	s3 =	sld [smem:$0x3FFE];
	_ =	sdelay $0x1  }
0x8a: {  	s1 =	srdreg.scid  }
0x8b: {  	s0 =	sand.u32 $0x1, s1  }
0x8c: {  	s17 =	sshll.u32 s0, $0xA;
	s2 =	sadd.s32 s3, s2  }
0x8d: {  	s2 =	sadd.s32 s2, s17  }
0x8e: {  	[smem:$0x3FBE] =	sst s2  }
0x8f: {  	_ = 	snop  }
0x90: {  	s2 =	sld [smem:$0x3FD0];
	(tm) =	ssettm $0x1  }
0x91: {  	s18 =	sld [smem:$0x3FFB];
	_ =	sdelay $0x3  }
0x92: {  	_ =	strace s18  }
0x93: {  	s3 =	sld [smem:$0x3FFC];
	_ =	sdelay $0x3  }
0x94: {  	_ =	strace s3  }
0x95: {  	s3 =	sld [smem:$0x3FFD];
	_ =	sdelay $0x3  }
0x96: {  	_ =	strace s3  }
0x97: {  	_ =	strace $0x8FFFFFFF  }
0x98: {  	s19 =	sld [smem:$0x3FDB];
	_ =	sdelay $0x1  }
0x99: {  	s4 =	simm.s32 $_scs_section_size  }
0x9a: {  	s5 =	simm.s32 $_size__tile_overlayer_lowered;
	s6 =	simm.s32 $_tile_overlayer_lowered  }
0x9b: {  	s22 =	simm.s32 $0x1BFF;
	s21 =	sshll.u32 s6, $0x1;
	s3 =	sadd.s32 s4, s19  }
0x9c: {  	s7 =	simm.s32 $0x0;
	s20 =	sshll.u32 s5, $0x1;
	s5 =	sadd.s32 s21, s3  }
0x9d: {  	[timem:s7], [sflag:s22] =	dma.local [hbm:s5], s20  }
0x9e: {  	_ =	swait.ge [sflag:s22], s20  }
0x9f: {  	s4 =	ssub.s32 $0x0, s20;
	[sflag:s22] =	ssyncset.done $0x0  }
0xa0: {  	[sflag:s22] =	ssyncadd.s32 s4;
	_ =	sdelay $0x1  }
0xa1: {  	s23 =	simm.s32 $0x1B8B  }
0xa2: {  	_ =	swait.ge [sflag:s23], $0x1  }
0xa3: {  	[sflag:s23] =	ssyncset.done $0x0  }
0xa4: {  	s25 =	simm.s32 $0x1B8E;
	s24 =	sld [smem:$0x3FFE];
	[sflag:s23] =	ssyncadd.s32 $0xFFFFFFFF  }
0xa5: {  	s26 =	simm.s32 $execute0_lowered;
	[smem:$0x3FD2] =	sst s25  }
0xa6: {  	s5 =	sshll.u32 s26, $0x1;
	_ =	strace $0x80000049;
	[dreg:$0x1] =	wrdreg $0xFFFFFFFF  }
0xa7: {  	s28 =	simm.s32 $_size_execute0_lowered;
	s3 =	sadd.s32 s3, s5;
	[dreg:$0x0] =	wrdreg $0x0  }
0xa8: {  	s5 =	sshll.u32 s28, $0x1;
	[dreg:$0x2] =	wrdreg s3  }
0xa9: {  	[dreg:$0x3] =	wrdreg s5  }
0xaa: {  	[dreg:$0x4] =	wrdreg $0xC0  }
0xab: {  	_ =	task [dreg:s7], $0x5FFFF  }
0xac: {  	[dreg:$0x1] =	wrdreg $0xFFFFFFFF  }
0xad: {  	[dreg:$0x0] =	wrdreg $0x60  }
0xae: {  	[dreg:$0x2] =	wrdreg s24  }
0xaf: {  	[dreg:$0x3] =	wrdreg s2  }
0xb0: {  	[dreg:$0x4] =	wrdreg $0x9  }
0xb1: {  	_ =	task.clear_ibuf [dreg:s7], $0x5FFFF;
	_ =	strace $0x90000049  }
0xb2: {  	s29 =	simm.s32 $0x9;
	_ =	strace $0x8000004B  }
0xb3: {  	_ =	swait.ge [sflag:s29], $0x1  }
0xb4: {  	[sflag:s29] =	ssyncadd.s32 $0xFFFFFFFF  }
0xb5: {  	_ =	strace $0x9000004B  }
0xb6: {  	_ =	sfence  }
0xb7: {  	s30 =	sld [smem:$0x0];
	_ =	sdelay $0x2  }
0xb8: {  	s31 =	sshll.u32 s1, $0xD;
	s1 =	sshrl.u32 s1, $0x2  }
0xb9: {  	s3 =	sand.u32 $0x4000, s31;
	s1 =	sadd.s32 s1, s30  }
0xba: {  	s0 =	sor.u32 s3, s0;
	s1 =	sshll.u32 s1, $0x11  }
0xbb: {  	s0 =	sor.u32 s1, s0  }
0xbc: {  	s0 =	sadd.s32 $0x8F2B, s0  }
0xbd: {  	[sflag:s0] =	ssyncadd.remote.s32 $0x1  }
0xbe: {  	_ =	sfence.sel $0xFFFF  }
0xbf: {  	[dreg:$0x0] =	wrdreg $0xFFFFFFFF;
	(pc) =	sbr.abs _section_cstart, $3  }
0xc0: {  	[dreg:$0x1] =	wrdreg $0xFFFFFFFF  }
0xc1: {  	_ =	task.clear_ibuf [dreg:s7], $0x2FFFF;
	_ =	strace $0x9FFFFFFF  }
0xc2: {  	(tm) =	ssettm $0x7FFFFFFF  }
0xc3: {  	_ =	shalt  }
tec
execute0_lowered:
.L_overlay_start_1:
0x0: {  	(tag) =	ssettag $0x1  }
0x1: {  	s6 =	rddreg [dreg:$0x0]  }
0x2: {  	s1 =	rddreg [dreg:$0x1]  }
0x3: {  	s0 =	rddreg [dreg:$0x2];
	s2 =	simm.s32 $0x0;
	s3 =	srdreg.scid  }
0x4: {  	s11 =	simm.s32 $0x0;
	[smem:$0x7FF] =	sst s2;
	s7 =	sand.u32 $0x1, s3  }
0x5: {  	s4 =	sadd.s32 $0x15400, s6;
	s3 =	stileid.u32;
	s5 =	sadd.s32 $0xB600, s6  }
0x6: {  	s6 =	sadd.s32 $0x1800, s6;
	s8 =	ssub.s32 $0x2, s7;
	s10 =	sshll.u32 s3, $0x1  }
0x7: {  	_ =	strace $0x8000004A;
	s9 =	sshrl.u32 s8, $0x1;
	s10 =	sor.u32 s7, s10  }
0x8: {  	s8 =	ssub.s32 s8, s9;
	s7 =	sshll.u32 s10, $0x2;
	s9 =	simm.s32 $0x1  }
0x9: {  	p0 =	seq.s32 s10, $0x1F;
	s10 =	simm.s32 $0x15000;
	s8 =	smax.u32 s8, $0x1  }
.LBB2_1:
0xa: {  	[tilespmem:s2], [sflag:$0x1] =	stream.linear.gather [hbm4b:s4+s2], $0x13C00, $0x38;
	[tilespmem:$0x1A000] =	vst v63  }
0xb: {  	_ =	swait.ge [sflag:s9], $0x13C00  }
0xc: {  	[sflag:s9] =	ssyncset.done $0x0  }
0xd: {  	s12 =	simm.s32 $0x0;
	[sflag:s9] =	ssyncadd.s32 $0xFFFEC400  }
.LBB2_2:
0xe: {  	s13 =	sadd.s32 s7, s12  }
0xf: {  	s14 =	smul.u32 $0xA00, s13;
	_ =	sdelay $0x1  }
0x10: {  	s16 =	sshrl.u32 s14, $0x3  }
0x11: {  	s15 =	simm.s32 $0x13C00;
	s14 =	simm.s32 $0x0;
	s17 =	sadd.s32 s5, s16  }
0x12: {  	[tilespmem:s15], [sflag:$0x1] =	stream.linear.gather [hbm4b:s17+s14], $0xA00, $0x38;
	[tilespmem:$0x1A000] =	vst v63  }
0x13: {  	_ =	swait.ge [sflag:s9], $0xA00  }
0x14: {  	[sflag:s9] =	ssyncset.done $0x0  }
0x15: {  	s31 =	sadd.s32 s6, s16;
	s16 =	simm.s32 $0x14600;
	[sflag:s9] =	ssyncadd.s32 $0xFFFFF600  }
0x16: {  	[tilespmem:s16], [sflag:$0x1] =	stream.linear.gather [hbm4b:s31+s14], $0xA00, $0x38;
	[tilespmem:$0x1A000] =	vst v63  }
0x17: {  	_ =	swait.ge [sflag:s9], $0xA00  }
0x18: {  	[sflag:s9] =	ssyncset.done $0x0  }
0x19: {  	p1 =	por $0x0, $0x0;
	s17 =	simm.s32 $0x0;
	[sflag:s9] =	ssyncadd.s32 $0xFFFFF600  }
.LBB2_3:
0x1a: {  	v0 =	vld [tilespmem:s15+$0x0];
	_ =	sdelay $0x4  }
0x1b: {  	v1 =	vshll.u32 v0, $0x3  }
0x1c: {  	v0 =	vand.u32 $0x7F, v0;
	v1 =	vand.u32 $0xFFFFFC00, v1  }
0x1d: {  	v0 =	vor.u32 v0, v1;
	_ =	sdelay $0x4  }
0x1e: {  	v1 =	vld.idx.msk [tilespmem:v0+s2+$0x0], $0xffff  }
0x1f: {  	v2 =	vor.u32 $0x80, v0  }
0x20: {  	s18 =	sand.u32 $0x7C00, s17  }
0x21: {  	s20 =	sand.u32 $0x40, s14;
	s18 =	sadd.s32 $0x15000, s18  }
0x22: {  	s19 =	sor.u32 s20, s18  }
0x23: {  	v3 =	vld [tilespmem:s16+$0x0];
	[tilespmem:s19+$0x0] =	vst v1  }
0x24: {  	v1 =	vld.idx.msk [tilespmem:v2+s2+$0x0], $0xffff  }
0x25: {  	v35 =	vor.u32 $0x100, v0;
	_ =	sdelay $0x3  }
0x26: {  	[tilespmem:s19+$0x80] =	vst v1  }
0x27: {  	v1 =	vld.idx.msk [tilespmem:v35+s2+$0x0], $0xffff  }
0x28: {  	v0 =	vor.u32 $0x180, v0;
	_ =	sdelay $0x2  }
0x29: {  	v36 =	vshll.u32 v3, $0x3  }
0x2a: {  	v37 =	vand.u32 $0x7F, v3;
	v2 =	vand.u32 $0xFFFFFC00, v36;
	[tilespmem:s19+$0x100] =	vst v1  }
0x2b: {  	v1 =	vor.u32 v37, v2;
	v0 =	vld.idx.msk [tilespmem:v0+s2+$0x0], $0xffff  }
0x2c: {  	v2 =	vor.u32 $0x200, v1;
	_ =	sdelay $0x3  }
0x2d: {  	[tilespmem:s19+$0x180] =	vst v0  }
0x2e: {  	s19 =	simm.s32 $0x1;
	v0 =	vld.idx.msk [tilespmem:v2+s2+$0x0], $0xffff  }
0x2f: {  	v38 =	vor.u32 $0x280, v1;
	s19 =	simm.s32 @!p1 $0x0  }
0x30: {  	s19 =	sshll.u32 s19, $0x6  }
0x31: {  	s19 =	sadd.s32 s19, s17  }
0x32: {  	s21 =	sor.u32 $0x200, s19  }
0x33: {  	[tilespmem:s21+$0x15000] =	vst v0  }
0x34: {  	v0 =	vld.idx.msk [tilespmem:v38+s2+$0x0], $0xffff  }
0x35: {  	v39 =	vor.u32 $0x300, v1;
	_ =	sdelay $0x2  }
0x36: {  	s29 =	sor.u32 $0x280, s19  }
0x37: {  	[tilespmem:s29+$0x15000] =	vst v0  }
0x38: {  	v0 =	vld.idx.msk [tilespmem:v39+s2+$0x0], $0xffff  }
0x39: {  	v1 =	vor.u32 $0x380, v1;
	_ =	sdelay $0x2  }
0x3a: {  	s30 =	sor.u32 $0x300, s19  }
0x3b: {  	[tilespmem:s30+$0x15000] =	vst v0  }
0x3c: {  	v0 =	vld.idx.msk [tilespmem:v1+s2+$0x0], $0xffff;
	_ =	sdelay $0x3  }
0x3d: {  	s23 =	sor.u32 $0x10, s20;
	s22 =	sor.u32 $0x380, s19;
	s21 =	sand.u32 $0xF80, s14  }
0x3e: {  	s31 =	sor.u32 s21, s23;
	[tilespmem:s22+$0x15000] =	vst v0  }
0x3f: {  	v0 =	vld [tilespmem:s31+$0x13C00];
	_ =	sdelay $0x4  }
0x40: {  	v40 =	vshll.u32 v0, $0x3  }
0x41: {  	v0 =	vand.u32 $0x7F, v0;
	v1 =	vand.u32 $0xFFFFFC00, v40  }
0x42: {  	v0 =	vor.u32 v0, v1;
	_ =	sdelay $0x4  }
0x43: {  	v1 =	vld.idx.msk [tilespmem:v0+s2+$0x0], $0xffff  }
0x44: {  	v41 =	vor.u32 $0x80, v0;
	_ =	sdelay $0x2  }
0x45: {  	s24 =	sor.u32 s23, s18  }
0x46: {  	v42 =	vld [tilespmem:s31+$0x14600];
	[tilespmem:s24+$0x0] =	vst v1  }
0x47: {  	v1 =	vld.idx.msk [tilespmem:v41+s2+$0x0], $0xffff  }
0x48: {  	v43 =	vor.u32 $0x100, v0;
	_ =	sdelay $0x3  }
0x49: {  	[tilespmem:s24+$0x80] =	vst v1  }
0x4a: {  	v1 =	vld.idx.msk [tilespmem:v43+s2+$0x0], $0xffff  }
0x4b: {  	v0 =	vor.u32 $0x180, v0;
	_ =	sdelay $0x2  }
0x4c: {  	v44 =	vshll.u32 v42, $0x3  }
0x4d: {  	v45 =	vand.u32 $0x7F, v42;
	v2 =	vand.u32 $0xFFFFFC00, v44;
	[tilespmem:s24+$0x100] =	vst v1  }
0x4e: {  	v1 =	vor.u32 v45, v2;
	v0 =	vld.idx.msk [tilespmem:v0+s2+$0x0], $0xffff  }
0x4f: {  	v2 =	vor.u32 $0x200, v1;
	_ =	sdelay $0x3  }
0x50: {  	[tilespmem:s24+$0x180] =	vst v0  }
0x51: {  	v0 =	vld.idx.msk [tilespmem:v2+s2+$0x0], $0xffff  }
0x52: {  	v46 =	vor.u32 $0x280, v1;
	_ =	sdelay $0x1  }
0x53: {  	s25 =	sadd.s32 $0x10, s19  }
0x54: {  	s26 =	sor.u32 $0x200, s25  }
0x55: {  	[tilespmem:s26+$0x15000] =	vst v0  }
0x56: {  	v0 =	vld.idx.msk [tilespmem:v46+s2+$0x0], $0xffff  }
0x57: {  	v47 =	vor.u32 $0x300, v1;
	_ =	sdelay $0x2  }
0x58: {  	s28 =	sor.u32 $0x280, s25  }
0x59: {  	[tilespmem:s28+$0x15000] =	vst v0  }
0x5a: {  	v0 =	vld.idx.msk [tilespmem:v47+s2+$0x0], $0xffff  }
0x5b: {  	v1 =	vor.u32 $0x380, v1;
	_ =	sdelay $0x2  }
0x5c: {  	s29 =	sor.u32 $0x300, s25  }
0x5d: {  	[tilespmem:s29+$0x15000] =	vst v0  }
0x5e: {  	v0 =	vld.idx.msk [tilespmem:v1+s2+$0x0], $0xffff;
	_ =	sdelay $0x3  }
0x5f: {  	s30 =	sor.u32 $0x20, s20;
	s22 =	sor.u32 $0x380, s25  }
0x60: {  	s31 =	sor.u32 s21, s30;
	[tilespmem:s22+$0x15000] =	vst v0  }
0x61: {  	v0 =	vld [tilespmem:s31+$0x13C00];
	_ =	sdelay $0x4  }
0x62: {  	v48 =	vshll.u32 v0, $0x3  }
0x63: {  	v0 =	vand.u32 $0x7F, v0;
	v1 =	vand.u32 $0xFFFFFC00, v48  }
0x64: {  	v0 =	vor.u32 v0, v1;
	_ =	sdelay $0x4  }
0x65: {  	v1 =	vld.idx.msk [tilespmem:v0+s2+$0x0], $0xffff  }
0x66: {  	v49 =	vor.u32 $0x80, v0;
	_ =	sdelay $0x2  }
0x67: {  	s23 =	sor.u32 s30, s18  }
0x68: {  	v50 =	vld [tilespmem:s31+$0x14600];
	[tilespmem:s23+$0x0] =	vst v1  }
0x69: {  	v1 =	vld.idx.msk [tilespmem:v49+s2+$0x0], $0xffff  }
0x6a: {  	v51 =	vor.u32 $0x100, v0;
	_ =	sdelay $0x3  }
0x6b: {  	[tilespmem:s23+$0x80] =	vst v1  }
0x6c: {  	v1 =	vld.idx.msk [tilespmem:v51+s2+$0x0], $0xffff  }
0x6d: {  	v0 =	vor.u32 $0x180, v0;
	_ =	sdelay $0x2  }
0x6e: {  	v52 =	vshll.u32 v50, $0x3  }
0x6f: {  	v53 =	vand.u32 $0x7F, v50;
	v2 =	vand.u32 $0xFFFFFC00, v52;
	[tilespmem:s23+$0x100] =	vst v1  }
0x70: {  	v1 =	vor.u32 v53, v2;
	v0 =	vld.idx.msk [tilespmem:v0+s2+$0x0], $0xffff  }
0x71: {  	v2 =	vor.u32 $0x200, v1;
	_ =	sdelay $0x3  }
0x72: {  	[tilespmem:s23+$0x180] =	vst v0  }
0x73: {  	v0 =	vld.idx.msk [tilespmem:v2+s2+$0x0], $0xffff  }
0x74: {  	v54 =	vor.u32 $0x280, v1;
	_ =	sdelay $0x1  }
0x75: {  	s24 =	sadd.s32 $0x20, s19  }
0x76: {  	s25 =	sor.u32 $0x200, s24  }
0x77: {  	[tilespmem:s25+$0x15000] =	vst v0  }
0x78: {  	v0 =	vld.idx.msk [tilespmem:v54+s2+$0x0], $0xffff  }
0x79: {  	v55 =	vor.u32 $0x300, v1;
	_ =	sdelay $0x2  }
0x7a: {  	s26 =	sor.u32 $0x280, s24  }
0x7b: {  	[tilespmem:s26+$0x15000] =	vst v0  }
0x7c: {  	v0 =	vld.idx.msk [tilespmem:v55+s2+$0x0], $0xffff  }
0x7d: {  	v1 =	vor.u32 $0x380, v1;
	_ =	sdelay $0x2  }
0x7e: {  	s28 =	sor.u32 $0x300, s24  }
0x7f: {  	[tilespmem:s28+$0x15000] =	vst v0  }
0x80: {  	v0 =	vld.idx.msk [tilespmem:v1+s2+$0x0], $0xffff;
	_ =	sdelay $0x3  }
0x81: {  	s20 =	sor.u32 $0x30, s20;
	s22 =	sor.u32 $0x380, s24  }
0x82: {  	s21 =	sor.u32 s21, s20;
	[tilespmem:s22+$0x15000] =	vst v0  }
0x83: {  	v0 =	vld [tilespmem:s21+$0x13C00];
	_ =	sdelay $0x4  }
0x84: {  	v56 =	vshll.u32 v0, $0x3  }
0x85: {  	v0 =	vand.u32 $0x7F, v0;
	v1 =	vand.u32 $0xFFFFFC00, v56  }
0x86: {  	v0 =	vor.u32 v0, v1;
	_ =	sdelay $0x4  }
0x87: {  	v1 =	vld.idx.msk [tilespmem:v0+s2+$0x0], $0xffff  }
0x88: {  	v57 =	vor.u32 $0x80, v0;
	_ =	sdelay $0x2  }
0x89: {  	s18 =	sor.u32 s20, s18  }
0x8a: {  	v58 =	vld [tilespmem:s21+$0x14600];
	[tilespmem:s18+$0x0] =	vst v1  }
0x8b: {  	v1 =	vld.idx.msk [tilespmem:v57+s2+$0x0], $0xffff  }
0x8c: {  	v59 =	vor.u32 $0x100, v0;
	_ =	sdelay $0x3  }
0x8d: {  	[tilespmem:s18+$0x80] =	vst v1  }
0x8e: {  	v1 =	vld.idx.msk [tilespmem:v59+s2+$0x0], $0xffff  }
0x8f: {  	v0 =	vor.u32 $0x180, v0;
	_ =	sdelay $0x2  }
0x90: {  	v60 =	vshll.u32 v58, $0x3  }
0x91: {  	v61 =	vand.u32 $0x7F, v58;
	v2 =	vand.u32 $0xFFFFFC00, v60;
	[tilespmem:s18+$0x100] =	vst v1  }
0x92: {  	v1 =	vor.u32 v61, v2;
	v0 =	vld.idx.msk [tilespmem:v0+s2+$0x0], $0xffff  }
0x93: {  	v2 =	vor.u32 $0x200, v1;
	_ =	sdelay $0x3  }
0x94: {  	[tilespmem:s18+$0x180] =	vst v0  }
0x95: {  	v0 =	vld.idx.msk [tilespmem:v2+s2+$0x0], $0xffff  }
0x96: {  	v62 =	vor.u32 $0x280, v1;
	_ =	sdelay $0x1  }
0x97: {  	s29 =	sadd.s32 $0x30, s19  }
0x98: {  	s19 =	sor.u32 $0x200, s29  }
0x99: {  	[tilespmem:s19+$0x15000] =	vst v0  }
0x9a: {  	v0 =	vld.idx.msk [tilespmem:v62+s2+$0x0], $0xffff  }
0x9b: {  	v63 =	vor.u32 $0x300, v1;
	_ =	sdelay $0x2  }
0x9c: {  	s30 =	sor.u32 $0x280, s29  }
0x9d: {  	[tilespmem:s30+$0x15000] =	vst v0  }
0x9e: {  	v0 =	vld.idx.msk [tilespmem:v63+s2+$0x0], $0xffff  }
0x9f: {  	v1 =	vor.u32 $0x380, v1;
	_ =	sdelay $0x2  }
0xa0: {  	s31 =	sor.u32 $0x300, s29  }
0xa1: {  	[tilespmem:s31+$0x15000] =	vst v0  }
0xa2: {  	p2 =	sne.s32 s17, $0x4E00;
	v0 =	vld.idx.msk [tilespmem:v1+s2+$0x0], $0xffff  }
.Ltmp0:
0xa3: {  	_ = 	snop;
	(pc) =	sbr.rel @p2 .LBB2_3-.Ltmp0, $3  }
0xa4: {  	_ =	sdelay $0x1  }
0xa5: {  	s15 =	sadd.s32 $0x40, s15;
	s16 =	sadd.s32 $0x40, s16;
	s18 =	sor.u32 $0x380, s29  }
0xa6: {  	p1 =	por !p1, !p1;
	s17 =	sadd.s32 $0x200, s17;
	s14 =	sadd.s32 $0x40, s14;
	[tilespmem:s18+$0x15000] =	vst v0  }
0xa7: {  	s13 =	smul.u32 $0x5000, s13  }
0xa8: {  	p1 =	slt.u32 @!p0 s12, $0x3  }
0xa9: {  	p1 =	por p0, !p1;
	s13 =	sshrl.u32 s13, $0x3  }
.Ltmp1:
0xaa: {  	s13 =	sadd.s32 s1, s13;
	(pc) =	sbr.rel @!p1 .LBB2_2-.Ltmp1, $4  }
0xab: {  	[hbm4b:s13+s2] =	stream.linear.scatter [tilespmem:s10], [sflag:$0x1], $0x5000, $0x38;
	[tilespmem:$0x1A000] =	vst v63  }
0xac: {  	_ =	swait.ge [sflag:s9], $0x5000  }
0xad: {  	[sflag:s9] =	ssyncset.done $0x0  }
0xae: {  	s12 =	sadd.s32 $0x1, s12;
	[sflag:s9] =	ssyncadd.s32 $0xFFFFB000  }
0xaf: {  	s11 =	sadd.s32 $0x1, s11  }
0xb0: {  	p1 =	sne.s32 s11, s8  }
.Ltmp2:
0xb1: {  	_ = 	snop;
	(pc) =	sbr.rel @p1 .LBB2_1-.Ltmp2, $1  }
0xb2: {  	_ =	sdelay $0x3  }
0xb3: {  	_ =	sfence.sel $0x180000  }
0xb4: {  	[bflag:$0x0] =	sbarrier.arrive $0xFFFF  }
0xb5: {  	p0 =	sne.s32 s3, $0x0;
	_ =	strace $0x9000004A  }
0xb6: {  	s0 =	sadd.s32 @!p0 $0x100000, s0;
	[bflag:$0x2] =	sbarrier.arrive $0xFFFF  }
0xb7: {  	[sflag:s0] =	ssyncadd.tile.s32 @!p0 $0x1;
	_ =	shalt  }
.Lfunc_end2:
_tile_overlayer_lowered:
.L_overlay_start_2:
0xb8: {  	(tag) =	ssettag $0x2  }
0xb9: {  	s0 =	rddreg [dreg:$0x0];
	s2 =	stileid.u32  }
0xba: {  	s1 =	rddreg [dreg:$0x1];
	p0 =	sne.s32 s2, $0x0  }
0xbb: {  	s3 =	rddreg [dreg:$0x2];
	[bflag:$0x3] =	sbarrier.arrive $0xFFFF;
	s2 =	simm.s32 @!p0 $0x1C01  }
0xbc: {  	[timem:s3], [sflag:s2] =	dma.local @!p0 [hbm:s0], s1  }
0xbd: {  	s0 =	simm.s32 @!p0 $0x1  }
0xbe: {  	_ =	swait.ge @!p0 [sflag:s0], s1  }
0xbf: {  	s1 =	ssub.s32 @!p0 $0x0, s1;
	[sflag:s0] =	ssyncset.done @!p0 $0x0  }
0xc0: {  	[sflag:s0] =	ssyncadd.s32 @!p0 s1  }
0xc1: {  	[bflag:$0x3] =	sbarrier.arrive $0xFFFF  }
0xc2: {  	_ =	shalt  }

// kernel: kernel.7.cloned.1.call-start
scs
__scs_entry_jumppad:
0x0: {  	(pc) =	sbr.rel $0x88, $3  }
0x1: {  	(tag) =	ssettag $0x0;
	lr =	simm.s32 $0x1  }
0x2: {  	[smem:$0x3F97] =	sst lr;
	_ =	strace $0xD0000000  }
0x3: {  	_ = 	snop  }
0x4: {  	_ = 	snop  }
0x5: {  	_ = 	snop  }
0x6: {  	_ = 	snop  }
0x7: {  	_ = 	snop  }
__scs_overlays_trampoline_lowered:
0x8: {  	[smem:$0x3FA6] =	sst s0  }
0x9: {  	[smem:$0x3FA7] =	sst s1  }
0xa: {  	[smem:$0x3FA8] =	sst s2  }
0xb: {  	[smem:$0x3FA9] =	sst s3  }
0xc: {  	[smem:$0x3FAA] =	sst s4  }
0xd: {  	[smem:$0x3FAB] =	sst s5  }
0xe: {  	[smem:$0x3FAC] =	sst s6  }
0xf: {  	[smem:$0x3FAD] =	sst s7  }
0x10: {  	[smem:$0x3FAE] =	sst s8  }
0x11: {  	[smem:$0x3FAF] =	sst s9;
	s0 =	simm.s32 @!p0 $0x0  }
0x12: {  	s1 =	sld [smem:$0x3F95];
	s0 =	simm.s32 @p0 $0x1  }
0x13: {  	[smem:$0x3FB0] =	sst s0;
	s0 =	simm.s32 @!p1 $0x0  }
0x14: {  	s2 =	sld [smem:$0x3F94];
	s0 =	simm.s32 @p1 $0x1  }
0x15: {  	[smem:$0x3FB1] =	sst s0;
	s0 =	simm.s32 @!p2 $0x0  }
0x16: {  	s3 =	sld [smem:$0x3FDB];
	s0 =	simm.s32 @p2 $0x1  }
0x17: {  	s4 =	simm.s32 $0x1BF5;
	[smem:$0x3FB3] =	sst s0  }
0x18: {  	s0 =	sld [smem:$0x3F96];
	_ =	swait.ge [sflag:s4], $0x0  }
0x19: {  	s7 =	sld [smem:$0x3F97]  }
0x1a: {  	s8 =	sadd.s32 $0xFFFFE003, lr  }
0x1b: {  	s9 =	sadd.s32 $0xFFFFFEF7, lr;
	s5 =	simm.s32 $0xFFFFFFFF;
	p2 =	slt.u32 s8, $0xFFFFF086  }
0x1c: {  	p1 =	slt.u32 s9, $0xF7A;
	s5 =	simm.s32 @!p2 $0x0  }
0x1d: {  	s5 =	simm.s32 @p1 $0x1;
	p0 =	seq.s32 s7, s2  }
0x1e: {  	s7 =	smul.u32 @!p0 $0xF7A, s2;
	p2 =	seq.s32 @!p0 s5, $0x0  }
0x1f: {  	s9 =	smul.u32 $0xF7A, s1;
	s8 =	simm.s32 @!p0 $0x1BF5;
	p2 =	por !p2, p0  }
0x20: {  	[sflag:s8] =	ssyncset.s32 @!p0 $0xFFFFF086;
	s6 =	sadd.s32 @!p0 s3, s7;
	s7 =	simm.s32 @!p0 $0x108  }
0x21: {  	s3 =	sadd.s32 s3, s9;
	s6 =	sadd.s32 @!p0 $0x88, s6;
	s7 =	simm.s32 @p2 $0x1082  }
0x22: {  	[simem:s7], [sflag:s8] =	dma.local @!p0 [hbm:s6], $0xF7A  }
0x23: {  	s9 =	sor.u32 $0xD0000000, s2;
	s6 =	simm.s32 $0x108;
	_ =	swait.ge @!p0 [sflag:s8], $0x0  }
0x24: {  	s3 =	sadd.s32 $0x88, s3;
	s6 =	simm.s32 @!p1 $0x1082;
	[sflag:s4] =	ssyncset.s32 $0xFFFFF086  }
0x25: {  	[simem:s6], [sflag:s4] =	dma.local [hbm:s3], $0xF7A  }
0x26: {  	[smem:$0x3F97] =	sst s1;
	(tag) =	ssettag s2;
	_ =	strace s9  }
0x27: {  	s1 =	sld [smem:$0x3FA7]  }
0x28: {  	s2 =	sld [smem:$0x3FA8]  }
0x29: {  	s4 =	sld [smem:$0x3FAA]  }
0x2a: {  	p0 =	seq.s32 s5, $0x0;
	s5 =	sld [smem:$0x3FAB]  }
0x2b: {  	s6 =	sld [smem:$0x3FAC]  }
0x2c: {  	s7 =	sld [smem:$0x3FAD]  }
0x2d: {  	s3 =	simm.s32 $0x108;
	s8 =	sld [smem:$0x3FAE]  }
0x2e: {  	s3 =	simm.s32 @!p0 $0x1082;
	s9 =	sld [smem:$0x3FAF]  }
0x2f: {  	lr =	sadd.s32 s0, s3;
	s0 =	sld [smem:$0x3FA6]  }
0x30: {  	s3 =	sld [smem:$0x3FA9]  }
0x31: {  	[smem:$0x3FB2] =	sst s10  }
0x32: {  	s10 =	sld [smem:$0x3FB0];
	_ =	sdelay $0x3  }
0x33: {  	p0 =	seq.s32 s10, $0x1;
	s10 =	sld [smem:$0x3FB2];
	_ =	sdelay $0x3  }
0x34: {  	[smem:$0x3FB2] =	sst s10  }
0x35: {  	s10 =	sld [smem:$0x3FB1];
	_ =	sdelay $0x3  }
0x36: {  	p1 =	seq.s32 s10, $0x1;
	s10 =	sld [smem:$0x3FB2];
	_ =	sdelay $0x3  }
0x37: {  	[smem:$0x3FB2] =	sst s10  }
0x38: {  	s10 =	sld [smem:$0x3FB3]  }
0x39: {  	_ = 	snop;
	(pc) =	sbr.ind lr, $3  }
0x3a: {  	_ = 	snop  }
0x3b: {  	_ = 	snop  }
0x3c: {  	p2 =	seq.s32 s10, $0x1;
	s10 =	sld [smem:$0x3FB2]  }
0x3d: {  	_ =	shalt  }
0x3e: {  	_ =	shalt  }
0x3f: {  	_ =	shalt  }
0x40: {  	_ =	shalt  }
0x41: {  	_ =	shalt  }
0x42: {  	_ =	shalt  }
0x43: {  	_ =	shalt  }
0x44: {  	_ =	shalt  }
0x45: {  	_ =	shalt  }
0x46: {  	_ =	shalt  }
0x47: {  	_ =	shalt  }
0x48: {  	_ =	shalt  }
0x49: {  	_ =	shalt  }
0x4a: {  	_ =	shalt  }
0x4b: {  	_ =	shalt  }
0x4c: {  	_ =	shalt  }
0x4d: {  	_ =	shalt  }
0x4e: {  	_ =	shalt  }
0x4f: {  	_ =	shalt  }
0x50: {  	_ =	shalt  }
0x51: {  	_ =	shalt  }
0x52: {  	_ =	shalt  }
0x53: {  	_ =	shalt  }
0x54: {  	_ =	shalt  }
0x55: {  	_ =	shalt  }
0x56: {  	_ =	shalt  }
0x57: {  	_ =	shalt  }
0x58: {  	_ =	shalt  }
0x59: {  	_ =	shalt  }
0x5a: {  	_ =	shalt  }
0x5b: {  	_ =	shalt  }
0x5c: {  	_ =	shalt  }
0x5d: {  	_ =	shalt  }
0x5e: {  	_ =	shalt  }
0x5f: {  	_ =	shalt  }
0x60: {  	_ =	shalt  }
0x61: {  	_ =	shalt  }
0x62: {  	_ =	shalt  }
0x63: {  	_ =	shalt  }
0x64: {  	_ =	shalt  }
0x65: {  	_ =	shalt  }
0x66: {  	_ =	shalt  }
0x67: {  	_ =	shalt  }
0x68: {  	_ =	shalt  }
0x69: {  	_ =	shalt  }
0x6a: {  	_ =	shalt  }
0x6b: {  	_ =	shalt  }
0x6c: {  	_ =	shalt  }
0x6d: {  	_ =	shalt  }
0x6e: {  	_ =	shalt  }
0x6f: {  	_ =	shalt  }
0x70: {  	_ =	shalt  }
0x71: {  	_ =	shalt  }
0x72: {  	_ =	shalt  }
0x73: {  	_ =	shalt  }
0x74: {  	_ =	shalt  }
0x75: {  	_ =	shalt  }
0x76: {  	_ =	shalt  }
0x77: {  	_ =	shalt  }
0x78: {  	_ =	shalt  }
0x79: {  	_ =	shalt  }
0x7a: {  	_ =	shalt  }
0x7b: {  	_ =	shalt  }
0x7c: {  	_ =	shalt  }
0x7d: {  	_ =	shalt  }
0x7e: {  	_ =	shalt  }
0x7f: {  	_ =	shalt  }
0x80: {  	_ =	shalt  }
0x81: {  	_ =	shalt  }
0x82: {  	_ =	shalt  }
0x83: {  	_ =	shalt  }
0x84: {  	_ =	shalt  }
0x85: {  	_ =	shalt  }
0x86: {  	_ =	shalt  }
0x87: {  	_ =	shalt  }
.Lfunc_end0:
.L_simem_size_0:
called_computation_lowered:
.L_overlay_start_0:
0x88: {  	s2 =	sld [smem:$0x3FD9]  }
0x89: {  	s3 =	sld [smem:$0x3FFE];
	_ =	sdelay $0x1  }
0x8a: {  	s1 =	srdreg.scid  }
0x8b: {  	s0 =	sand.u32 $0x1, s1  }
0x8c: {  	s17 =	sshll.u32 s0, $0xA;
	s2 =	sadd.s32 s3, s2  }
0x8d: {  	s2 =	sadd.s32 s2, s17  }
0x8e: {  	[smem:$0x3FBE] =	sst s2  }
0x8f: {  	_ = 	snop  }
0x90: {  	s2 =	sld [smem:$0x3FD0];
	(tm) =	ssettm $0x1  }
0x91: {  	s18 =	sld [smem:$0x3FFB];
	_ =	sdelay $0x3  }
0x92: {  	_ =	strace s18  }
0x93: {  	s3 =	sld [smem:$0x3FFC];
	_ =	sdelay $0x3  }
0x94: {  	_ =	strace s3  }
0x95: {  	s3 =	sld [smem:$0x3FFD];
	_ =	sdelay $0x3  }
0x96: {  	_ =	strace s3  }
0x97: {  	_ =	strace $0x8FFFFFFF  }
0x98: {  	s19 =	sld [smem:$0x3FDB];
	_ =	sdelay $0x1  }
0x99: {  	s4 =	simm.s32 $_scs_section_size  }
0x9a: {  	s5 =	simm.s32 $_size__tile_overlayer_lowered;
	s6 =	simm.s32 $_tile_overlayer_lowered  }
0x9b: {  	s22 =	simm.s32 $0x1BFF;
	s21 =	sshll.u32 s6, $0x1;
	s3 =	sadd.s32 s4, s19  }
0x9c: {  	s7 =	simm.s32 $0x0;
	s20 =	sshll.u32 s5, $0x1;
	s5 =	sadd.s32 s21, s3  }
0x9d: {  	[timem:s7], [sflag:s22] =	dma.local [hbm:s5], s20  }
0x9e: {  	_ =	swait.ge [sflag:s22], s20  }
0x9f: {  	s4 =	ssub.s32 $0x0, s20;
	[sflag:s22] =	ssyncset.done $0x0  }
0xa0: {  	[sflag:s22] =	ssyncadd.s32 s4;
	_ =	sdelay $0x1  }
0xa1: {  	s23 =	simm.s32 $0x1B8B  }
0xa2: {  	_ =	swait.ge [sflag:s23], $0x1  }
0xa3: {  	[sflag:s23] =	ssyncset.done $0x0  }
0xa4: {  	s25 =	simm.s32 $0x1B8E;
	s24 =	sld [smem:$0x3FFE];
	[sflag:s23] =	ssyncadd.s32 $0xFFFFFFFF  }
0xa5: {  	s26 =	simm.s32 $execute0_lowered;
	[smem:$0x3FD2] =	sst s25  }
0xa6: {  	s5 =	sshll.u32 s26, $0x1;
	_ =	strace $0x80000046;
	[dreg:$0x1] =	wrdreg $0xFFFFFFFF  }
0xa7: {  	s28 =	simm.s32 $_size_execute0_lowered;
	s3 =	sadd.s32 s3, s5;
	[dreg:$0x0] =	wrdreg $0x0  }
0xa8: {  	s5 =	sshll.u32 s28, $0x1;
	[dreg:$0x2] =	wrdreg s3  }
0xa9: {  	[dreg:$0x3] =	wrdreg s5  }
0xaa: {  	[dreg:$0x4] =	wrdreg $0xC0  }
0xab: {  	_ =	task [dreg:s7], $0x5FFFF  }
0xac: {  	[dreg:$0x1] =	wrdreg $0xFFFFFFFF  }
0xad: {  	[dreg:$0x0] =	wrdreg $0x60  }
0xae: {  	[dreg:$0x2] =	wrdreg s24  }
0xaf: {  	[dreg:$0x3] =	wrdreg s2  }
0xb0: {  	[dreg:$0x4] =	wrdreg $0x9  }
0xb1: {  	_ =	task.clear_ibuf [dreg:s7], $0x5FFFF;
	_ =	strace $0x90000046  }
0xb2: {  	s29 =	simm.s32 $0x9;
	_ =	strace $0x80000048  }
0xb3: {  	_ =	swait.ge [sflag:s29], $0x1  }
0xb4: {  	[sflag:s29] =	ssyncadd.s32 $0xFFFFFFFF  }
0xb5: {  	_ =	strace $0x90000048  }
0xb6: {  	_ =	sfence  }
0xb7: {  	s30 =	sld [smem:$0x0];
	_ =	sdelay $0x2  }
0xb8: {  	s31 =	sshll.u32 s1, $0xD;
	s1 =	sshrl.u32 s1, $0x2  }
0xb9: {  	s3 =	sand.u32 $0x4000, s31;
	s1 =	sadd.s32 s1, s30  }
0xba: {  	s0 =	sor.u32 s3, s0;
	s1 =	sshll.u32 s1, $0x11  }
0xbb: {  	s0 =	sor.u32 s1, s0  }
0xbc: {  	s0 =	sadd.s32 $0x8F2B, s0  }
0xbd: {  	[sflag:s0] =	ssyncadd.remote.s32 $0x1  }
0xbe: {  	_ =	sfence.sel $0xFFFF  }
0xbf: {  	[dreg:$0x0] =	wrdreg $0xFFFFFFFF;
	(pc) =	sbr.abs _section_cstart, $3  }
0xc0: {  	[dreg:$0x1] =	wrdreg $0xFFFFFFFF  }
0xc1: {  	_ =	task.clear_ibuf [dreg:s7], $0x2FFFF;
	_ =	strace $0x9FFFFFFF  }
0xc2: {  	(tm) =	ssettm $0x7FFFFFFF  }
0xc3: {  	_ =	shalt  }
tec
execute0_lowered:
.L_overlay_start_1:
0x0: {  	(tag) =	ssettag $0x1  }
0x1: {  	s4 =	rddreg [dreg:$0x0]  }
0x2: {  	s6 =	rddreg [dreg:$0x1]  }
0x3: {  	s0 =	rddreg [dreg:$0x2]  }
0x4: {  	s2 =	simm.s32 $0x0;
	s3 =	srdreg.scid;
	s1 =	stileid.u32  }
0x5: {  	s9 =	simm.s32 $0x14600;
	[smem:$0x7FF] =	sst s2;
	s3 =	sand.u32 $0x1, s3  }
0x6: {  	s5 =	sshll.u32 s1, $0x1;
	_ =	strace $0x80000047;
	s7 =	ssub.s32 $0x2, s3  }
0x7: {  	s10 =	sor.u32 s3, s5;
	s3 =	sadd.s32 $0xB600, s4;
	s4 =	sadd.s32 $0x15400, s4  }
0x8: {  	s31 =	sshrl.u32 s7, $0x1;
	s8 =	smul.u32 $0x2780, s10;
	s5 =	sshll.u32 s10, $0x2  }
0x9: {  	p0 =	seq.s32 s10, $0x1F;
	s10 =	simm.s32 $0x0;
	s7 =	ssub.s32 s7, s31  }
0xa: {  	v0 =	vimm.f32 $0.0e+00;
	s6 =	sadd.s32 s6, s8;
	s7 =	smax.u32 s7, $0x1;
	s8 =	simm.s32 $0x1  }
.LBB2_1:
0xb: {  	s11 =	simm.s32 $0x0  }
0xc: {  	s12 =	sand.u32 $0x1FC00, s2;
	s11 =	sand.u32 $0x70, s11  }
0xd: {  	s11 =	sor.u32 s11, s12  }
0xe: {  	[tilespmem:s11+$0x300] =	vst v0  }
0xf: {  	[tilespmem:s11+$0x280] =	vst v0  }
0x10: {  	[tilespmem:s11+$0x200] =	vst v0  }
0x11: {  	s25 =	sand.u32 $0x7, s2;
	[tilespmem:s11+$0x180] =	vst v0  }
0x12: {  	s12 =	sshll.u32 s25, $0x4;
	[tilespmem:s11+$0x80] =	vst v0  }
0x13: {  	s13 =	simm.s32 $0x10;
	s14 =	simm.s32 $0x80;
	s12 =	sadd.s32 $0x0, s12;
	[tilespmem:s11+$0x0] =	vst v0  }
0x14: {  	s26 =	sand.u32 $0x70, s13;
	s28 =	sand.u32 $0x3FC00, s14;
	[tilespmem:s11+$0x100] =	vst v0;
	s12 =	sor.u32 $0x380, s12  }
0x15: {  	s11 =	sor.u32 s26, s28;
	[tilespmem:s12+$0x0] =	vst v0  }
0x16: {  	[tilespmem:s11+$0x300] =	vst v0  }
0x17: {  	[tilespmem:s11+$0x280] =	vst v0  }
0x18: {  	[tilespmem:s11+$0x200] =	vst v0  }
0x19: {  	s29 =	sand.u32 $0x7, s8;
	[tilespmem:s11+$0x80] =	vst v0  }
0x1a: {  	s12 =	sshll.u32 s29, $0x4;
	[tilespmem:s11+$0x100] =	vst v0  }
0x1b: {  	s30 =	simm.s32 $0x20;
	s31 =	simm.s32 $0x100;
	s12 =	sadd.s32 $0x80, s12;
	[tilespmem:s11+$0x0] =	vst v0  }
0x1c: {  	s16 =	sand.u32 $0x70, s30;
	s17 =	sand.u32 $0x3FC00, s31;
	[tilespmem:s11+$0x180] =	vst v0;
	s15 =	sor.u32 $0x380, s12  }
0x1d: {  	s18 =	sor.u32 s16, s17;
	[tilespmem:s15+$0x0] =	vst v0  }
0x1e: {  	[tilespmem:s18+$0x300] =	vst v0  }
0x1f: {  	[tilespmem:s18+$0x280] =	vst v0  }
0x20: {  	s19 =	simm.s32 $0x2;
	[tilespmem:s18+$0x80] =	vst v0  }
0x21: {  	s12 =	sand.u32 $0x7, s19;
	[tilespmem:s18+$0x200] =	vst v0  }
0x22: {  	s12 =	sshll.u32 s12, $0x4;
	[tilespmem:s18+$0x100] =	vst v0  }
0x23: {  	s20 =	simm.s32 $0x30;
	s21 =	simm.s32 $0x180;
	[tilespmem:s18+$0x180] =	vst v0;
	s12 =	sadd.s32 $0x100, s12  }
0x24: {  	s23 =	sand.u32 $0x70, s20;
	s24 =	sand.u32 $0x3FC00, s21;
	[tilespmem:s18+$0x0] =	vst v0;
	s22 =	sor.u32 $0x380, s12  }
0x25: {  	s25 =	sor.u32 s23, s24;
	[tilespmem:s22+$0x0] =	vst v0  }
0x26: {  	[tilespmem:s25+$0x300] =	vst v0  }
0x27: {  	[tilespmem:s25+$0x280] =	vst v0  }
0x28: {  	s26 =	simm.s32 $0x3;
	[tilespmem:s25+$0x200] =	vst v0  }
0x29: {  	s12 =	sand.u32 $0x7, s26;
	[tilespmem:s25+$0x180] =	vst v0  }
0x2a: {  	s12 =	sshll.u32 s12, $0x4;
	[tilespmem:s25+$0x80] =	vst v0  }
0x2b: {  	s28 =	simm.s32 $0x40;
	s29 =	simm.s32 $0x200;
	[tilespmem:s25+$0x0] =	vst v0;
	s12 =	sadd.s32 $0x180, s12  }
0x2c: {  	s13 =	sand.u32 $0x70, s28;
	s14 =	sand.u32 $0x3FC00, s29;
	[tilespmem:s25+$0x100] =	vst v0;
	s30 =	sor.u32 $0x380, s12  }
0x2d: {  	s19 =	sor.u32 s13, s14;
	[tilespmem:s30+$0x0] =	vst v0  }
0x2e: {  	s12 =	simm.s32 $0x4;
	[tilespmem:s19+$0x300] =	vst v0  }
0x2f: {  	s31 =	sand.u32 $0x7, s12;
	[tilespmem:s19+$0x200] =	vst v0  }
0x30: {  	s16 =	simm.s32 $0x8;
	s17 =	simm.s32 $0x7;
	s11 =	sshll.u32 s31, $0x4;
	[tilespmem:s19+$0x100] =	vst v0  }
0x31: {  	s13 =	simm.s32 $0x280;
	s14 =	simm.s32 $0x6;
	[tilespmem:s19+$0x280] =	vst v0;
	s11 =	sadd.s32 $0x200, s11  }
0x32: {  	s15 =	simm.s32 $0x90;
	s18 =	simm.s32 $0x0;
	[tilespmem:s19+$0x80] =	vst v0;
	s20 =	sor.u32 $0x380, s11  }
.LBB2_2:
0x33: {  	s11 =	sadd.s32 $0xFFFFFFC0, s15;
	[tilespmem:s19+$0x0] =	vst v0;
	s18 =	sadd.s32 $0x5, s18;
	s12 =	sadd.s32 $0x5, s12  }
0x34: {  	s21 =	sand.u32 $0x1FC00, s13;
	p1 =	sne.s32 s13, $0x13600;
	s11 =	sand.u32 $0x70, s11;
	[tilespmem:s19+$0x180] =	vst v0  }
0x35: {  	s19 =	sor.u32 s11, s21;
	[tilespmem:s20+$0x0] =	vst v0;
	s11 =	smov.u32 s13;
	s13 =	sadd.s32 $0x280, s13  }
0x36: {  	[tilespmem:s19+$0x300] =	vst v0  }
0x37: {  	s20 =	sand.u32 $0x7, s18;
	[tilespmem:s19+$0x280] =	vst v0  }
0x38: {  	s20 =	sshll.u32 s20, $0x4;
	[tilespmem:s19+$0x200] =	vst v0  }
0x39: {  	s20 =	sadd.s32 s20, s11;
	[tilespmem:s19+$0x180] =	vst v0  }
0x3a: {  	s21 =	sand.u32 $0x7, s14;
	s20 =	sor.u32 $0x380, s20;
	[tilespmem:s19+$0x80] =	vst v0  }
0x3b: {  	s22 =	sadd.s32 $0xFFFFFFD0, s15;
	s21 =	sshll.u32 s21, $0x4;
	s23 =	sadd.s32 $0x80, s11;
	[tilespmem:s19+$0x0] =	vst v0  }
0x3c: {  	s21 =	sadd.s32 s21, s23;
	[tilespmem:s19+$0x100] =	vst v0;
	s19 =	sand.u32 $0x70, s22;
	s22 =	sand.u32 $0x3FC00, s23  }
0x3d: {  	[tilespmem:s20+$0x0] =	vst v0;
	s19 =	sor.u32 s19, s22  }
0x3e: {  	[tilespmem:s19+$0x300] =	vst v0  }
0x3f: {  	[tilespmem:s19+$0x280] =	vst v0  }
0x40: {  	[tilespmem:s19+$0x200] =	vst v0  }
0x41: {  	[tilespmem:s19+$0x80] =	vst v0  }
0x42: {  	[tilespmem:s19+$0x100] =	vst v0  }
0x43: {  	s20 =	sadd.s32 $0xFFFFFFE0, s15;
	s22 =	sadd.s32 $0x100, s11;
	[tilespmem:s19+$0x0] =	vst v0  }
0x44: {  	s20 =	sand.u32 $0x70, s20;
	[tilespmem:s19+$0x180] =	vst v0;
	s19 =	sor.u32 $0x380, s21;
	s21 =	sand.u32 $0x3FC00, s22  }
0x45: {  	[tilespmem:s19+$0x0] =	vst v0;
	s19 =	sor.u32 s20, s21  }
0x46: {  	[tilespmem:s19+$0x300] =	vst v0  }
0x47: {  	[tilespmem:s19+$0x280] =	vst v0  }
0x48: {  	[tilespmem:s19+$0x80] =	vst v0  }
0x49: {  	s20 =	sand.u32 $0x7, s17;
	[tilespmem:s19+$0x200] =	vst v0  }
0x4a: {  	s20 =	sshll.u32 s20, $0x4;
	[tilespmem:s19+$0x100] =	vst v0  }
0x4b: {  	s21 =	sadd.s32 $0xFFFFFFF0, s15;
	s20 =	sadd.s32 s20, s22;
	s22 =	sadd.s32 $0x180, s11;
	[tilespmem:s19+$0x180] =	vst v0  }
0x4c: {  	[tilespmem:s19+$0x0] =	vst v0;
	s19 =	sor.u32 $0x380, s20;
	s20 =	sand.u32 $0x70, s21;
	s21 =	sand.u32 $0x3FC00, s22  }
0x4d: {  	[tilespmem:s19+$0x0] =	vst v0;
	s19 =	sor.u32 s20, s21  }
0x4e: {  	[tilespmem:s19+$0x300] =	vst v0  }
0x4f: {  	[tilespmem:s19+$0x280] =	vst v0  }
0x50: {  	[tilespmem:s19+$0x200] =	vst v0  }
0x51: {  	s20 =	sand.u32 $0x7, s16;
	[tilespmem:s19+$0x180] =	vst v0  }
0x52: {  	s23 =	sand.u32 $0x70, s15;
	s21 =	sand.u32 $0x7, s12;
	s20 =	sshll.u32 s20, $0x4;
	[tilespmem:s19+$0x80] =	vst v0  }
0x53: {  	s11 =	sadd.s32 $0x200, s11;
	s21 =	sshll.u32 s21, $0x4;
	s20 =	sadd.s32 s20, s22;
	[tilespmem:s19+$0x0] =	vst v0  }
0x54: {  	[tilespmem:s19+$0x100] =	vst v0;
	s19 =	sor.u32 $0x380, s20;
	s20 =	sand.u32 $0x3FC00, s11;
	s11 =	sadd.s32 s21, s11  }
0x55: {  	[tilespmem:s19+$0x0] =	vst v0;
	s19 =	sor.u32 s23, s20;
	s20 =	sor.u32 $0x380, s11  }
.Ltmp0:
0x56: {  	[tilespmem:s19+$0x300] =	vst v0;
	(pc) =	sbr.rel @p1 .LBB2_2-.Ltmp0, $4  }
0x57: {  	[tilespmem:s19+$0x200] =	vst v0  }
0x58: {  	[tilespmem:s19+$0x100] =	vst v0  }
0x59: {  	s14 =	sadd.s32 $0x5, s14;
	s11 =	simm.s32 $0x0;
	[tilespmem:s19+$0x280] =	vst v0  }
0x5a: {  	s15 =	sadd.s32 $0x50, s15;
	s17 =	sadd.s32 $0x5, s17;
	s16 =	sadd.s32 $0x5, s16;
	[tilespmem:s19+$0x80] =	vst v0  }
0x5b: {  	[tilespmem:s19+$0x0] =	vst v0  }
0x5c: {  	[tilespmem:s19+$0x180] =	vst v0  }
0x5d: {  	s12 =	simm.s32 $0x0;
	[tilespmem:s20+$0x0] =	vst v0  }
.LBB2_4:
0x5e: {  	s14 =	sadd.s32 s5, s12  }
0x5f: {  	s13 =	smul.u32 $0xA00, s14;
	_ =	sdelay $0x1  }
0x60: {  	s13 =	sshrl.u32 s13, $0x3  }
0x61: {  	s14 =	smul.u32 $0x5000, s14;
	s15 =	sadd.s32 s3, s13;
	s13 =	simm.s32 $0x13C00  }
0x62: {  	[tilespmem:s13], [sflag:$0x1] =	stream.linear.gather [hbm4b:s15+s11], $0xA00, $0x38;
	[tilespmem:$0x19600] =	vst v63  }
0x63: {  	_ =	swait.ge [sflag:s8], $0xA00  }
0x64: {  	s14 =	sshrl.u32 s14, $0x3;
	[sflag:s8] =	ssyncset.done $0x0  }
0x65: {  	s14 =	sadd.s32 s4, s14;
	[sflag:s8] =	ssyncadd.s32 $0xFFFFF600  }
0x66: {  	[tilespmem:s9], [sflag:$0x1] =	stream.linear.gather [hbm4b:s14+s11], $0x5000, $0x38;
	[tilespmem:$0x19600] =	vst v63  }
0x67: {  	_ =	swait.ge [sflag:s8], $0x5000  }
0x68: {  	p1 =	por $0x0, $0x0;
	[sflag:s8] =	ssyncset.done $0x0  }
0x69: {  	s15 =	simm.s32 $0x0;
	s14 =	simm.s32 $0x0;
	[sflag:s8] =	ssyncadd.s32 $0xFFFFB000  }
.LBB2_5:
0x6a: {  	v1 =	vld [tilespmem:s13+$0x0];
	_ =	sdelay $0x3  }
0x6b: {  	s16 =	sand.u32 $0x7C00, s15  }
0x6c: {  	s17 =	sand.u32 $0x40, s14;
	s16 =	sadd.s32 $0x14600, s16;
	v2 =	vshll.u32 v1, $0x3  }
0x6d: {  	s18 =	sor.u32 s17, s16;
	v1 =	vand.u32 $0x7F, v1;
	v2 =	vand.u32 $0xFFFFFC00, v2  }
0x6e: {  	v3 =	vld [tilespmem:s18+$0x0];
	v1 =	vor.u32 v1, v2;
	_ =	sdelay $0x4  }
0x6f: {  	[tilespmem:v1+s2+$0x0] =	vst.idx.add.f32.msk $0xffff, v3  }
0x70: {  	v3 =	vor.u32 $0x80, v1;
	v2 =	vld [tilespmem:s18+$0x80];
	_ =	sdelay $0x4  }
0x71: {  	[tilespmem:v3+s2+$0x0] =	vst.idx.add.f32.msk $0xffff, v2  }
0x72: {  	v3 =	vor.u32 $0x100, v1;
	v2 =	vld [tilespmem:s18+$0x100];
	_ =	sdelay $0x4  }
0x73: {  	[tilespmem:v3+s2+$0x0] =	vst.idx.add.f32.msk $0xffff, v2  }
0x74: {  	v3 =	vor.u32 $0x180, v1;
	v2 =	vld [tilespmem:s18+$0x180]  }
0x75: {  	s18 =	simm.s32 $0x1  }
0x76: {  	s18 =	simm.s32 @!p1 $0x0  }
0x77: {  	s18 =	sshll.u32 s18, $0x6  }
0x78: {  	s18 =	sadd.s32 s18, s15  }
0x79: {  	s19 =	sor.u32 $0x200, s18;
	[tilespmem:v3+s2+$0x0] =	vst.idx.add.f32.msk $0xffff, v2  }
0x7a: {  	v3 =	vor.u32 $0x200, v1;
	v2 =	vld [tilespmem:s19+$0x14600];
	_ =	sdelay $0x4  }
0x7b: {  	s22 =	sor.u32 $0x280, s18;
	[tilespmem:v3+s2+$0x0] =	vst.idx.add.f32.msk $0xffff, v2  }
0x7c: {  	v3 =	vor.u32 $0x280, v1;
	v2 =	vld [tilespmem:s22+$0x14600];
	_ =	sdelay $0x4  }
0x7d: {  	s23 =	sor.u32 $0x300, s18;
	[tilespmem:v3+s2+$0x0] =	vst.idx.add.f32.msk $0xffff, v2  }
0x7e: {  	v3 =	vor.u32 $0x300, v1;
	v2 =	vld [tilespmem:s23+$0x14600];
	_ =	sdelay $0x4  }
0x7f: {  	s24 =	sor.u32 $0x380, s18;
	[tilespmem:v3+s2+$0x0] =	vst.idx.add.f32.msk $0xffff, v2  }
0x80: {  	v1 =	vor.u32 $0x380, v1;
	v2 =	vld [tilespmem:s24+$0x14600];
	_ =	sdelay $0x2  }
0x81: {  	s25 =	sand.u32 $0xF80, s14  }
0x82: {  	s20 =	sor.u32 $0x10, s17;
	s19 =	sadd.s32 $0x13C00, s25  }
0x83: {  	s21 =	sor.u32 s20, s19;
	[tilespmem:v1+s2+$0x0] =	vst.idx.add.f32.msk $0xffff, v2  }
0x84: {  	v1 =	vld [tilespmem:s21+$0x0];
	_ =	sdelay $0x4  }
0x85: {  	v2 =	vshll.u32 v1, $0x3  }
0x86: {  	s20 =	sor.u32 s20, s16;
	v1 =	vand.u32 $0x7F, v1;
	v2 =	vand.u32 $0xFFFFFC00, v2  }
0x87: {  	v3 =	vld [tilespmem:s20+$0x0];
	v1 =	vor.u32 v1, v2;
	_ =	sdelay $0x4  }
0x88: {  	[tilespmem:v1+s2+$0x0] =	vst.idx.add.f32.msk $0xffff, v3  }
0x89: {  	v3 =	vor.u32 $0x80, v1;
	v2 =	vld [tilespmem:s20+$0x80];
	_ =	sdelay $0x4  }
0x8a: {  	[tilespmem:v3+s2+$0x0] =	vst.idx.add.f32.msk $0xffff, v2  }
0x8b: {  	v3 =	vor.u32 $0x100, v1;
	v2 =	vld [tilespmem:s20+$0x100];
	_ =	sdelay $0x4  }
0x8c: {  	[tilespmem:v3+s2+$0x0] =	vst.idx.add.f32.msk $0xffff, v2  }
0x8d: {  	v3 =	vor.u32 $0x180, v1;
	v2 =	vld [tilespmem:s20+$0x180];
	_ =	sdelay $0x3  }
0x8e: {  	s26 =	sadd.s32 $0x10, s18  }
0x8f: {  	s28 =	sor.u32 $0x200, s26;
	[tilespmem:v3+s2+$0x0] =	vst.idx.add.f32.msk $0xffff, v2  }
0x90: {  	v3 =	vor.u32 $0x200, v1;
	v2 =	vld [tilespmem:s28+$0x14600];
	_ =	sdelay $0x4  }
0x91: {  	s29 =	sor.u32 $0x280, s26;
	[tilespmem:v3+s2+$0x0] =	vst.idx.add.f32.msk $0xffff, v2  }
0x92: {  	v3 =	vor.u32 $0x280, v1;
	v2 =	vld [tilespmem:s29+$0x14600];
	_ =	sdelay $0x4  }
0x93: {  	s30 =	sor.u32 $0x300, s26;
	[tilespmem:v3+s2+$0x0] =	vst.idx.add.f32.msk $0xffff, v2  }
0x94: {  	v3 =	vor.u32 $0x300, v1;
	v2 =	vld [tilespmem:s30+$0x14600];
	_ =	sdelay $0x4  }
0x95: {  	s20 =	sor.u32 $0x380, s26;
	[tilespmem:v3+s2+$0x0] =	vst.idx.add.f32.msk $0xffff, v2  }
0x96: {  	v1 =	vor.u32 $0x380, v1;
	v2 =	vld [tilespmem:s20+$0x14600];
	_ =	sdelay $0x3  }
0x97: {  	s31 =	sor.u32 $0x20, s17  }
0x98: {  	s22 =	sor.u32 s31, s19;
	[tilespmem:v1+s2+$0x0] =	vst.idx.add.f32.msk $0xffff, v2  }
0x99: {  	v1 =	vld [tilespmem:s22+$0x0];
	_ =	sdelay $0x4  }
0x9a: {  	v2 =	vshll.u32 v1, $0x3  }
0x9b: {  	s20 =	sor.u32 s31, s16;
	v1 =	vand.u32 $0x7F, v1;
	v2 =	vand.u32 $0xFFFFFC00, v2  }
0x9c: {  	v3 =	vld [tilespmem:s20+$0x0];
	v1 =	vor.u32 v1, v2;
	_ =	sdelay $0x4  }
0x9d: {  	[tilespmem:v1+s2+$0x0] =	vst.idx.add.f32.msk $0xffff, v3  }
0x9e: {  	v3 =	vor.u32 $0x80, v1;
	v2 =	vld [tilespmem:s20+$0x80];
	_ =	sdelay $0x4  }
0x9f: {  	[tilespmem:v3+s2+$0x0] =	vst.idx.add.f32.msk $0xffff, v2  }
0xa0: {  	v3 =	vor.u32 $0x100, v1;
	v2 =	vld [tilespmem:s20+$0x100];
	_ =	sdelay $0x4  }
0xa1: {  	[tilespmem:v3+s2+$0x0] =	vst.idx.add.f32.msk $0xffff, v2  }
0xa2: {  	v3 =	vor.u32 $0x180, v1;
	v2 =	vld [tilespmem:s20+$0x180];
	_ =	sdelay $0x3  }
0xa3: {  	s23 =	sadd.s32 $0x20, s18  }
0xa4: {  	s24 =	sor.u32 $0x200, s23;
	[tilespmem:v3+s2+$0x0] =	vst.idx.add.f32.msk $0xffff, v2  }
0xa5: {  	v3 =	vor.u32 $0x200, v1;
	v2 =	vld [tilespmem:s24+$0x14600];
	_ =	sdelay $0x4  }
0xa6: {  	s25 =	sor.u32 $0x280, s23;
	[tilespmem:v3+s2+$0x0] =	vst.idx.add.f32.msk $0xffff, v2  }
0xa7: {  	v3 =	vor.u32 $0x280, v1;
	v2 =	vld [tilespmem:s25+$0x14600];
	_ =	sdelay $0x4  }
0xa8: {  	s26 =	sor.u32 $0x300, s23;
	[tilespmem:v3+s2+$0x0] =	vst.idx.add.f32.msk $0xffff, v2  }
0xa9: {  	v3 =	vor.u32 $0x300, v1;
	v2 =	vld [tilespmem:s26+$0x14600];
	_ =	sdelay $0x4  }
0xaa: {  	s20 =	sor.u32 $0x380, s23;
	[tilespmem:v3+s2+$0x0] =	vst.idx.add.f32.msk $0xffff, v2  }
0xab: {  	v1 =	vor.u32 $0x380, v1;
	v2 =	vld [tilespmem:s20+$0x14600];
	_ =	sdelay $0x3  }
0xac: {  	s17 =	sor.u32 $0x30, s17  }
0xad: {  	s19 =	sor.u32 s17, s19;
	[tilespmem:v1+s2+$0x0] =	vst.idx.add.f32.msk $0xffff, v2  }
0xae: {  	v1 =	vld [tilespmem:s19+$0x0];
	_ =	sdelay $0x4  }
0xaf: {  	v2 =	vshll.u32 v1, $0x3  }
0xb0: {  	s16 =	sor.u32 s17, s16;
	v1 =	vand.u32 $0x7F, v1;
	v2 =	vand.u32 $0xFFFFFC00, v2  }
0xb1: {  	v3 =	vld [tilespmem:s16+$0x0];
	v1 =	vor.u32 v1, v2;
	_ =	sdelay $0x4  }
0xb2: {  	[tilespmem:v1+s2+$0x0] =	vst.idx.add.f32.msk $0xffff, v3  }
0xb3: {  	v3 =	vor.u32 $0x80, v1;
	v2 =	vld [tilespmem:s16+$0x80];
	_ =	sdelay $0x4  }
0xb4: {  	[tilespmem:v3+s2+$0x0] =	vst.idx.add.f32.msk $0xffff, v2  }
0xb5: {  	v3 =	vor.u32 $0x100, v1;
	v2 =	vld [tilespmem:s16+$0x100];
	_ =	sdelay $0x4  }
0xb6: {  	[tilespmem:v3+s2+$0x0] =	vst.idx.add.f32.msk $0xffff, v2  }
0xb7: {  	v3 =	vor.u32 $0x180, v1;
	v2 =	vld [tilespmem:s16+$0x180];
	_ =	sdelay $0x3  }
0xb8: {  	s28 =	sadd.s32 $0x30, s18  }
0xb9: {  	s29 =	sor.u32 $0x200, s28;
	[tilespmem:v3+s2+$0x0] =	vst.idx.add.f32.msk $0xffff, v2  }
0xba: {  	v3 =	vor.u32 $0x200, v1;
	v2 =	vld [tilespmem:s29+$0x14600];
	_ =	sdelay $0x4  }
0xbb: {  	s30 =	sor.u32 $0x280, s28;
	[tilespmem:v3+s2+$0x0] =	vst.idx.add.f32.msk $0xffff, v2  }
0xbc: {  	v3 =	vor.u32 $0x280, v1;
	v2 =	vld [tilespmem:s30+$0x14600];
	_ =	sdelay $0x4  }
0xbd: {  	s31 =	sor.u32 $0x300, s28;
	[tilespmem:v3+s2+$0x0] =	vst.idx.add.f32.msk $0xffff, v2  }
0xbe: {  	v3 =	vor.u32 $0x300, v1;
	v2 =	vld [tilespmem:s31+$0x14600];
	_ =	sdelay $0x4  }
0xbf: {  	s16 =	sor.u32 $0x380, s28;
	[tilespmem:v3+s2+$0x0] =	vst.idx.add.f32.msk $0xffff, v2  }
0xc0: {  	p2 =	sne.s32 s15, $0x4E00;
	v1 =	vor.u32 $0x380, v1;
	v2 =	vld [tilespmem:s16+$0x14600]  }
.Ltmp1:
0xc1: {  	_ = 	snop;
	(pc) =	sbr.rel @p2 .LBB2_5-.Ltmp1, $3  }
0xc2: {  	_ =	sdelay $0x1  }
0xc3: {  	s14 =	sadd.s32 $0x40, s14  }
0xc4: {  	s13 =	sadd.s32 $0x40, s13;
	p1 =	por !p1, !p1;
	s15 =	sadd.s32 $0x200, s15;
	[tilespmem:v1+s2+$0x0] =	vst.idx.add.f32.msk $0xffff, v2  }
0xc5: {  	p1 =	slt.u32 @!p0 s12, $0x3  }
0xc6: {  	p1 =	por p0, !p1  }
.Ltmp2:
0xc7: {  	_ = 	snop;
	(pc) =	sbr.rel @!p1 .LBB2_4-.Ltmp2, $2  }
0xc8: {  	_ =	sdelay $0x2  }
0xc9: {  	s12 =	sadd.s32 $0x1, s12  }
0xca: {  	s10 =	sadd.s32 $0x1, s10  }
0xcb: {  	p1 =	sne.s32 s10, s7  }
.Ltmp3:
0xcc: {  	_ = 	snop;
	(pc) =	sbr.rel @p1 .LBB2_1-.Ltmp3, $4  }
0xcd: {  	[hbm4b:s6+s2] =	stream.linear.scatter [tilespmem:s2], [sflag:$0x1], $0x13C00, $0x38;
	[tilespmem:$0x19600] =	vst v63  }
0xce: {  	_ =	swait.ge [sflag:s8], $0x13C00  }
0xcf: {  	[sflag:s8] =	ssyncset.done $0x0  }
0xd0: {  	[sflag:s8] =	ssyncadd.s32 $0xFFFEC400  }
0xd1: {  	_ =	sfence.sel $0x180000  }
0xd2: {  	[bflag:$0x0] =	sbarrier.arrive $0xFFFF  }
0xd3: {  	p0 =	sne.s32 s1, $0x0;
	_ =	strace $0x90000047  }
0xd4: {  	s0 =	sadd.s32 @!p0 $0x100000, s0;
	[bflag:$0x2] =	sbarrier.arrive $0xFFFF  }
0xd5: {  	[sflag:s0] =	ssyncadd.tile.s32 @!p0 $0x1;
	_ =	shalt  }
.Lfunc_end2:
_tile_overlayer_lowered:
.L_overlay_start_2:
0xd6: {  	(tag) =	ssettag $0x2  }
0xd7: {  	s0 =	rddreg [dreg:$0x0];
	s2 =	stileid.u32  }
0xd8: {  	s1 =	rddreg [dreg:$0x1];
	p0 =	sne.s32 s2, $0x0  }
0xd9: {  	s3 =	rddreg [dreg:$0x2];
	[bflag:$0x3] =	sbarrier.arrive $0xFFFF;
	s2 =	simm.s32 @!p0 $0x1C01  }
0xda: {  	[timem:s3], [sflag:s2] =	dma.local @!p0 [hbm:s0], s1  }
0xdb: {  	s0 =	simm.s32 @!p0 $0x1  }
0xdc: {  	_ =	swait.ge @!p0 [sflag:s0], s1  }
0xdd: {  	s1 =	ssub.s32 @!p0 $0x0, s1;
	[sflag:s0] =	ssyncset.done @!p0 $0x0  }
0xde: {  	[sflag:s0] =	ssyncadd.s32 @!p0 s1  }
0xdf: {  	[bflag:$0x3] =	sbarrier.arrive $0xFFFF  }
0xe0: {  	_ =	shalt  }

</sc_bundles>
